<compile_context>
chip_gen: v7x
topology: tpu7x:2x2x1
jax: 0.10.2.dev20260603
libtpu: 0.0.44.dev20260713+nightly
codegen_flags: <defaults>
</compile_context>

<pallas_src>
import functools

import jax
import jax.numpy as jnp
from jax import lax
from jax.experimental import pallas as pl
from jax.experimental.pallas import tpu as pltpu
from jax.experimental.pallas import tpu_sc as plsc

_N = 10000
_E = 320000
_D = 128
_NC = 2
_NS = 16
_NW = _NC * _NS
_EPT = _E // _NW
_K = 80
_NCHUNK = _EPT // _K
_NP = 10240
_RPT = _NP // _NS
_ZR = 8


def _matmul_body(f_ref, w0, b0, w1, b1, w2, b2, o0, o1, o2):
    f = f_ref[...]
    o0[...] = jnp.dot(f, w0[...], preferred_element_type=jnp.float32) + b0[...]
    o1[...] = jnp.dot(f, w1[...], preferred_element_type=jnp.float32) + b1[...]
    o2[...] = jnp.dot(f, w2[...], preferred_element_type=jnp.float32) + b2[...]


def _matmul(features, W0, b0, W1, b1, W2, b2):
    BM = 2000
    grid = (_N // BM,)
    wspec = pl.BlockSpec((_D, _D), lambda i: (0, 0))
    bspec = pl.BlockSpec((1, _D), lambda i: (0, 0))
    fspec = pl.BlockSpec((BM, _D), lambda i: (i, 0))
    return pl.pallas_call(
        _matmul_body,
        grid=grid,
        in_specs=[fspec, wspec, bspec, wspec, bspec, wspec, bspec],
        out_specs=[fspec, fspec, fspec],
        out_shape=[jax.ShapeDtypeStruct((_N, _D), jnp.float32)] * 3,
    )(features, W0, b0.reshape(1, _D), W1, b1.reshape(1, _D), W2, b2.reshape(1, _D))


def _agg_body(src0, dst0, src1, dst1, src2, dst2, wh0, wh1, wh2,
              psum,
              acc, idx_s0, idx_s1, idx_d0, idx_d1, rows0, rows1, ztmp,
              sem0, sem1, isem0, isem1):
    c = lax.axis_index("c")
    s = lax.axis_index("s")
    wid = c * _NS + s
    base_r = s * _RPT
    ebase = wid * _EPT
    idx_s = (idx_s0, idx_s1)
    idx_d = (idx_d0, idx_d1)
    rows = (rows0, rows1)
    gsem = (sem0, sem1)
    isem = (isem0, isem1)

    def _fill_z(r, carry):
        for j in range(_D // 16):
            ztmp[r, pl.ds(16 * j, 16)] = jnp.zeros((16,), jnp.float32)
        return carry

    lax.fori_loop(0, _ZR, _fill_z, 0)

    def _fill_ones(r, carry):
        for j in range(_D // 16):
            rows1[r, pl.ds(16 * j, 16)] = jnp.ones((16,), jnp.float32)
        return carry

    passes = ((src0, dst0, wh0, True), (src1, dst1, wh1, True),
              (src2, dst2, wh2, True), (src0, dst0, wh0, False),
              (src1, dst1, wh1, False), (src2, dst2, wh2, False))
    for p, (src_ref, dst_ref, wh_ref, is_sum) in enumerate(passes):
        if p == 3:
            lax.fori_loop(0, _K, _fill_ones, 0)

        def _zero(t, carry):
            r0 = pl.multiple_of(base_r + t * _ZR, 8)
            pltpu.sync_copy(ztmp, acc.at[pl.ds(r0, _ZR)])
            return carry

        lax.fori_loop(0, _RPT // _ZR, _zero, 0)
        plsc.subcore_barrier()

        if is_sum:
            for b in range(2):
                off = ebase + b * _K
                pltpu.sync_copy(src_ref.at[pl.ds(off, _K)], idx_s[b])
                pltpu.sync_copy(dst_ref.at[pl.ds(off, _K)], idx_d[b])
                pltpu.async_copy(wh_ref.at[idx_s[b]], rows[b], gsem[b])

            def _pair(jj, carry):
                for b in range(2):
                    pltpu.make_async_copy(wh_ref.at[pl.ds(0, _K)], rows[b],
                                          gsem[b]).wait()
                    pltpu.sync_copy(rows[b], acc.at[idx_d[b]], add=True)
                    off = ebase + (2 * jj + b) * _K
                    pltpu.async_copy(src_ref.at[pl.ds(off, _K)], idx_s[b],
                                     isem[b])
                    pltpu.async_copy(dst_ref.at[pl.ds(off, _K)], idx_d[b],
                                     isem[b])
                for b in range(2):
                    pltpu.make_async_copy(src_ref.at[pl.ds(0, _K)], idx_s[b],
                                          isem[b]).wait()
                    pltpu.make_async_copy(dst_ref.at[pl.ds(0, _K)], idx_d[b],
                                          isem[b]).wait()
                    pltpu.async_copy(wh_ref.at[idx_s[b]], rows[b], gsem[b])
                return carry

            lax.fori_loop(1, (_NCHUNK - 1) // 2, _pair, 0)
            for b in range(2):
                pltpu.make_async_copy(wh_ref.at[pl.ds(0, _K)], rows[b],
                                      gsem[b]).wait()
                pltpu.sync_copy(rows[b], acc.at[idx_d[b]], add=True)
            off = ebase + (_NCHUNK - 1) * _K
            pltpu.sync_copy(src_ref.at[pl.ds(off, _K)], idx_s0)
            pltpu.sync_copy(dst_ref.at[pl.ds(off, _K)], idx_d0)
            pltpu.async_copy(wh_ref.at[idx_s0], rows0, sem0).wait()
            pltpu.sync_copy(rows0, acc.at[idx_d0], add=True)
        else:
            for b in range(2):
                off = ebase + b * _K
                pltpu.async_copy(dst_ref.at[pl.ds(off, _K)], idx_d[b], gsem[b])

            def _chunk(jj, carry):
                for b in range(2):
                    pltpu.make_async_copy(dst_ref.at[pl.ds(0, _K)], idx_d[b],
                                          gsem[b]).wait()
                    pltpu.sync_copy(rows1, acc.at[idx_d[b]], add=True)
                    off = ebase + (2 * jj + b) * _K
                    pltpu.async_copy(dst_ref.at[pl.ds(off, _K)], idx_d[b],
                                     gsem[b])
                return carry

            lax.fori_loop(1, (_NCHUNK - 1) // 2, _chunk, 0)
            for b in range(2):
                pltpu.make_async_copy(dst_ref.at[pl.ds(0, _K)], idx_d[b],
                                      gsem[b]).wait()
                pltpu.sync_copy(rows1, acc.at[idx_d[b]], add=True)
            off = ebase + (_NCHUNK - 1) * _K
            pltpu.sync_copy(dst_ref.at[pl.ds(off, _K)], idx_d0)
            pltpu.sync_copy(rows1, acc.at[idx_d0], add=True)
        plsc.subcore_barrier()

        def _drain(t, carry):
            r0 = pl.multiple_of(base_r + t * _K, 8)
            pltpu.sync_copy(acc.at[pl.ds(r0, _K)], rows0)
            pltpu.sync_copy(rows0, psum.at[p, c, pl.ds(r0, _K)])
            return carry

        lax.fori_loop(0, _RPT // _K, _drain, 0)


@functools.partial(jax.jit, static_argnums=())
def _agg(src0, dst0, src1, dst1, src2, dst2, wh0, wh1, wh2):
    mesh = plsc.VectorSubcoreMesh(core_axis_name="c", subcore_axis_name="s",
                                  num_cores=_NC, num_subcores=_NS)
    kern = pl.kernel(
        _agg_body,
        out_type=jax.ShapeDtypeStruct((6, _NC, _NP, _D), jnp.float32),
        mesh=mesh,
        scratch_types=[
            pltpu.VMEM_SHARED((_NP, _D), jnp.float32),
            pltpu.VMEM((_K,), jnp.int32),
            pltpu.VMEM((_K,), jnp.int32),
            pltpu.VMEM((_K,), jnp.int32),
            pltpu.VMEM((_K,), jnp.int32),
            pltpu.VMEM((_K, _D), jnp.float32),
            pltpu.VMEM((_K, _D), jnp.float32),
            pltpu.VMEM((_ZR, _D), jnp.float32),
            pltpu.SemaphoreType.DMA,
            pltpu.SemaphoreType.DMA,
            pltpu.SemaphoreType.DMA,
            pltpu.SemaphoreType.DMA,
        ],
    )
    return kern(src0, dst0, src1, dst1, src2, dst2, wh0, wh1, wh2)


def _combine_body(ps_ref, o_ref):
    acc = jnp.zeros(o_ref.shape, jnp.float32)
    for e in range(3):
        sm = ps_ref[e, 0] + ps_ref[e, 1]
        cn = ps_ref[3 + e, 0, :, 0:1] + ps_ref[3 + e, 1, :, 0:1]
        acc = acc + sm / jnp.maximum(cn, 1.0)
    o_ref[...] = jnp.maximum(acc, 0.0)


def _combine(psum):
    BM = 1000
    grid = (_N // BM,)
    return pl.pallas_call(
        _combine_body,
        grid=grid,
        in_specs=[pl.BlockSpec((6, _NC, BM, _D), lambda i: (0, 0, i, 0))],
        out_specs=pl.BlockSpec((BM, _D), lambda i: (i, 0)),
        out_shape=jax.ShapeDtypeStruct((_N, _D), jnp.float32),
    )(psum)


def kernel(features, edge_index_e0, edge_index_e1, edge_index_e2,
           W_e0, b_e0, W_e1, b_e1, W_e2, b_e2):
    wh0, wh1, wh2 = _matmul(features, W_e0, b_e0, W_e1, b_e1, W_e2, b_e2)
    psum = _agg(edge_index_e0[0], edge_index_e0[1],
                edge_index_e1[0], edge_index_e1[1],
                edge_index_e2[0], edge_index_e2[1],
                wh0, wh1, wh2)
    return _combine(psum)

# --- scband reference (transcript-rebuilt; emitter-appended) ---
"""Pipeline reference for scband-hetero-rgcnlayer-15994458210645 (READ-ONLY COPY).

The authoritative reference and input builder live on the scoring server;
editing this copy changes nothing except your own understanding.
"""

import jax, jax.numpy as jnp
import numpy as np

N = 10000
E = 320000
D = 128
ETYPES = ["e0", "e1", "e2"]


def setup_inputs(seed: int = 0) -> dict:
    key = jax.random.key(seed)
    ks = jax.random.split(key, 16)
    inp = {}
    inp["features"] = jax.random.normal(ks[0], (N, D), dtype=jnp.float32)
    for i, name in enumerate(ETYPES):
        inp[f"edge_index_{name}"] = jax.random.randint(ks[1 + i], (2, E), 0, N, dtype=jnp.int32)
    scale = 1.0 / np.sqrt(D)
    for i, name in enumerate(ETYPES):
        inp[f"W_{name}"] = jax.random.normal(ks[4 + 2 * i], (D, D), dtype=jnp.float32) * scale
        inp[f"b_{name}"] = jax.random.normal(ks[5 + 2 * i], (D,), dtype=jnp.float32) * 0.01
    return inp


def _etype_mean_agg(features, W, b, edge_index):
    # Wh = Linear(features) for this etype
    Wh = features @ W + b
    src = edge_index[0]
    dst = edge_index[1]
    # copy_u: gather source-node transformed features along edges
    msgs = jnp.take(Wh, src, axis=0)
    # mean('m','h'): per-destination mean aggregation
    seg_sum = jax.ops.segment_sum(msgs, dst, num_segments=N)
    cnt = jax.ops.segment_sum(jnp.ones((msgs.shape[0], 1), dtype=msgs.dtype), dst, num_segments=N)
    return seg_sum / jnp.maximum(cnt, 1.0)


def reference(features, edge_index_e0, edge_index_e1, edge_index_e2,
              W_e0, b_e0, W_e1, b_e1, W_e2, b_e2):
    # multi_update_all(funcs, 'sum'): sum of per-etype mean aggregations
    h = _etype_mean_agg(features, W_e0, b_e0, edge_index_e0)
    h = h + _etype_mean_agg(features, W_e1, b_e1, edge_index_e1)
    h = h + _etype_mean_agg(features, W_e2, b_e2, edge_index_e2)
    return jax.nn.relu(h)

if __name__ == "__main__":
    import jax
    _d = setup_inputs()
    print(jax.jit(kernel)(*tuple(_d.values())))

</pallas_src>

<mosaic_0001>
#map = affine_map<(d0, d1) -> (0)>
#map1 = affine_map<(d0, d1) -> (0, 0)>
#map2 = affine_map<(d0, d1) -> (0, 0, 0, 0)>
module attributes {stable_mosaic.version = 14 : i64} {
  func.func @_agg_body(%arg0: i32, %arg1: i32, %arg2: memref<320000xi32, #tpu.memory_space<hbm>>, %arg3: memref<320000xi32, #tpu.memory_space<hbm>>, %arg4: memref<320000xi32, #tpu.memory_space<hbm>>, %arg5: memref<320000xi32, #tpu.memory_space<hbm>>, %arg6: memref<320000xi32, #tpu.memory_space<hbm>>, %arg7: memref<320000xi32, #tpu.memory_space<hbm>>, %arg8: memref<10000x128xf32, #tpu.memory_space<hbm>>, %arg9: memref<10000x128xf32, #tpu.memory_space<hbm>>, %arg10: memref<10000x128xf32, #tpu.memory_space<hbm>>, %arg11: memref<6x2x10240x128xf32, #tpu.memory_space<hbm>>, %arg12: memref<10240x128xf32, #tpu.memory_space<vmem_shared>>, %arg13: memref<80xi32, #tpu.memory_space<vmem>>, %arg14: memref<80xi32, #tpu.memory_space<vmem>>, %arg15: memref<80xi32, #tpu.memory_space<vmem>>, %arg16: memref<80xi32, #tpu.memory_space<vmem>>, %arg17: memref<80x128xf32, #tpu.memory_space<vmem>>, %arg18: memref<80x128xf32, #tpu.memory_space<vmem>>, %arg19: memref<8x128xf32, #tpu.memory_space<vmem>>, %arg20: memref<!tpu.dma_semaphore, #tpu.memory_space<semaphore_mem>>, %arg21: memref<!tpu.dma_semaphore, #tpu.memory_space<semaphore_mem>>, %arg22: memref<!tpu.dma_semaphore, #tpu.memory_space<semaphore_mem>>, %arg23: memref<!tpu.dma_semaphore, #tpu.memory_space<semaphore_mem>>) attributes {dimension_semantics = [#tpu.dimension_semantics<core_parallel>, #tpu.dimension_semantics<subcore_parallel>], iteration_bounds = array<i64: 2, 16>, scalar_prefetch = 0 : i64, scratch_operands = 12 : i64, tpu.core_type = #tpu.core_type<sc_vector_subcore>, window_params = [{transform_indices = #map}, {transform_indices = #map}, {transform_indices = #map}, {transform_indices = #map}, {transform_indices = #map}, {transform_indices = #map}, {transform_indices = #map1}, {transform_indices = #map1}, {transform_indices = #map1}, {transform_indices = #map2}]} {
    %mul3A = arith.constant 16 : i32
    %mul3A_0 = arith.muli %arg0, %mul3A : i32
    %add3A = arith.addi %mul3A_0, %arg1 : i32
    %mul3A_1 = arith.constant 640 : i32
    %mul3A_2 = arith.muli %arg1, %mul3A_1 : i32
    %mul3A_3 = arith.constant 10000 : i32
    %mul3A_4 = arith.muli %add3A, %mul3A_3 : i32
    %scan3A = arith.constant 0 : i32
    %scan3A_5 = arith.constant 0 : i32
    %scan3A_6 = arith.constant 8 : i32
    %scan3A_7 = arith.addi %scan3A_5, %scan3A_6 : i32
    %scan3A_8 = arith.constant 1 : i32
    scf.for %scan3A_277 = %scan3A_5 to %scan3A_7 step %scan3A_8  : i32 {
      %broadcast_in_dim3A = arith.constant 0.000000e+00 : f32
      %broadcast_in_dim3A_278 = vector.broadcast %broadcast_in_dim3A : f32 to vector<16xf32>
      %swap3A = arith.index_cast %scan3A_277 : i32 to index
      %swap3A_279 = arith.constant 0 : index
      %swap3A_280 = tpu.vector_load %arg19[%swap3A, %swap3A_279] {strides = array<i32>} : memref<8x128xf32, #tpu.memory_space<vmem>>, vector<1x16xf32>,
      %swap3A_281 = vector.shape_cast %swap3A_280 : vector<1x16xf32> to vector<16xf32>
      %swap3A_282 = vector.shape_cast %broadcast_in_dim3A_278 : vector<16xf32> to vector<1x16xf32>
      tpu.vector_store %arg19[%swap3A, %swap3A_279], %swap3A_282 {strides = array<i32>} : memref<8x128xf32, #tpu.memory_space<vmem>>, vector<1x16xf32>,
      %broadcast_in_dim3A_283 = arith.constant 0.000000e+00 : f32
      %broadcast_in_dim3A_284 = vector.broadcast %broadcast_in_dim3A_283 : f32 to vector<16xf32>
      %swap3A_285 = arith.index_cast %scan3A_277 : i32 to index
      %swap3A_286 = arith.constant 16 : index
      %swap3A_287 = tpu.vector_load %arg19[%swap3A_285, %swap3A_286] {strides = array<i32>} : memref<8x128xf32, #tpu.memory_space<vmem>>, vector<1x16xf32>,
      %swap3A_288 = vector.shape_cast %swap3A_287 : vector<1x16xf32> to vector<16xf32>
      %swap3A_289 = vector.shape_cast %broadcast_in_dim3A_284 : vector<16xf32> to vector<1x16xf32>
      tpu.vector_store %arg19[%swap3A_285, %swap3A_286], %swap3A_289 {strides = array<i32>} : memref<8x128xf32, #tpu.memory_space<vmem>>, vector<1x16xf32>,
      %broadcast_in_dim3A_290 = arith.constant 0.000000e+00 : f32
      %broadcast_in_dim3A_291 = vector.broadcast %broadcast_in_dim3A_290 : f32 to vector<16xf32>
      %swap3A_292 = arith.index_cast %scan3A_277 : i32 to index
      %swap3A_293 = arith.constant 32 : index
      %swap3A_294 = tpu.vector_load %arg19[%swap3A_292, %swap3A_293] {strides = array<i32>} : memref<8x128xf32, #tpu.memory_space<vmem>>, vector<1x16xf32>,
      %swap3A_295 = vector.shape_cast %swap3A_294 : vector<1x16xf32> to vector<16xf32>
      %swap3A_296 = vector.shape_cast %broadcast_in_dim3A_291 : vector<16xf32> to vector<1x16xf32>
      tpu.vector_store %arg19[%swap3A_292, %swap3A_293], %swap3A_296 {strides = array<i32>} : memref<8x128xf32, #tpu.memory_space<vmem>>, vector<1x16xf32>,
      %broadcast_in_dim3A_297 = arith.constant 0.000000e+00 : f32
      %broadcast_in_dim3A_298 = vector.broadcast %broadcast_in_dim3A_297 : f32 to vector<16xf32>
      %swap3A_299 = arith.index_cast %scan3A_277 : i32 to index
      %swap3A_300 = arith.constant 48 : index
      %swap3A_301 = tpu.vector_load %arg19[%swap3A_299, %swap3A_300] {strides = array<i32>} : memref<8x128xf32, #tpu.memory_space<vmem>>, vector<1x16xf32>,
      %swap3A_302 = vector.shape_cast %swap3A_301 : vector<1x16xf32> to vector<16xf32>
      %swap3A_303 = vector.shape_cast %broadcast_in_dim3A_298 : vector<16xf32> to vector<1x16xf32>
      tpu.vector_store %arg19[%swap3A_299, %swap3A_300], %swap3A_303 {strides = array<i32>} : memref<8x128xf32, #tpu.memory_space<vmem>>, vector<1x16xf32>,
      %broadcast_in_dim3A_304 = arith.constant 0.000000e+00 : f32
      %broadcast_in_dim3A_305 = vector.broadcast %broadcast_in_dim3A_304 : f32 to vector<16xf32>
      %swap3A_306 = arith.index_cast %scan3A_277 : i32 to index
      %swap3A_307 = arith.constant 64 : index
      %swap3A_308 = tpu.vector_load %arg19[%swap3A_306, %swap3A_307] {strides = array<i32>} : memref<8x128xf32, #tpu.memory_space<vmem>>, vector<1x16xf32>,
      %swap3A_309 = vector.shape_cast %swap3A_308 : vector<1x16xf32> to vector<16xf32>
      %swap3A_310 = vector.shape_cast %broadcast_in_dim3A_305 : vector<16xf32> to vector<1x16xf32>
      tpu.vector_store %arg19[%swap3A_306, %swap3A_307], %swap3A_310 {strides = array<i32>} : memref<8x128xf32, #tpu.memory_space<vmem>>, vector<1x16xf32>,
      %broadcast_in_dim3A_311 = arith.constant 0.000000e+00 : f32
      %broadcast_in_dim3A_312 = vector.broadcast %broadcast_in_dim3A_311 : f32 to vector<16xf32>
      %swap3A_313 = arith.index_cast %scan3A_277 : i32 to index
      %swap3A_314 = arith.constant 80 : index
      %swap3A_315 = tpu.vector_load %arg19[%swap3A_313, %swap3A_314] {strides = array<i32>} : memref<8x128xf32, #tpu.memory_space<vmem>>, vector<1x16xf32>,
      %swap3A_316 = vector.shape_cast %swap3A_315 : vector<1x16xf32> to vector<16xf32>
      %swap3A_317 = vector.shape_cast %broadcast_in_dim3A_312 : vector<16xf32> to vector<1x16xf32>
      tpu.vector_store %arg19[%swap3A_313, %swap3A_314], %swap3A_317 {strides = array<i32>} : memref<8x128xf32, #tpu.memory_space<vmem>>, vector<1x16xf32>,
      %broadcast_in_dim3A_318 = arith.constant 0.000000e+00 : f32
      %broadcast_in_dim3A_319 = vector.broadcast %broadcast_in_dim3A_318 : f32 to vector<16xf32>
      %swap3A_320 = arith.index_cast %scan3A_277 : i32 to index
      %swap3A_321 = arith.constant 96 : index
      %swap3A_322 = tpu.vector_load %arg19[%swap3A_320, %swap3A_321] {strides = array<i32>} : memref<8x128xf32, #tpu.memory_space<vmem>>, vector<1x16xf32>,
      %swap3A_323 = vector.shape_cast %swap3A_322 : vector<1x16xf32> to vector<16xf32>
      %swap3A_324 = vector.shape_cast %broadcast_in_dim3A_319 : vector<16xf32> to vector<1x16xf32>
      tpu.vector_store %arg19[%swap3A_320, %swap3A_321], %swap3A_324 {strides = array<i32>} : memref<8x128xf32, #tpu.memory_space<vmem>>, vector<1x16xf32>,
      %broadcast_in_dim3A_325 = arith.constant 0.000000e+00 : f32
      %broadcast_in_dim3A_326 = vector.broadcast %broadcast_in_dim3A_325 : f32 to vector<16xf32>
      %swap3A_327 = arith.index_cast %scan3A_277 : i32 to index
      %swap3A_328 = arith.constant 112 : index
      %swap3A_329 = tpu.vector_load %arg19[%swap3A_327, %swap3A_328] {strides = array<i32>} : memref<8x128xf32, #tpu.memory_space<vmem>>, vector<1x16xf32>,
      %swap3A_330 = vector.shape_cast %swap3A_329 : vector<1x16xf32> to vector<16xf32>
      %swap3A_331 = vector.shape_cast %broadcast_in_dim3A_326 : vector<16xf32> to vector<1x16xf32>
      tpu.vector_store %arg19[%swap3A_327, %swap3A_328], %swap3A_331 {strides = array<i32>} : memref<8x128xf32, #tpu.memory_space<vmem>>, vector<1x16xf32>,
    }
    %scan3A_9 = arith.constant 8 : i32
    %scan3A_10 = arith.constant 0 : i32
    %scan3A_11 = arith.constant 0 : i32
    %scan3A_12 = arith.constant 80 : i32
    %scan3A_13 = arith.addi %scan3A_11, %scan3A_12 : i32
    %scan3A_14 = arith.constant 1 : i32
    scf.for %scan3A_277 = %scan3A_11 to %scan3A_13 step %scan3A_14  : i32 {
      %mul3A_278 = arith.constant 8 : i32
      %mul3A_279 = arith.muli %scan3A_277, %mul3A_278 : i32
      %add3A_280 = arith.addi %mul3A_2, %mul3A_279 : i32
      %multiple_of3A = tpu.assume_multiple %add3A_280, 8 : i32
      "tpu.region"() ({
        %run_scoped3A = tpu.sem_alloc : memref<!tpu.dma_semaphore, #tpu.memory_space<semaphore_mem>>
        %dma_start3A_281 = arith.constant 0 : i32
        %dma_start3A_282 = tpu.memref_slice %arg12[%multiple_of3A, %dma_start3A_281] : memref<10240x128xf32, #tpu.memory_space<vmem_shared>> -> memref<8x128xf32, #tpu.memory_space<vmem_shared>>
        %dma_start3A_283 = arith.constant 0 : i32
        %dma_start3A_284 = tpu.memref_slice %arg12[%multiple_of3A, %dma_start3A_283] : memref<10240x128xf32, #tpu.memory_space<vmem_shared>> -> memref<8x128xf32, #tpu.memory_space<vmem_shared>>
        tpu.enqueue_dma source(%arg19 : memref<8x128xf32, #tpu.memory_space<vmem>>) target(%dma_start3A_284 : memref<8x128xf32, #tpu.memory_space<vmem_shared>>) target_semaphore(%run_scoped3A : memref<!tpu.dma_semaphore, #tpu.memory_space<semaphore_mem>>)
        %dma_wait3A_285 = arith.constant 0 : i32
        %dma_wait3A_286 = tpu.memref_slice %arg12[%multiple_of3A, %dma_wait3A_285] : memref<10240x128xf32, #tpu.memory_space<vmem_shared>> -> memref<8x128xf32, #tpu.memory_space<vmem_shared>>
        %dma_wait3A_287 = arith.constant 0 : i32
        %dma_wait3A_288 = tpu.memref_slice %arg12[%multiple_of3A, %dma_wait3A_287] : memref<10240x128xf32, #tpu.memory_space<vmem_shared>> -> memref<8x128xf32, #tpu.memory_space<vmem_shared>>
        tpu.wait_dma2 semaphore(%run_scoped3A : memref<!tpu.dma_semaphore, #tpu.memory_space<semaphore_mem>>) src(%arg19 : memref<8x128xf32, #tpu.memory_space<vmem>>) dst(%dma_wait3A_288 : memref<8x128xf32, #tpu.memory_space<vmem_shared>>)
        tpu.yield
      }) : () -> ()
    }
    %scan3A_15 = arith.constant 80 : i32
    %barrier3A = arith.constant 0 : index
    tpu.barrier barrier_id(%barrier3A)
    %add3A_16 = arith.constant 0 : i32
    %add3A_17 = arith.addi %mul3A_4, %add3A_16 : i32
    "tpu.region"() ({
      %run_scoped3A = tpu.sem_alloc : memref<!tpu.dma_semaphore, #tpu.memory_space<semaphore_mem>>
      %dma_start3A_277 = tpu.memref_slice %arg2[%add3A_17] : memref<320000xi32, #tpu.memory_space<hbm>> -> memref<80xi32, #tpu.memory_space<hbm>>
      %dma_start3A_278 = tpu.memref_slice %arg2[%add3A_17] : memref<320000xi32, #tpu.memory_space<hbm>> -> memref<80xi32, #tpu.memory_space<hbm>>
      tpu.enqueue_dma source(%dma_start3A_278 : memref<80xi32, #tpu.memory_space<hbm>>) target(%arg13 : memref<80xi32, #tpu.memory_space<vmem>>) target_semaphore(%run_scoped3A : memref<!tpu.dma_semaphore, #tpu.memory_space<semaphore_mem>>)
      %dma_wait3A_279 = tpu.memref_slice %arg2[%add3A_17] : memref<320000xi32, #tpu.memory_space<hbm>> -> memref<80xi32, #tpu.memory_space<hbm>>
      %dma_wait3A_280 = tpu.memref_slice %arg2[%add3A_17] : memref<320000xi32, #tpu.memory_space<hbm>> -> memref<80xi32, #tpu.memory_space<hbm>>
      tpu.wait_dma2 semaphore(%run_scoped3A : memref<!tpu.dma_semaphore, #tpu.memory_space<semaphore_mem>>) src(%dma_wait3A_280 : memref<80xi32, #tpu.memory_space<hbm>>) dst(%arg13 : memref<80xi32, #tpu.memory_space<vmem>>)
      tpu.yield
    }) : () -> ()
    "tpu.region"() ({
      %run_scoped3A = tpu.sem_alloc : memref<!tpu.dma_semaphore, #tpu.memory_space<semaphore_mem>>
      %dma_start3A_277 = tpu.memref_slice %arg3[%add3A_17] : memref<320000xi32, #tpu.memory_space<hbm>> -> memref<80xi32, #tpu.memory_space<hbm>>
      %dma_start3A_278 = tpu.memref_slice %arg3[%add3A_17] : memref<320000xi32, #tpu.memory_space<hbm>> -> memref<80xi32, #tpu.memory_space<hbm>>
      tpu.enqueue_dma source(%dma_start3A_278 : memref<80xi32, #tpu.memory_space<hbm>>) target(%arg15 : memref<80xi32, #tpu.memory_space<vmem>>) target_semaphore(%run_scoped3A : memref<!tpu.dma_semaphore, #tpu.memory_space<semaphore_mem>>)
      %dma_wait3A_279 = tpu.memref_slice %arg3[%add3A_17] : memref<320000xi32, #tpu.memory_space<hbm>> -> memref<80xi32, #tpu.memory_space<hbm>>
      %dma_wait3A_280 = tpu.memref_slice %arg3[%add3A_17] : memref<320000xi32, #tpu.memory_space<hbm>> -> memref<80xi32, #tpu.memory_space<hbm>>
      tpu.wait_dma2 semaphore(%run_scoped3A : memref<!tpu.dma_semaphore, #tpu.memory_space<semaphore_mem>>) src(%dma_wait3A_280 : memref<80xi32, #tpu.memory_space<hbm>>) dst(%arg15 : memref<80xi32, #tpu.memory_space<vmem>>)
      tpu.yield
    }) : () -> ()
    %dma_start3A = arith.constant 0 : i32
    %dma_start3A_18 = arith.constant 0 : i32
    %dma_start3A_19 = tpu.memref_slice %arg8[%dma_start3A, %dma_start3A_18] : memref<10000x128xf32, #tpu.memory_space<hbm>> -> memref<10000x128xf32, #tpu.memory_space<hbm>>
    tpu.enqueue_indirect_dma source(%dma_start3A_19 : memref<10000x128xf32, #tpu.memory_space<hbm>>) target(%arg17 : memref<80x128xf32, #tpu.memory_space<vmem>>) offsets(%arg13 : memref<80xi32, #tpu.memory_space<vmem>>) semaphore(%arg20 : memref<!tpu.dma_semaphore, #tpu.memory_space<semaphore_mem>>)
    %add3A_20 = arith.constant 80 : i32
    %add3A_21 = arith.addi %mul3A_4, %add3A_20 : i32
    "tpu.region"() ({
      %run_scoped3A = tpu.sem_alloc : memref<!tpu.dma_semaphore, #tpu.memory_space<semaphore_mem>>
      %dma_start3A_277 = tpu.memref_slice %arg2[%add3A_21] : memref<320000xi32, #tpu.memory_space<hbm>> -> memref<80xi32, #tpu.memory_space<hbm>>
      %dma_start3A_278 = tpu.memref_slice %arg2[%add3A_21] : memref<320000xi32, #tpu.memory_space<hbm>> -> memref<80xi32, #tpu.memory_space<hbm>>
      tpu.enqueue_dma source(%dma_start3A_278 : memref<80xi32, #tpu.memory_space<hbm>>) target(%arg14 : memref<80xi32, #tpu.memory_space<vmem>>) target_semaphore(%run_scoped3A : memref<!tpu.dma_semaphore, #tpu.memory_space<semaphore_mem>>)
      %dma_wait3A_279 = tpu.memref_slice %arg2[%add3A_21] : memref<320000xi32, #tpu.memory_space<hbm>> -> memref<80xi32, #tpu.memory_space<hbm>>
      %dma_wait3A_280 = tpu.memref_slice %arg2[%add3A_21] : memref<320000xi32, #tpu.memory_space<hbm>> -> memref<80xi32, #tpu.memory_space<hbm>>
      tpu.wait_dma2 semaphore(%run_scoped3A : memref<!tpu.dma_semaphore, #tpu.memory_space<semaphore_mem>>) src(%dma_wait3A_280 : memref<80xi32, #tpu.memory_space<hbm>>) dst(%arg14 : memref<80xi32, #tpu.memory_space<vmem>>)
      tpu.yield
    }) : () -> ()
    "tpu.region"() ({
      %run_scoped3A = tpu.sem_alloc : memref<!tpu.dma_semaphore, #tpu.memory_space<semaphore_mem>>
      %dma_start3A_277 = tpu.memref_slice %arg3[%add3A_21] : memref<320000xi32, #tpu.memory_space<hbm>> -> memref<80xi32, #tpu.memory_space<hbm>>
      %dma_start3A_278 = tpu.memref_slice %arg3[%add3A_21] : memref<320000xi32, #tpu.memory_space<hbm>> -> memref<80xi32, #tpu.memory_space<hbm>>
      tpu.enqueue_dma source(%dma_start3A_278 : memref<80xi32, #tpu.memory_space<hbm>>) target(%arg16 : memref<80xi32, #tpu.memory_space<vmem>>) target_semaphore(%run_scoped3A : memref<!tpu.dma_semaphore, #tpu.memory_space<semaphore_mem>>)
      %dma_wait3A_279 = tpu.memref_slice %arg3[%add3A_21] : memref<320000xi32, #tpu.memory_space<hbm>> -> memref<80xi32, #tpu.memory_space<hbm>>
      %dma_wait3A_280 = tpu.memref_slice %arg3[%add3A_21] : memref<320000xi32, #tpu.memory_space<hbm>> -> memref<80xi32, #tpu.memory_space<hbm>>
      tpu.wait_dma2 semaphore(%run_scoped3A : memref<!tpu.dma_semaphore, #tpu.memory_space<semaphore_mem>>) src(%dma_wait3A_280 : memref<80xi32, #tpu.memory_space<hbm>>) dst(%arg16 : memref<80xi32, #tpu.memory_space<vmem>>)
      tpu.yield
    }) : () -> ()
    %dma_start3A_22 = arith.constant 0 : i32
    %dma_start3A_23 = arith.constant 0 : i32
    %dma_start3A_24 = tpu.memref_slice %arg8[%dma_start3A_22, %dma_start3A_23] : memref<10000x128xf32, #tpu.memory_space<hbm>> -> memref<10000x128xf32, #tpu.memory_space<hbm>>
    tpu.enqueue_indirect_dma source(%dma_start3A_24 : memref<10000x128xf32, #tpu.memory_space<hbm>>) target(%arg18 : memref<80x128xf32, #tpu.memory_space<vmem>>) offsets(%arg14 : memref<80xi32, #tpu.memory_space<vmem>>) semaphore(%arg21 : memref<!tpu.dma_semaphore, #tpu.memory_space<semaphore_mem>>)
    %scan3A_25 = arith.constant 0 : i32
    %scan3A_26 = arith.constant 1 : i32
    %scan3A_27 = arith.constant 61 : i32
    %scan3A_28 = arith.addi %scan3A_26, %scan3A_27 : i32
    %scan3A_29 = arith.constant 1 : i32
    scf.for %scan3A_277 = %scan3A_26 to %scan3A_28 step %scan3A_29  : i32 {
      %dma_wait3A_278 = arith.constant 0 : i32
      %dma_wait3A_279 = arith.constant 0 : i32
      %dma_wait3A_280 = tpu.memref_slice %arg8[%dma_wait3A_278, %dma_wait3A_279] : memref<10000x128xf32, #tpu.memory_space<hbm>> -> memref<80x128xf32, #tpu.memory_space<hbm>>
      %dma_wait3A_281 = arith.constant 0 : i32
      %dma_wait3A_282 = arith.constant 0 : i32
      %dma_wait3A_283 = tpu.memref_slice %arg8[%dma_wait3A_281, %dma_wait3A_282] : memref<10000x128xf32, #tpu.memory_space<hbm>> -> memref<80x128xf32, #tpu.memory_space<hbm>>
      tpu.wait_dma2 semaphore(%arg20 : memref<!tpu.dma_semaphore, #tpu.memory_space<semaphore_mem>>) src(%dma_wait3A_283 : memref<80x128xf32, #tpu.memory_space<hbm>>) dst(%arg17 : memref<80x128xf32, #tpu.memory_space<vmem>>)
      "tpu.region"() ({
        %run_scoped3A = tpu.sem_alloc : memref<!tpu.dma_semaphore, #tpu.memory_space<semaphore_mem>>
        %dma_start3A_334 = arith.constant 0 : i32
        %dma_start3A_335 = arith.constant 0 : i32
        %dma_start3A_336 = tpu.memref_slice %arg12[%dma_start3A_334, %dma_start3A_335] : memref<10240x128xf32, #tpu.memory_space<vmem_shared>> -> memref<10240x128xf32, #tpu.memory_space<vmem_shared>>
        tpu.enqueue_indirect_dma source(%arg17 : memref<80x128xf32, #tpu.memory_space<vmem>>) target(%dma_start3A_336 : memref<10240x128xf32, #tpu.memory_space<vmem_shared>>) offsets(%arg15 : memref<80xi32, #tpu.memory_space<vmem>>) semaphore(%run_scoped3A : memref<!tpu.dma_semaphore, #tpu.memory_space<semaphore_mem>>) {add = true}
        %dma_wait3A_337 = arith.constant 0 : i32
        %dma_wait3A_338 = arith.constant 0 : i32
        %dma_wait3A_339 = tpu.memref_slice %arg12[%dma_wait3A_337, %dma_wait3A_338] : memref<10240x128xf32, #tpu.memory_space<vmem_shared>> -> memref<10240x128xf32, #tpu.memory_space<vmem_shared>>
        tpu.wait_indirect_dma semaphore(%run_scoped3A : memref<!tpu.dma_semaphore, #tpu.memory_space<semaphore_mem>>) src(%arg17 : memref<80x128xf32, #tpu.memory_space<vmem>>) dst(%dma_wait3A_339 : memref<10240x128xf32, #tpu.memory_space<vmem_shared>>)
        tpu.yield
      }) : () -> ()
      %mul3A_284 = arith.constant 2 : i32
      %mul3A_285 = arith.muli %mul3A_284, %scan3A_277 : i32
      %add3A_286 = arith.constant 0 : i32
      %add3A_287 = arith.addi %mul3A_285, %add3A_286 : i32
      %mul3A_288 = arith.constant 80 : i32
      %mul3A_289 = arith.muli %add3A_287, %mul3A_288 : i32
      %add3A_290 = arith.addi %mul3A_4, %mul3A_289 : i32
      %dma_start3A_291 = tpu.memref_slice %arg2[%add3A_290] : memref<320000xi32, #tpu.memory_space<hbm>> -> memref<80xi32, #tpu.memory_space<hbm>>
      %dma_start3A_292 = tpu.memref_slice %arg2[%add3A_290] : memref<320000xi32, #tpu.memory_space<hbm>> -> memref<80xi32, #tpu.memory_space<hbm>>
      tpu.enqueue_dma source(%dma_start3A_292 : memref<80xi32, #tpu.memory_space<hbm>>) target(%arg13 : memref<80xi32, #tpu.memory_space<vmem>>) target_semaphore(%arg22 : memref<!tpu.dma_semaphore, #tpu.memory_space<semaphore_mem>>)
      %dma_start3A_293 = tpu.memref_slice %arg3[%add3A_290] : memref<320000xi32, #tpu.memory_space<hbm>> -> memref<80xi32, #tpu.memory_space<hbm>>
      %dma_start3A_294 = tpu.memref_slice %arg3[%add3A_290] : memref<320000xi32, #tpu.memory_space<hbm>> -> memref<80xi32, #tpu.memory_space<hbm>>
      tpu.enqueue_dma source(%dma_start3A_294 : memref<80xi32, #tpu.memory_space<hbm>>) target(%arg15 : memref<80xi32, #tpu.memory_space<vmem>>) target_semaphore(%arg22 : memref<!tpu.dma_semaphore, #tpu.memory_space<semaphore_mem>>)
      %dma_wait3A_295 = arith.constant 0 : i32
      %dma_wait3A_296 = arith.constant 0 : i32
      %dma_wait3A_297 = tpu.memref_slice %arg8[%dma_wait3A_295, %dma_wait3A_296] : memref<10000x128xf32, #tpu.memory_space<hbm>> -> memref<80x128xf32, #tpu.memory_space<hbm>>
      %dma_wait3A_298 = arith.constant 0 : i32
      %dma_wait3A_299 = arith.constant 0 : i32
      %dma_wait3A_300 = tpu.memref_slice %arg8[%dma_wait3A_298, %dma_wait3A_299] : memref<10000x128xf32, #tpu.memory_space<hbm>> -> memref<80x128xf32, #tpu.memory_space<hbm>>
      tpu.wait_dma2 semaphore(%arg21 : memref<!tpu.dma_semaphore, #tpu.memory_space<semaphore_mem>>) src(%dma_wait3A_300 : memref<80x128xf32, #tpu.memory_space<hbm>>) dst(%arg18 : memref<80x128xf32, #tpu.memory_space<vmem>>)
      "tpu.region"() ({
        %run_scoped3A = tpu.sem_alloc : memref<!tpu.dma_semaphore, #tpu.memory_space<semaphore_mem>>
        %dma_start3A_334 = arith.constant 0 : i32
        %dma_start3A_335 = arith.constant 0 : i32
        %dma_start3A_336 = tpu.memref_slice %arg12[%dma_start3A_334, %dma_start3A_335] : memref<10240x128xf32, #tpu.memory_space<vmem_shared>> -> memref<10240x128xf32, #tpu.memory_space<vmem_shared>>
        tpu.enqueue_indirect_dma source(%arg18 : memref<80x128xf32, #tpu.memory_space<vmem>>) target(%dma_start3A_336 : memref<10240x128xf32, #tpu.memory_space<vmem_shared>>) offsets(%arg16 : memref<80xi32, #tpu.memory_space<vmem>>) semaphore(%run_scoped3A : memref<!tpu.dma_semaphore, #tpu.memory_space<semaphore_mem>>) {add = true}
        %dma_wait3A_337 = arith.constant 0 : i32
        %dma_wait3A_338 = arith.constant 0 : i32
        %dma_wait3A_339 = tpu.memref_slice %arg12[%dma_wait3A_337, %dma_wait3A_338] : memref<10240x128xf32, #tpu.memory_space<vmem_shared>> -> memref<10240x128xf32, #tpu.memory_space<vmem_shared>>
        tpu.wait_indirect_dma semaphore(%run_scoped3A : memref<!tpu.dma_semaphore, #tpu.memory_space<semaphore_mem>>) src(%arg18 : memref<80x128xf32, #tpu.memory_space<vmem>>) dst(%dma_wait3A_339 : memref<10240x128xf32, #tpu.memory_space<vmem_shared>>)
        tpu.yield
      }) : () -> ()
      %mul3A_301 = arith.constant 2 : i32
      %mul3A_302 = arith.muli %mul3A_301, %scan3A_277 : i32
      %add3A_303 = arith.constant 1 : i32
      %add3A_304 = arith.addi %mul3A_302, %add3A_303 : i32
      %mul3A_305 = arith.constant 80 : i32
      %mul3A_306 = arith.muli %add3A_304, %mul3A_305 : i32
      %add3A_307 = arith.addi %mul3A_4, %mul3A_306 : i32
      %dma_start3A_308 = tpu.memref_slice %arg2[%add3A_307] : memref<320000xi32, #tpu.memory_space<hbm>> -> memref<80xi32, #tpu.memory_space<hbm>>
      %dma_start3A_309 = tpu.memref_slice %arg2[%add3A_307] : memref<320000xi32, #tpu.memory_space<hbm>> -> memref<80xi32, #tpu.memory_space<hbm>>
      tpu.enqueue_dma source(%dma_start3A_309 : memref<80xi32, #tpu.memory_space<hbm>>) target(%arg14 : memref<80xi32, #tpu.memory_space<vmem>>) target_semaphore(%arg23 : memref<!tpu.dma_semaphore, #tpu.memory_space<semaphore_mem>>)
      %dma_start3A_310 = tpu.memref_slice %arg3[%add3A_307] : memref<320000xi32, #tpu.memory_space<hbm>> -> memref<80xi32, #tpu.memory_space<hbm>>
      %dma_start3A_311 = tpu.memref_slice %arg3[%add3A_307] : memref<320000xi32, #tpu.memory_space<hbm>> -> memref<80xi32, #tpu.memory_space<hbm>>
      tpu.enqueue_dma source(%dma_start3A_311 : memref<80xi32, #tpu.memory_space<hbm>>) target(%arg16 : memref<80xi32, #tpu.memory_space<vmem>>) target_semaphore(%arg23 : memref<!tpu.dma_semaphore, #tpu.memory_space<semaphore_mem>>)
      %dma_wait3A_312 = arith.constant 0 : i32
      %dma_wait3A_313 = tpu.memref_slice %arg2[%dma_wait3A_312] : memref<320000xi32, #tpu.memory_space<hbm>> -> memref<80xi32, #tpu.memory_space<hbm>>
      %dma_wait3A_314 = arith.constant 0 : i32
      %dma_wait3A_315 = tpu.memref_slice %arg2[%dma_wait3A_314] : memref<320000xi32, #tpu.memory_space<hbm>> -> memref<80xi32, #tpu.memory_space<hbm>>
      tpu.wait_dma2 semaphore(%arg22 : memref<!tpu.dma_semaphore, #tpu.memory_space<semaphore_mem>>) src(%dma_wait3A_315 : memref<80xi32, #tpu.memory_space<hbm>>) dst(%arg13 : memref<80xi32, #tpu.memory_space<vmem>>)
      %dma_wait3A_316 = arith.constant 0 : i32
      %dma_wait3A_317 = tpu.memref_slice %arg3[%dma_wait3A_316] : memref<320000xi32, #tpu.memory_space<hbm>> -> memref<80xi32, #tpu.memory_space<hbm>>
      %dma_wait3A_318 = arith.constant 0 : i32
      %dma_wait3A_319 = tpu.memref_slice %arg3[%dma_wait3A_318] : memref<320000xi32, #tpu.memory_space<hbm>> -> memref<80xi32, #tpu.memory_space<hbm>>
      tpu.wait_dma2 semaphore(%arg22 : memref<!tpu.dma_semaphore, #tpu.memory_space<semaphore_mem>>) src(%dma_wait3A_319 : memref<80xi32, #tpu.memory_space<hbm>>) dst(%arg15 : memref<80xi32, #tpu.memory_space<vmem>>)
      %dma_start3A_320 = arith.constant 0 : i32
      %dma_start3A_321 = arith.constant 0 : i32
      %dma_start3A_322 = tpu.memref_slice %arg8[%dma_start3A_320, %dma_start3A_321] : memref<10000x128xf32, #tpu.memory_space<hbm>> -> memref<10000x128xf32, #tpu.memory_space<hbm>>
      tpu.enqueue_indirect_dma source(%dma_start3A_322 : memref<10000x128xf32, #tpu.memory_space<hbm>>) target(%arg17 : memref<80x128xf32, #tpu.memory_space<vmem>>) offsets(%arg13 : memref<80xi32, #tpu.memory_space<vmem>>) semaphore(%arg20 : memref<!tpu.dma_semaphore, #tpu.memory_space<semaphore_mem>>)
      %dma_wait3A_323 = arith.constant 0 : i32
      %dma_wait3A_324 = tpu.memref_slice %arg2[%dma_wait3A_323] : memref<320000xi32, #tpu.memory_space<hbm>> -> memref<80xi32, #tpu.memory_space<hbm>>
      %dma_wait3A_325 = arith.constant 0 : i32
      %dma_wait3A_326 = tpu.memref_slice %arg2[%dma_wait3A_325] : memref<320000xi32, #tpu.memory_space<hbm>> -> memref<80xi32, #tpu.memory_space<hbm>>
      tpu.wait_dma2 semaphore(%arg23 : memref<!tpu.dma_semaphore, #tpu.memory_space<semaphore_mem>>) src(%dma_wait3A_326 : memref<80xi32, #tpu.memory_space<hbm>>) dst(%arg14 : memref<80xi32, #tpu.memory_space<vmem>>)
      %dma_wait3A_327 = arith.constant 0 : i32
      %dma_wait3A_328 = tpu.memref_slice %arg3[%dma_wait3A_327] : memref<320000xi32, #tpu.memory_space<hbm>> -> memref<80xi32, #tpu.memory_space<hbm>>
      %dma_wait3A_329 = arith.constant 0 : i32
      %dma_wait3A_330 = tpu.memref_slice %arg3[%dma_wait3A_329] : memref<320000xi32, #tpu.memory_space<hbm>> -> memref<80xi32, #tpu.memory_space<hbm>>
      tpu.wait_dma2 semaphore(%arg23 : memref<!tpu.dma_semaphore, #tpu.memory_space<semaphore_mem>>) src(%dma_wait3A_330 : memref<80xi32, #tpu.memory_space<hbm>>) dst(%arg16 : memref<80xi32, #tpu.memory_space<vmem>>)
      %dma_start3A_331 = arith.constant 0 : i32
      %dma_start3A_332 = arith.constant 0 : i32
      %dma_start3A_333 = tpu.memref_slice %arg8[%dma_start3A_331, %dma_start3A_332] : memref<10000x128xf32, #tpu.memory_space<hbm>> -> memref<10000x128xf32, #tpu.memory_space<hbm>>
      tpu.enqueue_indirect_dma source(%dma_start3A_333 : memref<10000x128xf32, #tpu.memory_space<hbm>>) target(%arg18 : memref<80x128xf32, #tpu.memory_space<vmem>>) offsets(%arg14 : memref<80xi32, #tpu.memory_space<vmem>>) semaphore(%arg21 : memref<!tpu.dma_semaphore, #tpu.memory_space<semaphore_mem>>)
    }
    %scan3A_30 = arith.constant 61 : i32
    %dma_wait3A = arith.constant 0 : i32
    %dma_wait3A_31 = arith.constant 0 : i32
    %dma_wait3A_32 = tpu.memref_slice %arg8[%dma_wait3A, %dma_wait3A_31] : memref<10000x128xf32, #tpu.memory_space<hbm>> -> memref<80x128xf32, #tpu.memory_space<hbm>>
    %dma_wait3A_33 = arith.constant 0 : i32
    %dma_wait3A_34 = arith.constant 0 : i32
    %dma_wait3A_35 = tpu.memref_slice %arg8[%dma_wait3A_33, %dma_wait3A_34] : memref<10000x128xf32, #tpu.memory_space<hbm>> -> memref<80x128xf32, #tpu.memory_space<hbm>>
    tpu.wait_dma2 semaphore(%arg20 : memref<!tpu.dma_semaphore, #tpu.memory_space<semaphore_mem>>) src(%dma_wait3A_35 : memref<80x128xf32, #tpu.memory_space<hbm>>) dst(%arg17 : memref<80x128xf32, #tpu.memory_space<vmem>>)
    "tpu.region"() ({
      %run_scoped3A = tpu.sem_alloc : memref<!tpu.dma_semaphore, #tpu.memory_space<semaphore_mem>>
      %dma_start3A_277 = arith.constant 0 : i32
      %dma_start3A_278 = arith.constant 0 : i32
      %dma_start3A_279 = tpu.memref_slice %arg12[%dma_start3A_277, %dma_start3A_278] : memref<10240x128xf32, #tpu.memory_space<vmem_shared>> -> memref<10240x128xf32, #tpu.memory_space<vmem_shared>>
      tpu.enqueue_indirect_dma source(%arg17 : memref<80x128xf32, #tpu.memory_space<vmem>>) target(%dma_start3A_279 : memref<10240x128xf32, #tpu.memory_space<vmem_shared>>) offsets(%arg15 : memref<80xi32, #tpu.memory_space<vmem>>) semaphore(%run_scoped3A : memref<!tpu.dma_semaphore, #tpu.memory_space<semaphore_mem>>) {add = true}
      %dma_wait3A_280 = arith.constant 0 : i32
      %dma_wait3A_281 = arith.constant 0 : i32
      %dma_wait3A_282 = tpu.memref_slice %arg12[%dma_wait3A_280, %dma_wait3A_281] : memref<10240x128xf32, #tpu.memory_space<vmem_shared>> -> memref<10240x128xf32, #tpu.memory_space<vmem_shared>>
      tpu.wait_indirect_dma semaphore(%run_scoped3A : memref<!tpu.dma_semaphore, #tpu.memory_space<semaphore_mem>>) src(%arg17 : memref<80x128xf32, #tpu.memory_space<vmem>>) dst(%dma_wait3A_282 : memref<10240x128xf32, #tpu.memory_space<vmem_shared>>)
      tpu.yield
    }) : () -> ()
    %dma_wait3A_36 = arith.constant 0 : i32
    %dma_wait3A_37 = arith.constant 0 : i32
    %dma_wait3A_38 = tpu.memref_slice %arg8[%dma_wait3A_36, %dma_wait3A_37] : memref<10000x128xf32, #tpu.memory_space<hbm>> -> memref<80x128xf32, #tpu.memory_space<hbm>>
    %dma_wait3A_39 = arith.constant 0 : i32
    %dma_wait3A_40 = arith.constant 0 : i32
    %dma_wait3A_41 = tpu.memref_slice %arg8[%dma_wait3A_39, %dma_wait3A_40] : memref<10000x128xf32, #tpu.memory_space<hbm>> -> memref<80x128xf32, #tpu.memory_space<hbm>>
    tpu.wait_dma2 semaphore(%arg21 : memref<!tpu.dma_semaphore, #tpu.memory_space<semaphore_mem>>) src(%dma_wait3A_41 : memref<80x128xf32, #tpu.memory_space<hbm>>) dst(%arg18 : memref<80x128xf32, #tpu.memory_space<vmem>>)
    "tpu.region"() ({
      %run_scoped3A = tpu.sem_alloc : memref<!tpu.dma_semaphore, #tpu.memory_space<semaphore_mem>>
      %dma_start3A_277 = arith.constant 0 : i32
      %dma_start3A_278 = arith.constant 0 : i32
      %dma_start3A_279 = tpu.memref_slice %arg12[%dma_start3A_277, %dma_start3A_278] : memref<10240x128xf32, #tpu.memory_space<vmem_shared>> -> memref<10240x128xf32, #tpu.memory_space<vmem_shared>>
      tpu.enqueue_indirect_dma source(%arg18 : memref<80x128xf32, #tpu.memory_space<vmem>>) target(%dma_start3A_279 : memref<10240x128xf32, #tpu.memory_space<vmem_shared>>) offsets(%arg16 : memref<80xi32, #tpu.memory_space<vmem>>) semaphore(%run_scoped3A : memref<!tpu.dma_semaphore, #tpu.memory_space<semaphore_mem>>) {add = true}
      %dma_wait3A_280 = arith.constant 0 : i32
      %dma_wait3A_281 = arith.constant 0 : i32
      %dma_wait3A_282 = tpu.memref_slice %arg12[%dma_wait3A_280, %dma_wait3A_281] : memref<10240x128xf32, #tpu.memory_space<vmem_shared>> -> memref<10240x128xf32, #tpu.memory_space<vmem_shared>>
      tpu.wait_indirect_dma semaphore(%run_scoped3A : memref<!tpu.dma_semaphore, #tpu.memory_space<semaphore_mem>>) src(%arg18 : memref<80x128xf32, #tpu.memory_space<vmem>>) dst(%dma_wait3A_282 : memref<10240x128xf32, #tpu.memory_space<vmem_shared>>)
      tpu.yield
    }) : () -> ()
    %add3A_42 = arith.constant 9920 : i32
    %add3A_43 = arith.addi %mul3A_4, %add3A_42 : i32
    "tpu.region"() ({
      %run_scoped3A = tpu.sem_alloc : memref<!tpu.dma_semaphore, #tpu.memory_space<semaphore_mem>>
      %dma_start3A_277 = tpu.memref_slice %arg2[%add3A_43] : memref<320000xi32, #tpu.memory_space<hbm>> -> memref<80xi32, #tpu.memory_space<hbm>>
      %dma_start3A_278 = tpu.memref_slice %arg2[%add3A_43] : memref<320000xi32, #tpu.memory_space<hbm>> -> memref<80xi32, #tpu.memory_space<hbm>>
      tpu.enqueue_dma source(%dma_start3A_278 : memref<80xi32, #tpu.memory_space<hbm>>) target(%arg13 : memref<80xi32, #tpu.memory_space<vmem>>) target_semaphore(%run_scoped3A : memref<!tpu.dma_semaphore, #tpu.memory_space<semaphore_mem>>)
      %dma_wait3A_279 = tpu.memref_slice %arg2[%add3A_43] : memref<320000xi32, #tpu.memory_space<hbm>> -> memref<80xi32, #tpu.memory_space<hbm>>
      %dma_wait3A_280 = tpu.memref_slice %arg2[%add3A_43] : memref<320000xi32, #tpu.memory_space<hbm>> -> memref<80xi32, #tpu.memory_space<hbm>>
      tpu.wait_dma2 semaphore(%run_scoped3A : memref<!tpu.dma_semaphore, #tpu.memory_space<semaphore_mem>>) src(%dma_wait3A_280 : memref<80xi32, #tpu.memory_space<hbm>>) dst(%arg13 : memref<80xi32, #tpu.memory_space<vmem>>)
      tpu.yield
    }) : () -> ()
    "tpu.region"() ({
      %run_scoped3A = tpu.sem_alloc : memref<!tpu.dma_semaphore, #tpu.memory_space<semaphore_mem>>
      %dma_start3A_277 = tpu.memref_slice %arg3[%add3A_43] : memref<320000xi32, #tpu.memory_space<hbm>> -> memref<80xi32, #tpu.memory_space<hbm>>
      %dma_start3A_278 = tpu.memref_slice %arg3[%add3A_43] : memref<320000xi32, #tpu.memory_space<hbm>> -> memref<80xi32, #tpu.memory_space<hbm>>
      tpu.enqueue_dma source(%dma_start3A_278 : memref<80xi32, #tpu.memory_space<hbm>>) target(%arg15 : memref<80xi32, #tpu.memory_space<vmem>>) target_semaphore(%run_scoped3A : memref<!tpu.dma_semaphore, #tpu.memory_space<semaphore_mem>>)
      %dma_wait3A_279 = tpu.memref_slice %arg3[%add3A_43] : memref<320000xi32, #tpu.memory_space<hbm>> -> memref<80xi32, #tpu.memory_space<hbm>>
      %dma_wait3A_280 = tpu.memref_slice %arg3[%add3A_43] : memref<320000xi32, #tpu.memory_space<hbm>> -> memref<80xi32, #tpu.memory_space<hbm>>
      tpu.wait_dma2 semaphore(%run_scoped3A : memref<!tpu.dma_semaphore, #tpu.memory_space<semaphore_mem>>) src(%dma_wait3A_280 : memref<80xi32, #tpu.memory_space<hbm>>) dst(%arg15 : memref<80xi32, #tpu.memory_space<vmem>>)
      tpu.yield
    }) : () -> ()
    %dma_start3A_44 = arith.constant 0 : i32
    %dma_start3A_45 = arith.constant 0 : i32
    %dma_start3A_46 = tpu.memref_slice %arg8[%dma_start3A_44, %dma_start3A_45] : memref<10000x128xf32, #tpu.memory_space<hbm>> -> memref<10000x128xf32, #tpu.memory_space<hbm>>
    tpu.enqueue_indirect_dma source(%dma_start3A_46 : memref<10000x128xf32, #tpu.memory_space<hbm>>) target(%arg17 : memref<80x128xf32, #tpu.memory_space<vmem>>) offsets(%arg13 : memref<80xi32, #tpu.memory_space<vmem>>) semaphore(%arg20 : memref<!tpu.dma_semaphore, #tpu.memory_space<semaphore_mem>>)
    %dma_wait3A_47 = arith.constant 0 : i32
    %dma_wait3A_48 = arith.constant 0 : i32
    %dma_wait3A_49 = tpu.memref_slice %arg8[%dma_wait3A_47, %dma_wait3A_48] : memref<10000x128xf32, #tpu.memory_space<hbm>> -> memref<10000x128xf32, #tpu.memory_space<hbm>>
    tpu.wait_indirect_dma semaphore(%arg20 : memref<!tpu.dma_semaphore, #tpu.memory_space<semaphore_mem>>) src(%dma_wait3A_49 : memref<10000x128xf32, #tpu.memory_space<hbm>>) dst(%arg17 : memref<80x128xf32, #tpu.memory_space<vmem>>)
    "tpu.region"() ({
      %run_scoped3A = tpu.sem_alloc : memref<!tpu.dma_semaphore, #tpu.memory_space<semaphore_mem>>
      %dma_start3A_277 = arith.constant 0 : i32
      %dma_start3A_278 = arith.constant 0 : i32
      %dma_start3A_279 = tpu.memref_slice %arg12[%dma_start3A_277, %dma_start3A_278] : memref<10240x128xf32, #tpu.memory_space<vmem_shared>> -> memref<10240x128xf32, #tpu.memory_space<vmem_shared>>
      tpu.enqueue_indirect_dma source(%arg17 : memref<80x128xf32, #tpu.memory_space<vmem>>) target(%dma_start3A_279 : memref<10240x128xf32, #tpu.memory_space<vmem_shared>>) offsets(%arg15 : memref<80xi32, #tpu.memory_space<vmem>>) semaphore(%run_scoped3A : memref<!tpu.dma_semaphore, #tpu.memory_space<semaphore_mem>>) {add = true}
      %dma_wait3A_280 = arith.constant 0 : i32
      %dma_wait3A_281 = arith.constant 0 : i32
      %dma_wait3A_282 = tpu.memref_slice %arg12[%dma_wait3A_280, %dma_wait3A_281] : memref<10240x128xf32, #tpu.memory_space<vmem_shared>> -> memref<10240x128xf32, #tpu.memory_space<vmem_shared>>
      tpu.wait_indirect_dma semaphore(%run_scoped3A : memref<!tpu.dma_semaphore, #tpu.memory_space<semaphore_mem>>) src(%arg17 : memref<80x128xf32, #tpu.memory_space<vmem>>) dst(%dma_wait3A_282 : memref<10240x128xf32, #tpu.memory_space<vmem_shared>>)
      tpu.yield
    }) : () -> ()
    %barrier3A_50 = arith.constant 0 : index
    tpu.barrier barrier_id(%barrier3A_50)
    %scan3A_51 = arith.constant 0 : i32
    %scan3A_52 = arith.constant 0 : i32
    %scan3A_53 = arith.constant 8 : i32
    %scan3A_54 = arith.addi %scan3A_52, %scan3A_53 : i32
    %scan3A_55 = arith.constant 1 : i32
    scf.for %scan3A_277 = %scan3A_52 to %scan3A_54 step %scan3A_55  : i32 {
      %mul3A_278 = arith.constant 80 : i32
      %mul3A_279 = arith.muli %scan3A_277, %mul3A_278 : i32
      %add3A_280 = arith.addi %mul3A_2, %mul3A_279 : i32
      %multiple_of3A = tpu.assume_multiple %add3A_280, 8 : i32
      "tpu.region"() ({
        %run_scoped3A_281 = tpu.sem_alloc : memref<!tpu.dma_semaphore, #tpu.memory_space<semaphore_mem>>
        %dma_start3A_282 = arith.constant 0 : i32
        %dma_start3A_283 = tpu.memref_slice %arg12[%multiple_of3A, %dma_start3A_282] : memref<10240x128xf32, #tpu.memory_space<vmem_shared>> -> memref<80x128xf32, #tpu.memory_space<vmem_shared>>
        %dma_start3A_284 = arith.constant 0 : i32
        %dma_start3A_285 = tpu.memref_slice %arg12[%multiple_of3A, %dma_start3A_284] : memref<10240x128xf32, #tpu.memory_space<vmem_shared>> -> memref<80x128xf32, #tpu.memory_space<vmem_shared>>
        tpu.enqueue_dma source(%dma_start3A_285 : memref<80x128xf32, #tpu.memory_space<vmem_shared>>) target(%arg17 : memref<80x128xf32, #tpu.memory_space<vmem>>) target_semaphore(%run_scoped3A_281 : memref<!tpu.dma_semaphore, #tpu.memory_space<semaphore_mem>>)
        %dma_wait3A_286 = arith.constant 0 : i32
        %dma_wait3A_287 = tpu.memref_slice %arg12[%multiple_of3A, %dma_wait3A_286] : memref<10240x128xf32, #tpu.memory_space<vmem_shared>> -> memref<80x128xf32, #tpu.memory_space<vmem_shared>>
        %dma_wait3A_288 = arith.constant 0 : i32
        %dma_wait3A_289 = tpu.memref_slice %arg12[%multiple_of3A, %dma_wait3A_288] : memref<10240x128xf32, #tpu.memory_space<vmem_shared>> -> memref<80x128xf32, #tpu.memory_space<vmem_shared>>
        tpu.wait_dma2 semaphore(%run_scoped3A_281 : memref<!tpu.dma_semaphore, #tpu.memory_space<semaphore_mem>>) src(%dma_wait3A_289 : memref<80x128xf32, #tpu.memory_space<vmem_shared>>) dst(%arg17 : memref<80x128xf32, #tpu.memory_space<vmem>>)
        tpu.yield
      }) : () -> ()
      %run_scoped3A = arith.constant 0 : i32
      "tpu.region"() ({
        %run_scoped3A_281 = tpu.sem_alloc : memref<!tpu.dma_semaphore, #tpu.memory_space<semaphore_mem>>
        %dma_start3A_282 = arith.constant 0 : i32
        %dma_start3A_283 = tpu.memref_slice %arg11[%run_scoped3A, %arg0, %multiple_of3A, %dma_start3A_282] : memref<6x2x10240x128xf32, #tpu.memory_space<hbm>> -> memref<1x1x80x128xf32, #tpu.memory_space<hbm>>
        %dma_start3A_284 = tpu.memref_squeeze %dma_start3A_283 : memref<1x1x80x128xf32, #tpu.memory_space<hbm>> -> memref<80x128xf32, #tpu.memory_space<hbm>>
        %dma_start3A_285 = arith.constant 0 : i32
        %dma_start3A_286 = tpu.memref_slice %arg11[%run_scoped3A, %arg0, %multiple_of3A, %dma_start3A_285] : memref<6x2x10240x128xf32, #tpu.memory_space<hbm>> -> memref<1x1x80x128xf32, #tpu.memory_space<hbm>>
        %dma_start3A_287 = tpu.memref_squeeze %dma_start3A_286 : memref<1x1x80x128xf32, #tpu.memory_space<hbm>> -> memref<80x128xf32, #tpu.memory_space<hbm>>
        tpu.enqueue_dma source(%arg17 : memref<80x128xf32, #tpu.memory_space<vmem>>) target(%dma_start3A_287 : memref<80x128xf32, #tpu.memory_space<hbm>>) target_semaphore(%run_scoped3A_281 : memref<!tpu.dma_semaphore, #tpu.memory_space<semaphore_mem>>)
        %dma_wait3A_288 = arith.constant 0 : i32
        %dma_wait3A_289 = tpu.memref_slice %arg11[%run_scoped3A, %arg0, %multiple_of3A, %dma_wait3A_288] : memref<6x2x10240x128xf32, #tpu.memory_space<hbm>> -> memref<1x1x80x128xf32, #tpu.memory_space<hbm>>
        %dma_wait3A_290 = tpu.memref_squeeze %dma_wait3A_289 : memref<1x1x80x128xf32, #tpu.memory_space<hbm>> -> memref<80x128xf32, #tpu.memory_space<hbm>>
        %dma_wait3A_291 = arith.constant 0 : i32
        %dma_wait3A_292 = tpu.memref_slice %arg11[%run_scoped3A, %arg0, %multiple_of3A, %dma_wait3A_291] : memref<6x2x10240x128xf32, #tpu.memory_space<hbm>> -> memref<1x1x80x128xf32, #tpu.memory_space<hbm>>
        %dma_wait3A_293 = tpu.memref_squeeze %dma_wait3A_292 : memref<1x1x80x128xf32, #tpu.memory_space<hbm>> -> memref<80x128xf32, #tpu.memory_space<hbm>>
        tpu.wait_dma2 semaphore(%run_scoped3A_281 : memref<!tpu.dma_semaphore, #tpu.memory_space<semaphore_mem>>) src(%arg17 : memref<80x128xf32, #tpu.memory_space<vmem>>) dst(%dma_wait3A_293 : memref<80x128xf32, #tpu.memory_space<hbm>>)
        tpu.yield
      }) : () -> ()
    }
    %scan3A_56 = arith.constant 8 : i32
    %scan3A_57 = arith.constant 0 : i32
    %scan3A_58 = arith.constant 0 : i32
    %scan3A_59 = arith.constant 80 : i32
    %scan3A_60 = arith.addi %scan3A_58, %scan3A_59 : i32
    %scan3A_61 = arith.constant 1 : i32
    scf.for %scan3A_277 = %scan3A_58 to %scan3A_60 step %scan3A_61  : i32 {
      %mul3A_278 = arith.constant 8 : i32
      %mul3A_279 = arith.muli %scan3A_277, %mul3A_278 : i32
      %add3A_280 = arith.addi %mul3A_2, %mul3A_279 : i32
      %multiple_of3A = tpu.assume_multiple %add3A_280, 8 : i32
      "tpu.region"() ({
        %run_scoped3A = tpu.sem_alloc : memref<!tpu.dma_semaphore, #tpu.memory_space<semaphore_mem>>
        %dma_start3A_281 = arith.constant 0 : i32
        %dma_start3A_282 = tpu.memref_slice %arg12[%multiple_of3A, %dma_start3A_281] : memref<10240x128xf32, #tpu.memory_space<vmem_shared>> -> memref<8x128xf32, #tpu.memory_space<vmem_shared>>
        %dma_start3A_283 = arith.constant 0 : i32
        %dma_start3A_284 = tpu.memref_slice %arg12[%multiple_of3A, %dma_start3A_283] : memref<10240x128xf32, #tpu.memory_space<vmem_shared>> -> memref<8x128xf32, #tpu.memory_space<vmem_shared>>
        tpu.enqueue_dma source(%arg19 : memref<8x128xf32, #tpu.memory_space<vmem>>) target(%dma_start3A_284 : memref<8x128xf32, #tpu.memory_space<vmem_shared>>) target_semaphore(%run_scoped3A : memref<!tpu.dma_semaphore, #tpu.memory_space<semaphore_mem>>)
        %dma_wait3A_285 = arith.constant 0 : i32
        %dma_wait3A_286 = tpu.memref_slice %arg12[%multiple_of3A, %dma_wait3A_285] : memref<10240x128xf32, #tpu.memory_space<vmem_shared>> -> memref<8x128xf32, #tpu.memory_space<vmem_shared>>
        %dma_wait3A_287 = arith.constant 0 : i32
        %dma_wait3A_288 = tpu.memref_slice %arg12[%multiple_of3A, %dma_wait3A_287] : memref<10240x128xf32, #tpu.memory_space<vmem_shared>> -> memref<8x128xf32, #tpu.memory_space<vmem_shared>>
        tpu.wait_dma2 semaphore(%run_scoped3A : memref<!tpu.dma_semaphore, #tpu.memory_space<semaphore_mem>>) src(%arg19 : memref<8x128xf32, #tpu.memory_space<vmem>>) dst(%dma_wait3A_288 : memref<8x128xf32, #tpu.memory_space<vmem_shared>>)
        tpu.yield
      }) : () -> ()
    }
    %scan3A_62 = arith.constant 80 : i32
    %barrier3A_63 = arith.constant 0 : index
    tpu.barrier barrier_id(%barrier3A_63)
    %add3A_64 = arith.constant 0 : i32
    %add3A_65 = arith.addi %mul3A_4, %add3A_64 : i32
    "tpu.region"() ({
      %run_scoped3A = tpu.sem_alloc : memref<!tpu.dma_semaphore, #tpu.memory_space<semaphore_mem>>
      %dma_start3A_277 = tpu.memref_slice %arg4[%add3A_65] : memref<320000xi32, #tpu.memory_space<hbm>> -> memref<80xi32, #tpu.memory_space<hbm>>
      %dma_start3A_278 = tpu.memref_slice %arg4[%add3A_65] : memref<320000xi32, #tpu.memory_space<hbm>> -> memref<80xi32, #tpu.memory_space<hbm>>
      tpu.enqueue_dma source(%dma_start3A_278 : memref<80xi32, #tpu.memory_space<hbm>>) target(%arg13 : memref<80xi32, #tpu.memory_space<vmem>>) target_semaphore(%run_scoped3A : memref<!tpu.dma_semaphore, #tpu.memory_space<semaphore_mem>>)
      %dma_wait3A_279 = tpu.memref_slice %arg4[%add3A_65] : memref<320000xi32, #tpu.memory_space<hbm>> -> memref<80xi32, #tpu.memory_space<hbm>>
      %dma_wait3A_280 = tpu.memref_slice %arg4[%add3A_65] : memref<320000xi32, #tpu.memory_space<hbm>> -> memref<80xi32, #tpu.memory_space<hbm>>
      tpu.wait_dma2 semaphore(%run_scoped3A : memref<!tpu.dma_semaphore, #tpu.memory_space<semaphore_mem>>) src(%dma_wait3A_280 : memref<80xi32, #tpu.memory_space<hbm>>) dst(%arg13 : memref<80xi32, #tpu.memory_space<vmem>>)
      tpu.yield
    }) : () -> ()
    "tpu.region"() ({
      %run_scoped3A = tpu.sem_alloc : memref<!tpu.dma_semaphore, #tpu.memory_space<semaphore_mem>>
      %dma_start3A_277 = tpu.memref_slice %arg5[%add3A_65] : memref<320000xi32, #tpu.memory_space<hbm>> -> memref<80xi32, #tpu.memory_space<hbm>>
      %dma_start3A_278 = tpu.memref_slice %arg5[%add3A_65] : memref<320000xi32, #tpu.memory_space<hbm>> -> memref<80xi32, #tpu.memory_space<hbm>>
      tpu.enqueue_dma source(%dma_start3A_278 : memref<80xi32, #tpu.memory_space<hbm>>) target(%arg15 : memref<80xi32, #tpu.memory_space<vmem>>) target_semaphore(%run_scoped3A : memref<!tpu.dma_semaphore, #tpu.memory_space<semaphore_mem>>)
      %dma_wait3A_279 = tpu.memref_slice %arg5[%add3A_65] : memref<320000xi32, #tpu.memory_space<hbm>> -> memref<80xi32, #tpu.memory_space<hbm>>
      %dma_wait3A_280 = tpu.memref_slice %arg5[%add3A_65] : memref<320000xi32, #tpu.memory_space<hbm>> -> memref<80xi32, #tpu.memory_space<hbm>>
      tpu.wait_dma2 semaphore(%run_scoped3A : memref<!tpu.dma_semaphore, #tpu.memory_space<semaphore_mem>>) src(%dma_wait3A_280 : memref<80xi32, #tpu.memory_space<hbm>>) dst(%arg15 : memref<80xi32, #tpu.memory_space<vmem>>)
      tpu.yield
    }) : () -> ()
    %dma_start3A_66 = arith.constant 0 : i32
    %dma_start3A_67 = arith.constant 0 : i32
    %dma_start3A_68 = tpu.memref_slice %arg9[%dma_start3A_66, %dma_start3A_67] : memref<10000x128xf32, #tpu.memory_space<hbm>> -> memref<10000x128xf32, #tpu.memory_space<hbm>>
    tpu.enqueue_indirect_dma source(%dma_start3A_68 : memref<10000x128xf32, #tpu.memory_space<hbm>>) target(%arg17 : memref<80x128xf32, #tpu.memory_space<vmem>>) offsets(%arg13 : memref<80xi32, #tpu.memory_space<vmem>>) semaphore(%arg20 : memref<!tpu.dma_semaphore, #tpu.memory_space<semaphore_mem>>)
    %add3A_69 = arith.constant 80 : i32
    %add3A_70 = arith.addi %mul3A_4, %add3A_69 : i32
    "tpu.region"() ({
      %run_scoped3A = tpu.sem_alloc : memref<!tpu.dma_semaphore, #tpu.memory_space<semaphore_mem>>
      %dma_start3A_277 = tpu.memref_slice %arg4[%add3A_70] : memref<320000xi32, #tpu.memory_space<hbm>> -> memref<80xi32, #tpu.memory_space<hbm>>
      %dma_start3A_278 = tpu.memref_slice %arg4[%add3A_70] : memref<320000xi32, #tpu.memory_space<hbm>> -> memref<80xi32, #tpu.memory_space<hbm>>
      tpu.enqueue_dma source(%dma_start3A_278 : memref<80xi32, #tpu.memory_space<hbm>>) target(%arg14 : memref<80xi32, #tpu.memory_space<vmem>>) target_semaphore(%run_scoped3A : memref<!tpu.dma_semaphore, #tpu.memory_space<semaphore_mem>>)
      %dma_wait3A_279 = tpu.memref_slice %arg4[%add3A_70] : memref<320000xi32, #tpu.memory_space<hbm>> -> memref<80xi32, #tpu.memory_space<hbm>>
      %dma_wait3A_280 = tpu.memref_slice %arg4[%add3A_70] : memref<320000xi32, #tpu.memory_space<hbm>> -> memref<80xi32, #tpu.memory_space<hbm>>
      tpu.wait_dma2 semaphore(%run_scoped3A : memref<!tpu.dma_semaphore, #tpu.memory_space<semaphore_mem>>) src(%dma_wait3A_280 : memref<80xi32, #tpu.memory_space<hbm>>) dst(%arg14 : memref<80xi32, #tpu.memory_space<vmem>>)
      tpu.yield
    }) : () -> ()
    "tpu.region"() ({
      %run_scoped3A = tpu.sem_alloc : memref<!tpu.dma_semaphore, #tpu.memory_space<semaphore_mem>>
      %dma_start3A_277 = tpu.memref_slice %arg5[%add3A_70] : memref<320000xi32, #tpu.memory_space<hbm>> -> memref<80xi32, #tpu.memory_space<hbm>>
      %dma_start3A_278 = tpu.memref_slice %arg5[%add3A_70] : memref<320000xi32, #tpu.memory_space<hbm>> -> memref<80xi32, #tpu.memory_space<hbm>>
      tpu.enqueue_dma source(%dma_start3A_278 : memref<80xi32, #tpu.memory_space<hbm>>) target(%arg16 : memref<80xi32, #tpu.memory_space<vmem>>) target_semaphore(%run_scoped3A : memref<!tpu.dma_semaphore, #tpu.memory_space<semaphore_mem>>)
      %dma_wait3A_279 = tpu.memref_slice %arg5[%add3A_70] : memref<320000xi32, #tpu.memory_space<hbm>> -> memref<80xi32, #tpu.memory_space<hbm>>
      %dma_wait3A_280 = tpu.memref_slice %arg5[%add3A_70] : memref<320000xi32, #tpu.memory_space<hbm>> -> memref<80xi32, #tpu.memory_space<hbm>>
      tpu.wait_dma2 semaphore(%run_scoped3A : memref<!tpu.dma_semaphore, #tpu.memory_space<semaphore_mem>>) src(%dma_wait3A_280 : memref<80xi32, #tpu.memory_space<hbm>>) dst(%arg16 : memref<80xi32, #tpu.memory_space<vmem>>)
      tpu.yield
    }) : () -> ()
    %dma_start3A_71 = arith.constant 0 : i32
    %dma_start3A_72 = arith.constant 0 : i32
    %dma_start3A_73 = tpu.memref_slice %arg9[%dma_start3A_71, %dma_start3A_72] : memref<10000x128xf32, #tpu.memory_space<hbm>> -> memref<10000x128xf32, #tpu.memory_space<hbm>>
    tpu.enqueue_indirect_dma source(%dma_start3A_73 : memref<10000x128xf32, #tpu.memory_space<hbm>>) target(%arg18 : memref<80x128xf32, #tpu.memory_space<vmem>>) offsets(%arg14 : memref<80xi32, #tpu.memory_space<vmem>>) semaphore(%arg21 : memref<!tpu.dma_semaphore, #tpu.memory_space<semaphore_mem>>)
    %scan3A_74 = arith.constant 0 : i32
    %scan3A_75 = arith.constant 1 : i32
    %scan3A_76 = arith.constant 61 : i32
    %scan3A_77 = arith.addi %scan3A_75, %scan3A_76 : i32
    %scan3A_78 = arith.constant 1 : i32
    scf.for %scan3A_277 = %scan3A_75 to %scan3A_77 step %scan3A_78  : i32 {
      %dma_wait3A_278 = arith.constant 0 : i32
      %dma_wait3A_279 = arith.constant 0 : i32
      %dma_wait3A_280 = tpu.memref_slice %arg9[%dma_wait3A_278, %dma_wait3A_279] : memref<10000x128xf32, #tpu.memory_space<hbm>> -> memref<80x128xf32, #tpu.memory_space<hbm>>
      %dma_wait3A_281 = arith.constant 0 : i32
      %dma_wait3A_282 = arith.constant 0 : i32
      %dma_wait3A_283 = tpu.memref_slice %arg9[%dma_wait3A_281, %dma_wait3A_282] : memref<10000x128xf32, #tpu.memory_space<hbm>> -> memref<80x128xf32, #tpu.memory_space<hbm>>
      tpu.wait_dma2 semaphore(%arg20 : memref<!tpu.dma_semaphore, #tpu.memory_space<semaphore_mem>>) src(%dma_wait3A_283 : memref<80x128xf32, #tpu.memory_space<hbm>>) dst(%arg17 : memref<80x128xf32, #tpu.memory_space<vmem>>)
      "tpu.region"() ({
        %run_scoped3A = tpu.sem_alloc : memref<!tpu.dma_semaphore, #tpu.memory_space<semaphore_mem>>
        %dma_start3A_334 = arith.constant 0 : i32
        %dma_start3A_335 = arith.constant 0 : i32
        %dma_start3A_336 = tpu.memref_slice %arg12[%dma_start3A_334, %dma_start3A_335] : memref<10240x128xf32, #tpu.memory_space<vmem_shared>> -> memref<10240x128xf32, #tpu.memory_space<vmem_shared>>
        tpu.enqueue_indirect_dma source(%arg17 : memref<80x128xf32, #tpu.memory_space<vmem>>) target(%dma_start3A_336 : memref<10240x128xf32, #tpu.memory_space<vmem_shared>>) offsets(%arg15 : memref<80xi32, #tpu.memory_space<vmem>>) semaphore(%run_scoped3A : memref<!tpu.dma_semaphore, #tpu.memory_space<semaphore_mem>>) {add = true}
        %dma_wait3A_337 = arith.constant 0 : i32
        %dma_wait3A_338 = arith.constant 0 : i32
        %dma_wait3A_339 = tpu.memref_slice %arg12[%dma_wait3A_337, %dma_wait3A_338] : memref<10240x128xf32, #tpu.memory_space<vmem_shared>> -> memref<10240x128xf32, #tpu.memory_space<vmem_shared>>
        tpu.wait_indirect_dma semaphore(%run_scoped3A : memref<!tpu.dma_semaphore, #tpu.memory_space<semaphore_mem>>) src(%arg17 : memref<80x128xf32, #tpu.memory_space<vmem>>) dst(%dma_wait3A_339 : memref<10240x128xf32, #tpu.memory_space<vmem_shared>>)
        tpu.yield
      }) : () -> ()
      %mul3A_284 = arith.constant 2 : i32
      %mul3A_285 = arith.muli %mul3A_284, %scan3A_277 : i32
      %add3A_286 = arith.constant 0 : i32
      %add3A_287 = arith.addi %mul3A_285, %add3A_286 : i32
      %mul3A_288 = arith.constant 80 : i32
      %mul3A_289 = arith.muli %add3A_287, %mul3A_288 : i32
      %add3A_290 = arith.addi %mul3A_4, %mul3A_289 : i32
      %dma_start3A_291 = tpu.memref_slice %arg4[%add3A_290] : memref<320000xi32, #tpu.memory_space<hbm>> -> memref<80xi32, #tpu.memory_space<hbm>>
      %dma_start3A_292 = tpu.memref_slice %arg4[%add3A_290] : memref<320000xi32, #tpu.memory_space<hbm>> -> memref<80xi32, #tpu.memory_space<hbm>>
      tpu.enqueue_dma source(%dma_start3A_292 : memref<80xi32, #tpu.memory_space<hbm>>) target(%arg13 : memref<80xi32, #tpu.memory_space<vmem>>) target_semaphore(%arg22 : memref<!tpu.dma_semaphore, #tpu.memory_space<semaphore_mem>>)
      %dma_start3A_293 = tpu.memref_slice %arg5[%add3A_290] : memref<320000xi32, #tpu.memory_space<hbm>> -> memref<80xi32, #tpu.memory_space<hbm>>
      %dma_start3A_294 = tpu.memref_slice %arg5[%add3A_290] : memref<320000xi32, #tpu.memory_space<hbm>> -> memref<80xi32, #tpu.memory_space<hbm>>
      tpu.enqueue_dma source(%dma_start3A_294 : memref<80xi32, #tpu.memory_space<hbm>>) target(%arg15 : memref<80xi32, #tpu.memory_space<vmem>>) target_semaphore(%arg22 : memref<!tpu.dma_semaphore, #tpu.memory_space<semaphore_mem>>)
      %dma_wait3A_295 = arith.constant 0 : i32
      %dma_wait3A_296 = arith.constant 0 : i32
      %dma_wait3A_297 = tpu.memref_slice %arg9[%dma_wait3A_295, %dma_wait3A_296] : memref<10000x128xf32, #tpu.memory_space<hbm>> -> memref<80x128xf32, #tpu.memory_space<hbm>>
      %dma_wait3A_298 = arith.constant 0 : i32
      %dma_wait3A_299 = arith.constant 0 : i32
      %dma_wait3A_300 = tpu.memref_slice %arg9[%dma_wait3A_298, %dma_wait3A_299] : memref<10000x128xf32, #tpu.memory_space<hbm>> -> memref<80x128xf32, #tpu.memory_space<hbm>>
      tpu.wait_dma2 semaphore(%arg21 : memref<!tpu.dma_semaphore, #tpu.memory_space<semaphore_mem>>) src(%dma_wait3A_300 : memref<80x128xf32, #tpu.memory_space<hbm>>) dst(%arg18 : memref<80x128xf32, #tpu.memory_space<vmem>>)
      "tpu.region"() ({
        %run_scoped3A = tpu.sem_alloc : memref<!tpu.dma_semaphore, #tpu.memory_space<semaphore_mem>>
        %dma_start3A_334 = arith.constant 0 : i32
        %dma_start3A_335 = arith.constant 0 : i32
        %dma_start3A_336 = tpu.memref_slice %arg12[%dma_start3A_334, %dma_start3A_335] : memref<10240x128xf32, #tpu.memory_space<vmem_shared>> -> memref<10240x128xf32, #tpu.memory_space<vmem_shared>>
        tpu.enqueue_indirect_dma source(%arg18 : memref<80x128xf32, #tpu.memory_space<vmem>>) target(%dma_start3A_336 : memref<10240x128xf32, #tpu.memory_space<vmem_shared>>) offsets(%arg16 : memref<80xi32, #tpu.memory_space<vmem>>) semaphore(%run_scoped3A : memref<!tpu.dma_semaphore, #tpu.memory_space<semaphore_mem>>) {add = true}
        %dma_wait3A_337 = arith.constant 0 : i32
        %dma_wait3A_338 = arith.constant 0 : i32
        %dma_wait3A_339 = tpu.memref_slice %arg12[%dma_wait3A_337, %dma_wait3A_338] : memref<10240x128xf32, #tpu.memory_space<vmem_shared>> -> memref<10240x128xf32, #tpu.memory_space<vmem_shared>>
        tpu.wait_indirect_dma semaphore(%run_scoped3A : memref<!tpu.dma_semaphore, #tpu.memory_space<semaphore_mem>>) src(%arg18 : memref<80x128xf32, #tpu.memory_space<vmem>>) dst(%dma_wait3A_339 : memref<10240x128xf32, #tpu.memory_space<vmem_shared>>)
        tpu.yield
      }) : () -> ()
      %mul3A_301 = arith.constant 2 : i32
      %mul3A_302 = arith.muli %mul3A_301, %scan3A_277 : i32
      %add3A_303 = arith.constant 1 : i32
      %add3A_304 = arith.addi %mul3A_302, %add3A_303 : i32
      %mul3A_305 = arith.constant 80 : i32
      %mul3A_306 = arith.muli %add3A_304, %mul3A_305 : i32
      %add3A_307 = arith.addi %mul3A_4, %mul3A_306 : i32
      %dma_start3A_308 = tpu.memref_slice %arg4[%add3A_307] : memref<320000xi32, #tpu.memory_space<hbm>> -> memref<80xi32, #tpu.memory_space<hbm>>
      %dma_start3A_309 = tpu.memref_slice %arg4[%add3A_307] : memref<320000xi32, #tpu.memory_space<hbm>> -> memref<80xi32, #tpu.memory_space<hbm>>
      tpu.enqueue_dma source(%dma_start3A_309 : memref<80xi32, #tpu.memory_space<hbm>>) target(%arg14 : memref<80xi32, #tpu.memory_space<vmem>>) target_semaphore(%arg23 : memref<!tpu.dma_semaphore, #tpu.memory_space<semaphore_mem>>)
      %dma_start3A_310 = tpu.memref_slice %arg5[%add3A_307] : memref<320000xi32, #tpu.memory_space<hbm>> -> memref<80xi32, #tpu.memory_space<hbm>>
      %dma_start3A_311 = tpu.memref_slice %arg5[%add3A_307] : memref<320000xi32, #tpu.memory_space<hbm>> -> memref<80xi32, #tpu.memory_space<hbm>>
      tpu.enqueue_dma source(%dma_start3A_311 : memref<80xi32, #tpu.memory_space<hbm>>) target(%arg16 : memref<80xi32, #tpu.memory_space<vmem>>) target_semaphore(%arg23 : memref<!tpu.dma_semaphore, #tpu.memory_space<semaphore_mem>>)
      %dma_wait3A_312 = arith.constant 0 : i32
      %dma_wait3A_313 = tpu.memref_slice %arg4[%dma_wait3A_312] : memref<320000xi32, #tpu.memory_space<hbm>> -> memref<80xi32, #tpu.memory_space<hbm>>
      %dma_wait3A_314 = arith.constant 0 : i32
      %dma_wait3A_315 = tpu.memref_slice %arg4[%dma_wait3A_314] : memref<320000xi32, #tpu.memory_space<hbm>> -> memref<80xi32, #tpu.memory_space<hbm>>
      tpu.wait_dma2 semaphore(%arg22 : memref<!tpu.dma_semaphore, #tpu.memory_space<semaphore_mem>>) src(%dma_wait3A_315 : memref<80xi32, #tpu.memory_space<hbm>>) dst(%arg13 : memref<80xi32, #tpu.memory_space<vmem>>)
      %dma_wait3A_316 = arith.constant 0 : i32
      %dma_wait3A_317 = tpu.memref_slice %arg5[%dma_wait3A_316] : memref<320000xi32, #tpu.memory_space<hbm>> -> memref<80xi32, #tpu.memory_space<hbm>>
      %dma_wait3A_318 = arith.constant 0 : i32
      %dma_wait3A_319 = tpu.memref_slice %arg5[%dma_wait3A_318] : memref<320000xi32, #tpu.memory_space<hbm>> -> memref<80xi32, #tpu.memory_space<hbm>>
      tpu.wait_dma2 semaphore(%arg22 : memref<!tpu.dma_semaphore, #tpu.memory_space<semaphore_mem>>) src(%dma_wait3A_319 : memref<80xi32, #tpu.memory_space<hbm>>) dst(%arg15 : memref<80xi32, #tpu.memory_space<vmem>>)
      %dma_start3A_320 = arith.constant 0 : i32
      %dma_start3A_321 = arith.constant 0 : i32
      %dma_start3A_322 = tpu.memref_slice %arg9[%dma_start3A_320, %dma_start3A_321] : memref<10000x128xf32, #tpu.memory_space<hbm>> -> memref<10000x128xf32, #tpu.memory_space<hbm>>
      tpu.enqueue_indirect_dma source(%dma_start3A_322 : memref<10000x128xf32, #tpu.memory_space<hbm>>) target(%arg17 : memref<80x128xf32, #tpu.memory_space<vmem>>) offsets(%arg13 : memref<80xi32, #tpu.memory_space<vmem>>) semaphore(%arg20 : memref<!tpu.dma_semaphore, #tpu.memory_space<semaphore_mem>>)
      %dma_wait3A_323 = arith.constant 0 : i32
      %dma_wait3A_324 = tpu.memref_slice %arg4[%dma_wait3A_323] : memref<320000xi32, #tpu.memory_space<hbm>> -> memref<80xi32, #tpu.memory_space<hbm>>
      %dma_wait3A_325 = arith.constant 0 : i32
      %dma_wait3A_326 = tpu.memref_slice %arg4[%dma_wait3A_325] : memref<320000xi32, #tpu.memory_space<hbm>> -> memref<80xi32, #tpu.memory_space<hbm>>
      tpu.wait_dma2 semaphore(%arg23 : memref<!tpu.dma_semaphore, #tpu.memory_space<semaphore_mem>>) src(%dma_wait3A_326 : memref<80xi32, #tpu.memory_space<hbm>>) dst(%arg14 : memref<80xi32, #tpu.memory_space<vmem>>)
      %dma_wait3A_327 = arith.constant 0 : i32
      %dma_wait3A_328 = tpu.memref_slice %arg5[%dma_wait3A_327] : memref<320000xi32, #tpu.memory_space<hbm>> -> memref<80xi32, #tpu.memory_space<hbm>>
      %dma_wait3A_329 = arith.constant 0 : i32
      %dma_wait3A_330 = tpu.memref_slice %arg5[%dma_wait3A_329] : memref<320000xi32, #tpu.memory_space<hbm>> -> memref<80xi32, #tpu.memory_space<hbm>>
      tpu.wait_dma2 semaphore(%arg23 : memref<!tpu.dma_semaphore, #tpu.memory_space<semaphore_mem>>) src(%dma_wait3A_330 : memref<80xi32, #tpu.memory_space<hbm>>) dst(%arg16 : memref<80xi32, #tpu.memory_space<vmem>>)
      %dma_start3A_331 = arith.constant 0 : i32
      %dma_start3A_332 = arith.constant 0 : i32
      %dma_start3A_333 = tpu.memref_slice %arg9[%dma_start3A_331, %dma_start3A_332] : memref<10000x128xf32, #tpu.memory_space<hbm>> -> memref<10000x128xf32, #tpu.memory_space<hbm>>
      tpu.enqueue_indirect_dma source(%dma_start3A_333 : memref<10000x128xf32, #tpu.memory_space<hbm>>) target(%arg18 : memref<80x128xf32, #tpu.memory_space<vmem>>) offsets(%arg14 : memref<80xi32, #tpu.memory_space<vmem>>) semaphore(%arg21 : memref<!tpu.dma_semaphore, #tpu.memory_space<semaphore_mem>>)
    }
    %scan3A_79 = arith.constant 61 : i32
    %dma_wait3A_80 = arith.constant 0 : i32
    %dma_wait3A_81 = arith.constant 0 : i32
    %dma_wait3A_82 = tpu.memref_slice %arg9[%dma_wait3A_80, %dma_wait3A_81] : memref<10000x128xf32, #tpu.memory_space<hbm>> -> memref<80x128xf32, #tpu.memory_space<hbm>>
    %dma_wait3A_83 = arith.constant 0 : i32
    %dma_wait3A_84 = arith.constant 0 : i32
    %dma_wait3A_85 = tpu.memref_slice %arg9[%dma_wait3A_83, %dma_wait3A_84] : memref<10000x128xf32, #tpu.memory_space<hbm>> -> memref<80x128xf32, #tpu.memory_space<hbm>>
    tpu.wait_dma2 semaphore(%arg20 : memref<!tpu.dma_semaphore, #tpu.memory_space<semaphore_mem>>) src(%dma_wait3A_85 : memref<80x128xf32, #tpu.memory_space<hbm>>) dst(%arg17 : memref<80x128xf32, #tpu.memory_space<vmem>>)
    "tpu.region"() ({
      %run_scoped3A = tpu.sem_alloc : memref<!tpu.dma_semaphore, #tpu.memory_space<semaphore_mem>>
      %dma_start3A_277 = arith.constant 0 : i32
      %dma_start3A_278 = arith.constant 0 : i32
      %dma_start3A_279 = tpu.memref_slice %arg12[%dma_start3A_277, %dma_start3A_278] : memref<10240x128xf32, #tpu.memory_space<vmem_shared>> -> memref<10240x128xf32, #tpu.memory_space<vmem_shared>>
      tpu.enqueue_indirect_dma source(%arg17 : memref<80x128xf32, #tpu.memory_space<vmem>>) target(%dma_start3A_279 : memref<10240x128xf32, #tpu.memory_space<vmem_shared>>) offsets(%arg15 : memref<80xi32, #tpu.memory_space<vmem>>) semaphore(%run_scoped3A : memref<!tpu.dma_semaphore, #tpu.memory_space<semaphore_mem>>) {add = true}
      %dma_wait3A_280 = arith.constant 0 : i32
      %dma_wait3A_281 = arith.constant 0 : i32
      %dma_wait3A_282 = tpu.memref_slice %arg12[%dma_wait3A_280, %dma_wait3A_281] : memref<10240x128xf32, #tpu.memory_space<vmem_shared>> -> memref<10240x128xf32, #tpu.memory_space<vmem_shared>>
      tpu.wait_indirect_dma semaphore(%run_scoped3A : memref<!tpu.dma_semaphore, #tpu.memory_space<semaphore_mem>>) src(%arg17 : memref<80x128xf32, #tpu.memory_space<vmem>>) dst(%dma_wait3A_282 : memref<10240x128xf32, #tpu.memory_space<vmem_shared>>)
      tpu.yield
    }) : () -> ()
    %dma_wait3A_86 = arith.constant 0 : i32
    %dma_wait3A_87 = arith.constant 0 : i32
    %dma_wait3A_88 = tpu.memref_slice %arg9[%dma_wait3A_86, %dma_wait3A_87] : memref<10000x128xf32, #tpu.memory_space<hbm>> -> memref<80x128xf32, #tpu.memory_space<hbm>>
    %dma_wait3A_89 = arith.constant 0 : i32
    %dma_wait3A_90 = arith.constant 0 : i32
    %dma_wait3A_91 = tpu.memref_slice %arg9[%dma_wait3A_89, %dma_wait3A_90] : memref<10000x128xf32, #tpu.memory_space<hbm>> -> memref<80x128xf32, #tpu.memory_space<hbm>>
    tpu.wait_dma2 semaphore(%arg21 : memref<!tpu.dma_semaphore, #tpu.memory_space<semaphore_mem>>) src(%dma_wait3A_91 : memref<80x128xf32, #tpu.memory_space<hbm>>) dst(%arg18 : memref<80x128xf32, #tpu.memory_space<vmem>>)
    "tpu.region"() ({
      %run_scoped3A = tpu.sem_alloc : memref<!tpu.dma_semaphore, #tpu.memory_space<semaphore_mem>>
      %dma_start3A_277 = arith.constant 0 : i32
      %dma_start3A_278 = arith.constant 0 : i32
      %dma_start3A_279 = tpu.memref_slice %arg12[%dma_start3A_277, %dma_start3A_278] : memref<10240x128xf32, #tpu.memory_space<vmem_shared>> -> memref<10240x128xf32, #tpu.memory_space<vmem_shared>>
      tpu.enqueue_indirect_dma source(%arg18 : memref<80x128xf32, #tpu.memory_space<vmem>>) target(%dma_start3A_279 : memref<10240x128xf32, #tpu.memory_space<vmem_shared>>) offsets(%arg16 : memref<80xi32, #tpu.memory_space<vmem>>) semaphore(%run_scoped3A : memref<!tpu.dma_semaphore, #tpu.memory_space<semaphore_mem>>) {add = true}
      %dma_wait3A_280 = arith.constant 0 : i32
      %dma_wait3A_281 = arith.constant 0 : i32
      %dma_wait3A_282 = tpu.memref_slice %arg12[%dma_wait3A_280, %dma_wait3A_281] : memref<10240x128xf32, #tpu.memory_space<vmem_shared>> -> memref<10240x128xf32, #tpu.memory_space<vmem_shared>>
      tpu.wait_indirect_dma semaphore(%run_scoped3A : memref<!tpu.dma_semaphore, #tpu.memory_space<semaphore_mem>>) src(%arg18 : memref<80x128xf32, #tpu.memory_space<vmem>>) dst(%dma_wait3A_282 : memref<10240x128xf32, #tpu.memory_space<vmem_shared>>)
      tpu.yield
    }) : () -> ()
    %add3A_92 = arith.constant 9920 : i32
    %add3A_93 = arith.addi %mul3A_4, %add3A_92 : i32
    "tpu.region"() ({
      %run_scoped3A = tpu.sem_alloc : memref<!tpu.dma_semaphore, #tpu.memory_space<semaphore_mem>>
      %dma_start3A_277 = tpu.memref_slice %arg4[%add3A_93] : memref<320000xi32, #tpu.memory_space<hbm>> -> memref<80xi32, #tpu.memory_space<hbm>>
      %dma_start3A_278 = tpu.memref_slice %arg4[%add3A_93] : memref<320000xi32, #tpu.memory_space<hbm>> -> memref<80xi32, #tpu.memory_space<hbm>>
      tpu.enqueue_dma source(%dma_start3A_278 : memref<80xi32, #tpu.memory_space<hbm>>) target(%arg13 : memref<80xi32, #tpu.memory_space<vmem>>) target_semaphore(%run_scoped3A : memref<!tpu.dma_semaphore, #tpu.memory_space<semaphore_mem>>)
      %dma_wait3A_279 = tpu.memref_slice %arg4[%add3A_93] : memref<320000xi32, #tpu.memory_space<hbm>> -> memref<80xi32, #tpu.memory_space<hbm>>
      %dma_wait3A_280 = tpu.memref_slice %arg4[%add3A_93] : memref<320000xi32, #tpu.memory_space<hbm>> -> memref<80xi32, #tpu.memory_space<hbm>>
      tpu.wait_dma2 semaphore(%run_scoped3A : memref<!tpu.dma_semaphore, #tpu.memory_space<semaphore_mem>>) src(%dma_wait3A_280 : memref<80xi32, #tpu.memory_space<hbm>>) dst(%arg13 : memref<80xi32, #tpu.memory_space<vmem>>)
      tpu.yield
    }) : () -> ()
    "tpu.region"() ({
      %run_scoped3A = tpu.sem_alloc : memref<!tpu.dma_semaphore, #tpu.memory_space<semaphore_mem>>
      %dma_start3A_277 = tpu.memref_slice %arg5[%add3A_93] : memref<320000xi32, #tpu.memory_space<hbm>> -> memref<80xi32, #tpu.memory_space<hbm>>
      %dma_start3A_278 = tpu.memref_slice %arg5[%add3A_93] : memref<320000xi32, #tpu.memory_space<hbm>> -> memref<80xi32, #tpu.memory_space<hbm>>
      tpu.enqueue_dma source(%dma_start3A_278 : memref<80xi32, #tpu.memory_space<hbm>>) target(%arg15 : memref<80xi32, #tpu.memory_space<vmem>>) target_semaphore(%run_scoped3A : memref<!tpu.dma_semaphore, #tpu.memory_space<semaphore_mem>>)
      %dma_wait3A_279 = tpu.memref_slice %arg5[%add3A_93] : memref<320000xi32, #tpu.memory_space<hbm>> -> memref<80xi32, #tpu.memory_space<hbm>>
      %dma_wait3A_280 = tpu.memref_slice %arg5[%add3A_93] : memref<320000xi32, #tpu.memory_space<hbm>> -> memref<80xi32, #tpu.memory_space<hbm>>
      tpu.wait_dma2 semaphore(%run_scoped3A : memref<!tpu.dma_semaphore, #tpu.memory_space<semaphore_mem>>) src(%dma_wait3A_280 : memref<80xi32, #tpu.memory_space<hbm>>) dst(%arg15 : memref<80xi32, #tpu.memory_space<vmem>>)
      tpu.yield
    }) : () -> ()
    %dma_start3A_94 = arith.constant 0 : i32
    %dma_start3A_95 = arith.constant 0 : i32
    %dma_start3A_96 = tpu.memref_slice %arg9[%dma_start3A_94, %dma_start3A_95] : memref<10000x128xf32, #tpu.memory_space<hbm>> -> memref<10000x128xf32, #tpu.memory_space<hbm>>
    tpu.enqueue_indirect_dma source(%dma_start3A_96 : memref<10000x128xf32, #tpu.memory_space<hbm>>) target(%arg17 : memref<80x128xf32, #tpu.memory_space<vmem>>) offsets(%arg13 : memref<80xi32, #tpu.memory_space<vmem>>) semaphore(%arg20 : memref<!tpu.dma_semaphore, #tpu.memory_space<semaphore_mem>>)
    %dma_wait3A_97 = arith.constant 0 : i32
    %dma_wait3A_98 = arith.constant 0 : i32
    %dma_wait3A_99 = tpu.memref_slice %arg9[%dma_wait3A_97, %dma_wait3A_98] : memref<10000x128xf32, #tpu.memory_space<hbm>> -> memref<10000x128xf32, #tpu.memory_space<hbm>>
    tpu.wait_indirect_dma semaphore(%arg20 : memref<!tpu.dma_semaphore, #tpu.memory_space<semaphore_mem>>) src(%dma_wait3A_99 : memref<10000x128xf32, #tpu.memory_space<hbm>>) dst(%arg17 : memref<80x128xf32, #tpu.memory_space<vmem>>)
    "tpu.region"() ({
      %run_scoped3A = tpu.sem_alloc : memref<!tpu.dma_semaphore, #tpu.memory_space<semaphore_mem>>
      %dma_start3A_277 = arith.constant 0 : i32
      %dma_start3A_278 = arith.constant 0 : i32
      %dma_start3A_279 = tpu.memref_slice %arg12[%dma_start3A_277, %dma_start3A_278] : memref<10240x128xf32, #tpu.memory_space<vmem_shared>> -> memref<10240x128xf32, #tpu.memory_space<vmem_shared>>
      tpu.enqueue_indirect_dma source(%arg17 : memref<80x128xf32, #tpu.memory_space<vmem>>) target(%dma_start3A_279 : memref<10240x128xf32, #tpu.memory_space<vmem_shared>>) offsets(%arg15 : memref<80xi32, #tpu.memory_space<vmem>>) semaphore(%run_scoped3A : memref<!tpu.dma_semaphore, #tpu.memory_space<semaphore_mem>>) {add = true}
      %dma_wait3A_280 = arith.constant 0 : i32
      %dma_wait3A_281 = arith.constant 0 : i32
      %dma_wait3A_282 = tpu.memref_slice %arg12[%dma_wait3A_280, %dma_wait3A_281] : memref<10240x128xf32, #tpu.memory_space<vmem_shared>> -> memref<10240x128xf32, #tpu.memory_space<vmem_shared>>
      tpu.wait_indirect_dma semaphore(%run_scoped3A : memref<!tpu.dma_semaphore, #tpu.memory_space<semaphore_mem>>) src(%arg17 : memref<80x128xf32, #tpu.memory_space<vmem>>) dst(%dma_wait3A_282 : memref<10240x128xf32, #tpu.memory_space<vmem_shared>>)
      tpu.yield
    }) : () -> ()
    %barrier3A_100 = arith.constant 0 : index
    tpu.barrier barrier_id(%barrier3A_100)
    %scan3A_101 = arith.constant 0 : i32
    %scan3A_102 = arith.constant 0 : i32
    %scan3A_103 = arith.constant 8 : i32
    %scan3A_104 = arith.addi %scan3A_102, %scan3A_103 : i32
    %scan3A_105 = arith.constant 1 : i32
    scf.for %scan3A_277 = %scan3A_102 to %scan3A_104 step %scan3A_105  : i32 {
      %mul3A_278 = arith.constant 80 : i32
      %mul3A_279 = arith.muli %scan3A_277, %mul3A_278 : i32
      %add3A_280 = arith.addi %mul3A_2, %mul3A_279 : i32
      %multiple_of3A = tpu.assume_multiple %add3A_280, 8 : i32
      "tpu.region"() ({
        %run_scoped3A_281 = tpu.sem_alloc : memref<!tpu.dma_semaphore, #tpu.memory_space<semaphore_mem>>
        %dma_start3A_282 = arith.constant 0 : i32
        %dma_start3A_283 = tpu.memref_slice %arg12[%multiple_of3A, %dma_start3A_282] : memref<10240x128xf32, #tpu.memory_space<vmem_shared>> -> memref<80x128xf32, #tpu.memory_space<vmem_shared>>
        %dma_start3A_284 = arith.constant 0 : i32
        %dma_start3A_285 = tpu.memref_slice %arg12[%multiple_of3A, %dma_start3A_284] : memref<10240x128xf32, #tpu.memory_space<vmem_shared>> -> memref<80x128xf32, #tpu.memory_space<vmem_shared>>
        tpu.enqueue_dma source(%dma_start3A_285 : memref<80x128xf32, #tpu.memory_space<vmem_shared>>) target(%arg17 : memref<80x128xf32, #tpu.memory_space<vmem>>) target_semaphore(%run_scoped3A_281 : memref<!tpu.dma_semaphore, #tpu.memory_space<semaphore_mem>>)
        %dma_wait3A_286 = arith.constant 0 : i32
        %dma_wait3A_287 = tpu.memref_slice %arg12[%multiple_of3A, %dma_wait3A_286] : memref<10240x128xf32, #tpu.memory_space<vmem_shared>> -> memref<80x128xf32, #tpu.memory_space<vmem_shared>>
        %dma_wait3A_288 = arith.constant 0 : i32
        %dma_wait3A_289 = tpu.memref_slice %arg12[%multiple_of3A, %dma_wait3A_288] : memref<10240x128xf32, #tpu.memory_space<vmem_shared>> -> memref<80x128xf32, #tpu.memory_space<vmem_shared>>
        tpu.wait_dma2 semaphore(%run_scoped3A_281 : memref<!tpu.dma_semaphore, #tpu.memory_space<semaphore_mem>>) src(%dma_wait3A_289 : memref<80x128xf32, #tpu.memory_space<vmem_shared>>) dst(%arg17 : memref<80x128xf32, #tpu.memory_space<vmem>>)
        tpu.yield
      }) : () -> ()
      %run_scoped3A = arith.constant 1 : i32
      "tpu.region"() ({
        %run_scoped3A_281 = tpu.sem_alloc : memref<!tpu.dma_semaphore, #tpu.memory_space<semaphore_mem>>
        %dma_start3A_282 = arith.constant 0 : i32
        %dma_start3A_283 = tpu.memref_slice %arg11[%run_scoped3A, %arg0, %multiple_of3A, %dma_start3A_282] : memref<6x2x10240x128xf32, #tpu.memory_space<hbm>> -> memref<1x1x80x128xf32, #tpu.memory_space<hbm>>
        %dma_start3A_284 = tpu.memref_squeeze %dma_start3A_283 : memref<1x1x80x128xf32, #tpu.memory_space<hbm>> -> memref<80x128xf32, #tpu.memory_space<hbm>>
        %dma_start3A_285 = arith.constant 0 : i32
        %dma_start3A_286 = tpu.memref_slice %arg11[%run_scoped3A, %arg0, %multiple_of3A, %dma_start3A_285] : memref<6x2x10240x128xf32, #tpu.memory_space<hbm>> -> memref<1x1x80x128xf32, #tpu.memory_space<hbm>>
        %dma_start3A_287 = tpu.memref_squeeze %dma_start3A_286 : memref<1x1x80x128xf32, #tpu.memory_space<hbm>> -> memref<80x128xf32, #tpu.memory_space<hbm>>
        tpu.enqueue_dma source(%arg17 : memref<80x128xf32, #tpu.memory_space<vmem>>) target(%dma_start3A_287 : memref<80x128xf32, #tpu.memory_space<hbm>>) target_semaphore(%run_scoped3A_281 : memref<!tpu.dma_semaphore, #tpu.memory_space<semaphore_mem>>)
        %dma_wait3A_288 = arith.constant 0 : i32
        %dma_wait3A_289 = tpu.memref_slice %arg11[%run_scoped3A, %arg0, %multiple_of3A, %dma_wait3A_288] : memref<6x2x10240x128xf32, #tpu.memory_space<hbm>> -> memref<1x1x80x128xf32, #tpu.memory_space<hbm>>
        %dma_wait3A_290 = tpu.memref_squeeze %dma_wait3A_289 : memref<1x1x80x128xf32, #tpu.memory_space<hbm>> -> memref<80x128xf32, #tpu.memory_space<hbm>>
        %dma_wait3A_291 = arith.constant 0 : i32
        %dma_wait3A_292 = tpu.memref_slice %arg11[%run_scoped3A, %arg0, %multiple_of3A, %dma_wait3A_291] : memref<6x2x10240x128xf32, #tpu.memory_space<hbm>> -> memref<1x1x80x128xf32, #tpu.memory_space<hbm>>
        %dma_wait3A_293 = tpu.memref_squeeze %dma_wait3A_292 : memref<1x1x80x128xf32, #tpu.memory_space<hbm>> -> memref<80x128xf32, #tpu.memory_space<hbm>>
        tpu.wait_dma2 semaphore(%run_scoped3A_281 : memref<!tpu.dma_semaphore, #tpu.memory_space<semaphore_mem>>) src(%arg17 : memref<80x128xf32, #tpu.memory_space<vmem>>) dst(%dma_wait3A_293 : memref<80x128xf32, #tpu.memory_space<hbm>>)
        tpu.yield
      }) : () -> ()
    }
    %scan3A_106 = arith.constant 8 : i32
    %scan3A_107 = arith.constant 0 : i32
    %scan3A_108 = arith.constant 0 : i32
    %scan3A_109 = arith.constant 80 : i32
    %scan3A_110 = arith.addi %scan3A_108, %scan3A_109 : i32
    %scan3A_111 = arith.constant 1 : i32
    scf.for %scan3A_277 = %scan3A_108 to %scan3A_110 step %scan3A_111  : i32 {
      %mul3A_278 = arith.constant 8 : i32
      %mul3A_279 = arith.muli %scan3A_277, %mul3A_278 : i32
      %add3A_280 = arith.addi %mul3A_2, %mul3A_279 : i32
      %multiple_of3A = tpu.assume_multiple %add3A_280, 8 : i32
      "tpu.region"() ({
        %run_scoped3A = tpu.sem_alloc : memref<!tpu.dma_semaphore, #tpu.memory_space<semaphore_mem>>
        %dma_start3A_281 = arith.constant 0 : i32
        %dma_start3A_282 = tpu.memref_slice %arg12[%multiple_of3A, %dma_start3A_281] : memref<10240x128xf32, #tpu.memory_space<vmem_shared>> -> memref<8x128xf32, #tpu.memory_space<vmem_shared>>
        %dma_start3A_283 = arith.constant 0 : i32
        %dma_start3A_284 = tpu.memref_slice %arg12[%multiple_of3A, %dma_start3A_283] : memref<10240x128xf32, #tpu.memory_space<vmem_shared>> -> memref<8x128xf32, #tpu.memory_space<vmem_shared>>
        tpu.enqueue_dma source(%arg19 : memref<8x128xf32, #tpu.memory_space<vmem>>) target(%dma_start3A_284 : memref<8x128xf32, #tpu.memory_space<vmem_shared>>) target_semaphore(%run_scoped3A : memref<!tpu.dma_semaphore, #tpu.memory_space<semaphore_mem>>)
        %dma_wait3A_285 = arith.constant 0 : i32
        %dma_wait3A_286 = tpu.memref_slice %arg12[%multiple_of3A, %dma_wait3A_285] : memref<10240x128xf32, #tpu.memory_space<vmem_shared>> -> memref<8x128xf32, #tpu.memory_space<vmem_shared>>
        %dma_wait3A_287 = arith.constant 0 : i32
        %dma_wait3A_288 = tpu.memref_slice %arg12[%multiple_of3A, %dma_wait3A_287] : memref<10240x128xf32, #tpu.memory_space<vmem_shared>> -> memref<8x128xf32, #tpu.memory_space<vmem_shared>>
        tpu.wait_dma2 semaphore(%run_scoped3A : memref<!tpu.dma_semaphore, #tpu.memory_space<semaphore_mem>>) src(%arg19 : memref<8x128xf32, #tpu.memory_space<vmem>>) dst(%dma_wait3A_288 : memref<8x128xf32, #tpu.memory_space<vmem_shared>>)
        tpu.yield
      }) : () -> ()
    }
    %scan3A_112 = arith.constant 80 : i32
    %barrier3A_113 = arith.constant 0 : index
    tpu.barrier barrier_id(%barrier3A_113)
    %add3A_114 = arith.constant 0 : i32
    %add3A_115 = arith.addi %mul3A_4, %add3A_114 : i32
    "tpu.region"() ({
      %run_scoped3A = tpu.sem_alloc : memref<!tpu.dma_semaphore, #tpu.memory_space<semaphore_mem>>
      %dma_start3A_277 = tpu.memref_slice %arg6[%add3A_115] : memref<320000xi32, #tpu.memory_space<hbm>> -> memref<80xi32, #tpu.memory_space<hbm>>
      %dma_start3A_278 = tpu.memref_slice %arg6[%add3A_115] : memref<320000xi32, #tpu.memory_space<hbm>> -> memref<80xi32, #tpu.memory_space<hbm>>
      tpu.enqueue_dma source(%dma_start3A_278 : memref<80xi32, #tpu.memory_space<hbm>>) target(%arg13 : memref<80xi32, #tpu.memory_space<vmem>>) target_semaphore(%run_scoped3A : memref<!tpu.dma_semaphore, #tpu.memory_space<semaphore_mem>>)
      %dma_wait3A_279 = tpu.memref_slice %arg6[%add3A_115] : memref<320000xi32, #tpu.memory_space<hbm>> -> memref<80xi32, #tpu.memory_space<hbm>>
      %dma_wait3A_280 = tpu.memref_slice %arg6[%add3A_115] : memref<320000xi32, #tpu.memory_space<hbm>> -> memref<80xi32, #tpu.memory_space<hbm>>
      tpu.wait_dma2 semaphore(%run_scoped3A : memref<!tpu.dma_semaphore, #tpu.memory_space<semaphore_mem>>) src(%dma_wait3A_280 : memref<80xi32, #tpu.memory_space<hbm>>) dst(%arg13 : memref<80xi32, #tpu.memory_space<vmem>>)
      tpu.yield
    }) : () -> ()
    "tpu.region"() ({
      %run_scoped3A = tpu.sem_alloc : memref<!tpu.dma_semaphore, #tpu.memory_space<semaphore_mem>>
      %dma_start3A_277 = tpu.memref_slice %arg7[%add3A_115] : memref<320000xi32, #tpu.memory_space<hbm>> -> memref<80xi32, #tpu.memory_space<hbm>>
      %dma_start3A_278 = tpu.memref_slice %arg7[%add3A_115] : memref<320000xi32, #tpu.memory_space<hbm>> -> memref<80xi32, #tpu.memory_space<hbm>>
      tpu.enqueue_dma source(%dma_start3A_278 : memref<80xi32, #tpu.memory_space<hbm>>) target(%arg15 : memref<80xi32, #tpu.memory_space<vmem>>) target_semaphore(%run_scoped3A : memref<!tpu.dma_semaphore, #tpu.memory_space<semaphore_mem>>)
      %dma_wait3A_279 = tpu.memref_slice %arg7[%add3A_115] : memref<320000xi32, #tpu.memory_space<hbm>> -> memref<80xi32, #tpu.memory_space<hbm>>
      %dma_wait3A_280 = tpu.memref_slice %arg7[%add3A_115] : memref<320000xi32, #tpu.memory_space<hbm>> -> memref<80xi32, #tpu.memory_space<hbm>>
      tpu.wait_dma2 semaphore(%run_scoped3A : memref<!tpu.dma_semaphore, #tpu.memory_space<semaphore_mem>>) src(%dma_wait3A_280 : memref<80xi32, #tpu.memory_space<hbm>>) dst(%arg15 : memref<80xi32, #tpu.memory_space<vmem>>)
      tpu.yield
    }) : () -> ()
    %dma_start3A_116 = arith.constant 0 : i32
    %dma_start3A_117 = arith.constant 0 : i32
    %dma_start3A_118 = tpu.memref_slice %arg10[%dma_start3A_116, %dma_start3A_117] : memref<10000x128xf32, #tpu.memory_space<hbm>> -> memref<10000x128xf32, #tpu.memory_space<hbm>>
    tpu.enqueue_indirect_dma source(%dma_start3A_118 : memref<10000x128xf32, #tpu.memory_space<hbm>>) target(%arg17 : memref<80x128xf32, #tpu.memory_space<vmem>>) offsets(%arg13 : memref<80xi32, #tpu.memory_space<vmem>>) semaphore(%arg20 : memref<!tpu.dma_semaphore, #tpu.memory_space<semaphore_mem>>)
    %add3A_119 = arith.constant 80 : i32
    %add3A_120 = arith.addi %mul3A_4, %add3A_119 : i32
    "tpu.region"() ({
      %run_scoped3A = tpu.sem_alloc : memref<!tpu.dma_semaphore, #tpu.memory_space<semaphore_mem>>
      %dma_start3A_277 = tpu.memref_slice %arg6[%add3A_120] : memref<320000xi32, #tpu.memory_space<hbm>> -> memref<80xi32, #tpu.memory_space<hbm>>
      %dma_start3A_278 = tpu.memref_slice %arg6[%add3A_120] : memref<320000xi32, #tpu.memory_space<hbm>> -> memref<80xi32, #tpu.memory_space<hbm>>
      tpu.enqueue_dma source(%dma_start3A_278 : memref<80xi32, #tpu.memory_space<hbm>>) target(%arg14 : memref<80xi32, #tpu.memory_space<vmem>>) target_semaphore(%run_scoped3A : memref<!tpu.dma_semaphore, #tpu.memory_space<semaphore_mem>>)
      %dma_wait3A_279 = tpu.memref_slice %arg6[%add3A_120] : memref<320000xi32, #tpu.memory_space<hbm>> -> memref<80xi32, #tpu.memory_space<hbm>>
      %dma_wait3A_280 = tpu.memref_slice %arg6[%add3A_120] : memref<320000xi32, #tpu.memory_space<hbm>> -> memref<80xi32, #tpu.memory_space<hbm>>
      tpu.wait_dma2 semaphore(%run_scoped3A : memref<!tpu.dma_semaphore, #tpu.memory_space<semaphore_mem>>) src(%dma_wait3A_280 : memref<80xi32, #tpu.memory_space<hbm>>) dst(%arg14 : memref<80xi32, #tpu.memory_space<vmem>>)
      tpu.yield
    }) : () -> ()
    "tpu.region"() ({
      %run_scoped3A = tpu.sem_alloc : memref<!tpu.dma_semaphore, #tpu.memory_space<semaphore_mem>>
      %dma_start3A_277 = tpu.memref_slice %arg7[%add3A_120] : memref<320000xi32, #tpu.memory_space<hbm>> -> memref<80xi32, #tpu.memory_space<hbm>>
      %dma_start3A_278 = tpu.memref_slice %arg7[%add3A_120] : memref<320000xi32, #tpu.memory_space<hbm>> -> memref<80xi32, #tpu.memory_space<hbm>>
      tpu.enqueue_dma source(%dma_start3A_278 : memref<80xi32, #tpu.memory_space<hbm>>) target(%arg16 : memref<80xi32, #tpu.memory_space<vmem>>) target_semaphore(%run_scoped3A : memref<!tpu.dma_semaphore, #tpu.memory_space<semaphore_mem>>)
      %dma_wait3A_279 = tpu.memref_slice %arg7[%add3A_120] : memref<320000xi32, #tpu.memory_space<hbm>> -> memref<80xi32, #tpu.memory_space<hbm>>
      %dma_wait3A_280 = tpu.memref_slice %arg7[%add3A_120] : memref<320000xi32, #tpu.memory_space<hbm>> -> memref<80xi32, #tpu.memory_space<hbm>>
      tpu.wait_dma2 semaphore(%run_scoped3A : memref<!tpu.dma_semaphore, #tpu.memory_space<semaphore_mem>>) src(%dma_wait3A_280 : memref<80xi32, #tpu.memory_space<hbm>>) dst(%arg16 : memref<80xi32, #tpu.memory_space<vmem>>)
      tpu.yield
    }) : () -> ()
    %dma_start3A_121 = arith.constant 0 : i32
    %dma_start3A_122 = arith.constant 0 : i32
    %dma_start3A_123 = tpu.memref_slice %arg10[%dma_start3A_121, %dma_start3A_122] : memref<10000x128xf32, #tpu.memory_space<hbm>> -> memref<10000x128xf32, #tpu.memory_space<hbm>>
    tpu.enqueue_indirect_dma source(%dma_start3A_123 : memref<10000x128xf32, #tpu.memory_space<hbm>>) target(%arg18 : memref<80x128xf32, #tpu.memory_space<vmem>>) offsets(%arg14 : memref<80xi32, #tpu.memory_space<vmem>>) semaphore(%arg21 : memref<!tpu.dma_semaphore, #tpu.memory_space<semaphore_mem>>)
    %scan3A_124 = arith.constant 0 : i32
    %scan3A_125 = arith.constant 1 : i32
    %scan3A_126 = arith.constant 61 : i32
    %scan3A_127 = arith.addi %scan3A_125, %scan3A_126 : i32
    %scan3A_128 = arith.constant 1 : i32
    scf.for %scan3A_277 = %scan3A_125 to %scan3A_127 step %scan3A_128  : i32 {
      %dma_wait3A_278 = arith.constant 0 : i32
      %dma_wait3A_279 = arith.constant 0 : i32
      %dma_wait3A_280 = tpu.memref_slice %arg10[%dma_wait3A_278, %dma_wait3A_279] : memref<10000x128xf32, #tpu.memory_space<hbm>> -> memref<80x128xf32, #tpu.memory_space<hbm>>
      %dma_wait3A_281 = arith.constant 0 : i32
      %dma_wait3A_282 = arith.constant 0 : i32
      %dma_wait3A_283 = tpu.memref_slice %arg10[%dma_wait3A_281, %dma_wait3A_282] : memref<10000x128xf32, #tpu.memory_space<hbm>> -> memref<80x128xf32, #tpu.memory_space<hbm>>
      tpu.wait_dma2 semaphore(%arg20 : memref<!tpu.dma_semaphore, #tpu.memory_space<semaphore_mem>>) src(%dma_wait3A_283 : memref<80x128xf32, #tpu.memory_space<hbm>>) dst(%arg17 : memref<80x128xf32, #tpu.memory_space<vmem>>)
      "tpu.region"() ({
        %run_scoped3A = tpu.sem_alloc : memref<!tpu.dma_semaphore, #tpu.memory_space<semaphore_mem>>
        %dma_start3A_334 = arith.constant 0 : i32
        %dma_start3A_335 = arith.constant 0 : i32
        %dma_start3A_336 = tpu.memref_slice %arg12[%dma_start3A_334, %dma_start3A_335] : memref<10240x128xf32, #tpu.memory_space<vmem_shared>> -> memref<10240x128xf32, #tpu.memory_space<vmem_shared>>
        tpu.enqueue_indirect_dma source(%arg17 : memref<80x128xf32, #tpu.memory_space<vmem>>) target(%dma_start3A_336 : memref<10240x128xf32, #tpu.memory_space<vmem_shared>>) offsets(%arg15 : memref<80xi32, #tpu.memory_space<vmem>>) semaphore(%run_scoped3A : memref<!tpu.dma_semaphore, #tpu.memory_space<semaphore_mem>>) {add = true}
        %dma_wait3A_337 = arith.constant 0 : i32
        %dma_wait3A_338 = arith.constant 0 : i32
        %dma_wait3A_339 = tpu.memref_slice %arg12[%dma_wait3A_337, %dma_wait3A_338] : memref<10240x128xf32, #tpu.memory_space<vmem_shared>> -> memref<10240x128xf32, #tpu.memory_space<vmem_shared>>
        tpu.wait_indirect_dma semaphore(%run_scoped3A : memref<!tpu.dma_semaphore, #tpu.memory_space<semaphore_mem>>) src(%arg17 : memref<80x128xf32, #tpu.memory_space<vmem>>) dst(%dma_wait3A_339 : memref<10240x128xf32, #tpu.memory_space<vmem_shared>>)
        tpu.yield
      }) : () -> ()
      %mul3A_284 = arith.constant 2 : i32
      %mul3A_285 = arith.muli %mul3A_284, %scan3A_277 : i32
      %add3A_286 = arith.constant 0 : i32
      %add3A_287 = arith.addi %mul3A_285, %add3A_286 : i32
      %mul3A_288 = arith.constant 80 : i32
      %mul3A_289 = arith.muli %add3A_287, %mul3A_288 : i32
      %add3A_290 = arith.addi %mul3A_4, %mul3A_289 : i32
      %dma_start3A_291 = tpu.memref_slice %arg6[%add3A_290] : memref<320000xi32, #tpu.memory_space<hbm>> -> memref<80xi32, #tpu.memory_space<hbm>>
      %dma_start3A_292 = tpu.memref_slice %arg6[%add3A_290] : memref<320000xi32, #tpu.memory_space<hbm>> -> memref<80xi32, #tpu.memory_space<hbm>>
      tpu.enqueue_dma source(%dma_start3A_292 : memref<80xi32, #tpu.memory_space<hbm>>) target(%arg13 : memref<80xi32, #tpu.memory_space<vmem>>) target_semaphore(%arg22 : memref<!tpu.dma_semaphore, #tpu.memory_space<semaphore_mem>>)
      %dma_start3A_293 = tpu.memref_slice %arg7[%add3A_290] : memref<320000xi32, #tpu.memory_space<hbm>> -> memref<80xi32, #tpu.memory_space<hbm>>
      %dma_start3A_294 = tpu.memref_slice %arg7[%add3A_290] : memref<320000xi32, #tpu.memory_space<hbm>> -> memref<80xi32, #tpu.memory_space<hbm>>
      tpu.enqueue_dma source(%dma_start3A_294 : memref<80xi32, #tpu.memory_space<hbm>>) target(%arg15 : memref<80xi32, #tpu.memory_space<vmem>>) target_semaphore(%arg22 : memref<!tpu.dma_semaphore, #tpu.memory_space<semaphore_mem>>)
      %dma_wait3A_295 = arith.constant 0 : i32
      %dma_wait3A_296 = arith.constant 0 : i32
      %dma_wait3A_297 = tpu.memref_slice %arg10[%dma_wait3A_295, %dma_wait3A_296] : memref<10000x128xf32, #tpu.memory_space<hbm>> -> memref<80x128xf32, #tpu.memory_space<hbm>>
      %dma_wait3A_298 = arith.constant 0 : i32
      %dma_wait3A_299 = arith.constant 0 : i32
      %dma_wait3A_300 = tpu.memref_slice %arg10[%dma_wait3A_298, %dma_wait3A_299] : memref<10000x128xf32, #tpu.memory_space<hbm>> -> memref<80x128xf32, #tpu.memory_space<hbm>>
      tpu.wait_dma2 semaphore(%arg21 : memref<!tpu.dma_semaphore, #tpu.memory_space<semaphore_mem>>) src(%dma_wait3A_300 : memref<80x128xf32, #tpu.memory_space<hbm>>) dst(%arg18 : memref<80x128xf32, #tpu.memory_space<vmem>>)
      "tpu.region"() ({
        %run_scoped3A = tpu.sem_alloc : memref<!tpu.dma_semaphore, #tpu.memory_space<semaphore_mem>>
        %dma_start3A_334 = arith.constant 0 : i32
        %dma_start3A_335 = arith.constant 0 : i32
        %dma_start3A_336 = tpu.memref_slice %arg12[%dma_start3A_334, %dma_start3A_335] : memref<10240x128xf32, #tpu.memory_space<vmem_shared>> -> memref<10240x128xf32, #tpu.memory_space<vmem_shared>>
        tpu.enqueue_indirect_dma source(%arg18 : memref<80x128xf32, #tpu.memory_space<vmem>>) target(%dma_start3A_336 : memref<10240x128xf32, #tpu.memory_space<vmem_shared>>) offsets(%arg16 : memref<80xi32, #tpu.memory_space<vmem>>) semaphore(%run_scoped3A : memref<!tpu.dma_semaphore, #tpu.memory_space<semaphore_mem>>) {add = true}
        %dma_wait3A_337 = arith.constant 0 : i32
        %dma_wait3A_338 = arith.constant 0 : i32
        %dma_wait3A_339 = tpu.memref_slice %arg12[%dma_wait3A_337, %dma_wait3A_338] : memref<10240x128xf32, #tpu.memory_space<vmem_shared>> -> memref<10240x128xf32, #tpu.memory_space<vmem_shared>>
        tpu.wait_indirect_dma semaphore(%run_scoped3A : memref<!tpu.dma_semaphore, #tpu.memory_space<semaphore_mem>>) src(%arg18 : memref<80x128xf32, #tpu.memory_space<vmem>>) dst(%dma_wait3A_339 : memref<10240x128xf32, #tpu.memory_space<vmem_shared>>)
        tpu.yield
      }) : () -> ()
      %mul3A_301 = arith.constant 2 : i32
      %mul3A_302 = arith.muli %mul3A_301, %scan3A_277 : i32
      %add3A_303 = arith.constant 1 : i32
      %add3A_304 = arith.addi %mul3A_302, %add3A_303 : i32
      %mul3A_305 = arith.constant 80 : i32
      %mul3A_306 = arith.muli %add3A_304, %mul3A_305 : i32
      %add3A_307 = arith.addi %mul3A_4, %mul3A_306 : i32
      %dma_start3A_308 = tpu.memref_slice %arg6[%add3A_307] : memref<320000xi32, #tpu.memory_space<hbm>> -> memref<80xi32, #tpu.memory_space<hbm>>
      %dma_start3A_309 = tpu.memref_slice %arg6[%add3A_307] : memref<320000xi32, #tpu.memory_space<hbm>> -> memref<80xi32, #tpu.memory_space<hbm>>
      tpu.enqueue_dma source(%dma_start3A_309 : memref<80xi32, #tpu.memory_space<hbm>>) target(%arg14 : memref<80xi32, #tpu.memory_space<vmem>>) target_semaphore(%arg23 : memref<!tpu.dma_semaphore, #tpu.memory_space<semaphore_mem>>)
      %dma_start3A_310 = tpu.memref_slice %arg7[%add3A_307] : memref<320000xi32, #tpu.memory_space<hbm>> -> memref<80xi32, #tpu.memory_space<hbm>>
      %dma_start3A_311 = tpu.memref_slice %arg7[%add3A_307] : memref<320000xi32, #tpu.memory_space<hbm>> -> memref<80xi32, #tpu.memory_space<hbm>>
      tpu.enqueue_dma source(%dma_start3A_311 : memref<80xi32, #tpu.memory_space<hbm>>) target(%arg16 : memref<80xi32, #tpu.memory_space<vmem>>) target_semaphore(%arg23 : memref<!tpu.dma_semaphore, #tpu.memory_space<semaphore_mem>>)
      %dma_wait3A_312 = arith.constant 0 : i32
      %dma_wait3A_313 = tpu.memref_slice %arg6[%dma_wait3A_312] : memref<320000xi32, #tpu.memory_space<hbm>> -> memref<80xi32, #tpu.memory_space<hbm>>
      %dma_wait3A_314 = arith.constant 0 : i32
      %dma_wait3A_315 = tpu.memref_slice %arg6[%dma_wait3A_314] : memref<320000xi32, #tpu.memory_space<hbm>> -> memref<80xi32, #tpu.memory_space<hbm>>
      tpu.wait_dma2 semaphore(%arg22 : memref<!tpu.dma_semaphore, #tpu.memory_space<semaphore_mem>>) src(%dma_wait3A_315 : memref<80xi32, #tpu.memory_space<hbm>>) dst(%arg13 : memref<80xi32, #tpu.memory_space<vmem>>)
      %dma_wait3A_316 = arith.constant 0 : i32
      %dma_wait3A_317 = tpu.memref_slice %arg7[%dma_wait3A_316] : memref<320000xi32, #tpu.memory_space<hbm>> -> memref<80xi32, #tpu.memory_space<hbm>>
      %dma_wait3A_318 = arith.constant 0 : i32
      %dma_wait3A_319 = tpu.memref_slice %arg7[%dma_wait3A_318] : memref<320000xi32, #tpu.memory_space<hbm>> -> memref<80xi32, #tpu.memory_space<hbm>>
      tpu.wait_dma2 semaphore(%arg22 : memref<!tpu.dma_semaphore, #tpu.memory_space<semaphore_mem>>) src(%dma_wait3A_319 : memref<80xi32, #tpu.memory_space<hbm>>) dst(%arg15 : memref<80xi32, #tpu.memory_space<vmem>>)
      %dma_start3A_320 = arith.constant 0 : i32
      %dma_start3A_321 = arith.constant 0 : i32
      %dma_start3A_322 = tpu.memref_slice %arg10[%dma_start3A_320, %dma_start3A_321] : memref<10000x128xf32, #tpu.memory_space<hbm>> -> memref<10000x128xf32, #tpu.memory_space<hbm>>
      tpu.enqueue_indirect_dma source(%dma_start3A_322 : memref<10000x128xf32, #tpu.memory_space<hbm>>) target(%arg17 : memref<80x128xf32, #tpu.memory_space<vmem>>) offsets(%arg13 : memref<80xi32, #tpu.memory_space<vmem>>) semaphore(%arg20 : memref<!tpu.dma_semaphore, #tpu.memory_space<semaphore_mem>>)
      %dma_wait3A_323 = arith.constant 0 : i32
      %dma_wait3A_324 = tpu.memref_slice %arg6[%dma_wait3A_323] : memref<320000xi32, #tpu.memory_space<hbm>> -> memref<80xi32, #tpu.memory_space<hbm>>
      %dma_wait3A_325 = arith.constant 0 : i32
      %dma_wait3A_326 = tpu.memref_slice %arg6[%dma_wait3A_325] : memref<320000xi32, #tpu.memory_space<hbm>> -> memref<80xi32, #tpu.memory_space<hbm>>
      tpu.wait_dma2 semaphore(%arg23 : memref<!tpu.dma_semaphore, #tpu.memory_space<semaphore_mem>>) src(%dma_wait3A_326 : memref<80xi32, #tpu.memory_space<hbm>>) dst(%arg14 : memref<80xi32, #tpu.memory_space<vmem>>)
      %dma_wait3A_327 = arith.constant 0 : i32
      %dma_wait3A_328 = tpu.memref_slice %arg7[%dma_wait3A_327] : memref<320000xi32, #tpu.memory_space<hbm>> -> memref<80xi32, #tpu.memory_space<hbm>>
      %dma_wait3A_329 = arith.constant 0 : i32
      %dma_wait3A_330 = tpu.memref_slice %arg7[%dma_wait3A_329] : memref<320000xi32, #tpu.memory_space<hbm>> -> memref<80xi32, #tpu.memory_space<hbm>>
      tpu.wait_dma2 semaphore(%arg23 : memref<!tpu.dma_semaphore, #tpu.memory_space<semaphore_mem>>) src(%dma_wait3A_330 : memref<80xi32, #tpu.memory_space<hbm>>) dst(%arg16 : memref<80xi32, #tpu.memory_space<vmem>>)
      %dma_start3A_331 = arith.constant 0 : i32
      %dma_start3A_332 = arith.constant 0 : i32
      %dma_start3A_333 = tpu.memref_slice %arg10[%dma_start3A_331, %dma_start3A_332] : memref<10000x128xf32, #tpu.memory_space<hbm>> -> memref<10000x128xf32, #tpu.memory_space<hbm>>
      tpu.enqueue_indirect_dma source(%dma_start3A_333 : memref<10000x128xf32, #tpu.memory_space<hbm>>) target(%arg18 : memref<80x128xf32, #tpu.memory_space<vmem>>) offsets(%arg14 : memref<80xi32, #tpu.memory_space<vmem>>) semaphore(%arg21 : memref<!tpu.dma_semaphore, #tpu.memory_space<semaphore_mem>>)
    }
    %scan3A_129 = arith.constant 61 : i32
    %dma_wait3A_130 = arith.constant 0 : i32
    %dma_wait3A_131 = arith.constant 0 : i32
    %dma_wait3A_132 = tpu.memref_slice %arg10[%dma_wait3A_130, %dma_wait3A_131] : memref<10000x128xf32, #tpu.memory_space<hbm>> -> memref<80x128xf32, #tpu.memory_space<hbm>>
    %dma_wait3A_133 = arith.constant 0 : i32
    %dma_wait3A_134 = arith.constant 0 : i32
    %dma_wait3A_135 = tpu.memref_slice %arg10[%dma_wait3A_133, %dma_wait3A_134] : memref<10000x128xf32, #tpu.memory_space<hbm>> -> memref<80x128xf32, #tpu.memory_space<hbm>>
    tpu.wait_dma2 semaphore(%arg20 : memref<!tpu.dma_semaphore, #tpu.memory_space<semaphore_mem>>) src(%dma_wait3A_135 : memref<80x128xf32, #tpu.memory_space<hbm>>) dst(%arg17 : memref<80x128xf32, #tpu.memory_space<vmem>>)
    "tpu.region"() ({
      %run_scoped3A = tpu.sem_alloc : memref<!tpu.dma_semaphore, #tpu.memory_space<semaphore_mem>>
      %dma_start3A_277 = arith.constant 0 : i32
      %dma_start3A_278 = arith.constant 0 : i32
      %dma_start3A_279 = tpu.memref_slice %arg12[%dma_start3A_277, %dma_start3A_278] : memref<10240x128xf32, #tpu.memory_space<vmem_shared>> -> memref<10240x128xf32, #tpu.memory_space<vmem_shared>>
      tpu.enqueue_indirect_dma source(%arg17 : memref<80x128xf32, #tpu.memory_space<vmem>>) target(%dma_start3A_279 : memref<10240x128xf32, #tpu.memory_space<vmem_shared>>) offsets(%arg15 : memref<80xi32, #tpu.memory_space<vmem>>) semaphore(%run_scoped3A : memref<!tpu.dma_semaphore, #tpu.memory_space<semaphore_mem>>) {add = true}
      %dma_wait3A_280 = arith.constant 0 : i32
      %dma_wait3A_281 = arith.constant 0 : i32
      %dma_wait3A_282 = tpu.memref_slice %arg12[%dma_wait3A_280, %dma_wait3A_281] : memref<10240x128xf32, #tpu.memory_space<vmem_shared>> -> memref<10240x128xf32, #tpu.memory_space<vmem_shared>>
      tpu.wait_indirect_dma semaphore(%run_scoped3A : memref<!tpu.dma_semaphore, #tpu.memory_space<semaphore_mem>>) src(%arg17 : memref<80x128xf32, #tpu.memory_space<vmem>>) dst(%dma_wait3A_282 : memref<10240x128xf32, #tpu.memory_space<vmem_shared>>)
      tpu.yield
    }) : () -> ()
    %dma_wait3A_136 = arith.constant 0 : i32
    %dma_wait3A_137 = arith.constant 0 : i32
    %dma_wait3A_138 = tpu.memref_slice %arg10[%dma_wait3A_136, %dma_wait3A_137] : memref<10000x128xf32, #tpu.memory_space<hbm>> -> memref<80x128xf32, #tpu.memory_space<hbm>>
    %dma_wait3A_139 = arith.constant 0 : i32
    %dma_wait3A_140 = arith.constant 0 : i32
    %dma_wait3A_141 = tpu.memref_slice %arg10[%dma_wait3A_139, %dma_wait3A_140] : memref<10000x128xf32, #tpu.memory_space<hbm>> -> memref<80x128xf32, #tpu.memory_space<hbm>>
    tpu.wait_dma2 semaphore(%arg21 : memref<!tpu.dma_semaphore, #tpu.memory_space<semaphore_mem>>) src(%dma_wait3A_141 : memref<80x128xf32, #tpu.memory_space<hbm>>) dst(%arg18 : memref<80x128xf32, #tpu.memory_space<vmem>>)
    "tpu.region"() ({
      %run_scoped3A = tpu.sem_alloc : memref<!tpu.dma_semaphore, #tpu.memory_space<semaphore_mem>>
      %dma_start3A_277 = arith.constant 0 : i32
      %dma_start3A_278 = arith.constant 0 : i32
      %dma_start3A_279 = tpu.memref_slice %arg12[%dma_start3A_277, %dma_start3A_278] : memref<10240x128xf32, #tpu.memory_space<vmem_shared>> -> memref<10240x128xf32, #tpu.memory_space<vmem_shared>>
      tpu.enqueue_indirect_dma source(%arg18 : memref<80x128xf32, #tpu.memory_space<vmem>>) target(%dma_start3A_279 : memref<10240x128xf32, #tpu.memory_space<vmem_shared>>) offsets(%arg16 : memref<80xi32, #tpu.memory_space<vmem>>) semaphore(%run_scoped3A : memref<!tpu.dma_semaphore, #tpu.memory_space<semaphore_mem>>) {add = true}
      %dma_wait3A_280 = arith.constant 0 : i32
      %dma_wait3A_281 = arith.constant 0 : i32
      %dma_wait3A_282 = tpu.memref_slice %arg12[%dma_wait3A_280, %dma_wait3A_281] : memref<10240x128xf32, #tpu.memory_space<vmem_shared>> -> memref<10240x128xf32, #tpu.memory_space<vmem_shared>>
      tpu.wait_indirect_dma semaphore(%run_scoped3A : memref<!tpu.dma_semaphore, #tpu.memory_space<semaphore_mem>>) src(%arg18 : memref<80x128xf32, #tpu.memory_space<vmem>>) dst(%dma_wait3A_282 : memref<10240x128xf32, #tpu.memory_space<vmem_shared>>)
      tpu.yield
    }) : () -> ()
    %add3A_142 = arith.constant 9920 : i32
    %add3A_143 = arith.addi %mul3A_4, %add3A_142 : i32
    "tpu.region"() ({
      %run_scoped3A = tpu.sem_alloc : memref<!tpu.dma_semaphore, #tpu.memory_space<semaphore_mem>>
      %dma_start3A_277 = tpu.memref_slice %arg6[%add3A_143] : memref<320000xi32, #tpu.memory_space<hbm>> -> memref<80xi32, #tpu.memory_space<hbm>>
      %dma_start3A_278 = tpu.memref_slice %arg6[%add3A_143] : memref<320000xi32, #tpu.memory_space<hbm>> -> memref<80xi32, #tpu.memory_space<hbm>>
      tpu.enqueue_dma source(%dma_start3A_278 : memref<80xi32, #tpu.memory_space<hbm>>) target(%arg13 : memref<80xi32, #tpu.memory_space<vmem>>) target_semaphore(%run_scoped3A : memref<!tpu.dma_semaphore, #tpu.memory_space<semaphore_mem>>)
      %dma_wait3A_279 = tpu.memref_slice %arg6[%add3A_143] : memref<320000xi32, #tpu.memory_space<hbm>> -> memref<80xi32, #tpu.memory_space<hbm>>
      %dma_wait3A_280 = tpu.memref_slice %arg6[%add3A_143] : memref<320000xi32, #tpu.memory_space<hbm>> -> memref<80xi32, #tpu.memory_space<hbm>>
      tpu.wait_dma2 semaphore(%run_scoped3A : memref<!tpu.dma_semaphore, #tpu.memory_space<semaphore_mem>>) src(%dma_wait3A_280 : memref<80xi32, #tpu.memory_space<hbm>>) dst(%arg13 : memref<80xi32, #tpu.memory_space<vmem>>)
      tpu.yield
    }) : () -> ()
    "tpu.region"() ({
      %run_scoped3A = tpu.sem_alloc : memref<!tpu.dma_semaphore, #tpu.memory_space<semaphore_mem>>
      %dma_start3A_277 = tpu.memref_slice %arg7[%add3A_143] : memref<320000xi32, #tpu.memory_space<hbm>> -> memref<80xi32, #tpu.memory_space<hbm>>
      %dma_start3A_278 = tpu.memref_slice %arg7[%add3A_143] : memref<320000xi32, #tpu.memory_space<hbm>> -> memref<80xi32, #tpu.memory_space<hbm>>
      tpu.enqueue_dma source(%dma_start3A_278 : memref<80xi32, #tpu.memory_space<hbm>>) target(%arg15 : memref<80xi32, #tpu.memory_space<vmem>>) target_semaphore(%run_scoped3A : memref<!tpu.dma_semaphore, #tpu.memory_space<semaphore_mem>>)
      %dma_wait3A_279 = tpu.memref_slice %arg7[%add3A_143] : memref<320000xi32, #tpu.memory_space<hbm>> -> memref<80xi32, #tpu.memory_space<hbm>>
      %dma_wait3A_280 = tpu.memref_slice %arg7[%add3A_143] : memref<320000xi32, #tpu.memory_space<hbm>> -> memref<80xi32, #tpu.memory_space<hbm>>
      tpu.wait_dma2 semaphore(%run_scoped3A : memref<!tpu.dma_semaphore, #tpu.memory_space<semaphore_mem>>) src(%dma_wait3A_280 : memref<80xi32, #tpu.memory_space<hbm>>) dst(%arg15 : memref<80xi32, #tpu.memory_space<vmem>>)
      tpu.yield
    }) : () -> ()
    %dma_start3A_144 = arith.constant 0 : i32
    %dma_start3A_145 = arith.constant 0 : i32
    %dma_start3A_146 = tpu.memref_slice %arg10[%dma_start3A_144, %dma_start3A_145] : memref<10000x128xf32, #tpu.memory_space<hbm>> -> memref<10000x128xf32, #tpu.memory_space<hbm>>
    tpu.enqueue_indirect_dma source(%dma_start3A_146 : memref<10000x128xf32, #tpu.memory_space<hbm>>) target(%arg17 : memref<80x128xf32, #tpu.memory_space<vmem>>) offsets(%arg13 : memref<80xi32, #tpu.memory_space<vmem>>) semaphore(%arg20 : memref<!tpu.dma_semaphore, #tpu.memory_space<semaphore_mem>>)
    %dma_wait3A_147 = arith.constant 0 : i32
    %dma_wait3A_148 = arith.constant 0 : i32
    %dma_wait3A_149 = tpu.memref_slice %arg10[%dma_wait3A_147, %dma_wait3A_148] : memref<10000x128xf32, #tpu.memory_space<hbm>> -> memref<10000x128xf32, #tpu.memory_space<hbm>>
    tpu.wait_indirect_dma semaphore(%arg20 : memref<!tpu.dma_semaphore, #tpu.memory_space<semaphore_mem>>) src(%dma_wait3A_149 : memref<10000x128xf32, #tpu.memory_space<hbm>>) dst(%arg17 : memref<80x128xf32, #tpu.memory_space<vmem>>)
    "tpu.region"() ({
      %run_scoped3A = tpu.sem_alloc : memref<!tpu.dma_semaphore, #tpu.memory_space<semaphore_mem>>
      %dma_start3A_277 = arith.constant 0 : i32
      %dma_start3A_278 = arith.constant 0 : i32
      %dma_start3A_279 = tpu.memref_slice %arg12[%dma_start3A_277, %dma_start3A_278] : memref<10240x128xf32, #tpu.memory_space<vmem_shared>> -> memref<10240x128xf32, #tpu.memory_space<vmem_shared>>
      tpu.enqueue_indirect_dma source(%arg17 : memref<80x128xf32, #tpu.memory_space<vmem>>) target(%dma_start3A_279 : memref<10240x128xf32, #tpu.memory_space<vmem_shared>>) offsets(%arg15 : memref<80xi32, #tpu.memory_space<vmem>>) semaphore(%run_scoped3A : memref<!tpu.dma_semaphore, #tpu.memory_space<semaphore_mem>>) {add = true}
      %dma_wait3A_280 = arith.constant 0 : i32
      %dma_wait3A_281 = arith.constant 0 : i32
      %dma_wait3A_282 = tpu.memref_slice %arg12[%dma_wait3A_280, %dma_wait3A_281] : memref<10240x128xf32, #tpu.memory_space<vmem_shared>> -> memref<10240x128xf32, #tpu.memory_space<vmem_shared>>
      tpu.wait_indirect_dma semaphore(%run_scoped3A : memref<!tpu.dma_semaphore, #tpu.memory_space<semaphore_mem>>) src(%arg17 : memref<80x128xf32, #tpu.memory_space<vmem>>) dst(%dma_wait3A_282 : memref<10240x128xf32, #tpu.memory_space<vmem_shared>>)
      tpu.yield
    }) : () -> ()
    %barrier3A_150 = arith.constant 0 : index
    tpu.barrier barrier_id(%barrier3A_150)
    %scan3A_151 = arith.constant 0 : i32
    %scan3A_152 = arith.constant 0 : i32
    %scan3A_153 = arith.constant 8 : i32
    %scan3A_154 = arith.addi %scan3A_152, %scan3A_153 : i32
    %scan3A_155 = arith.constant 1 : i32
    scf.for %scan3A_277 = %scan3A_152 to %scan3A_154 step %scan3A_155  : i32 {
      %mul3A_278 = arith.constant 80 : i32
      %mul3A_279 = arith.muli %scan3A_277, %mul3A_278 : i32
      %add3A_280 = arith.addi %mul3A_2, %mul3A_279 : i32
      %multiple_of3A = tpu.assume_multiple %add3A_280, 8 : i32
      "tpu.region"() ({
        %run_scoped3A_281 = tpu.sem_alloc : memref<!tpu.dma_semaphore, #tpu.memory_space<semaphore_mem>>
        %dma_start3A_282 = arith.constant 0 : i32
        %dma_start3A_283 = tpu.memref_slice %arg12[%multiple_of3A, %dma_start3A_282] : memref<10240x128xf32, #tpu.memory_space<vmem_shared>> -> memref<80x128xf32, #tpu.memory_space<vmem_shared>>
        %dma_start3A_284 = arith.constant 0 : i32
        %dma_start3A_285 = tpu.memref_slice %arg12[%multiple_of3A, %dma_start3A_284] : memref<10240x128xf32, #tpu.memory_space<vmem_shared>> -> memref<80x128xf32, #tpu.memory_space<vmem_shared>>
        tpu.enqueue_dma source(%dma_start3A_285 : memref<80x128xf32, #tpu.memory_space<vmem_shared>>) target(%arg17 : memref<80x128xf32, #tpu.memory_space<vmem>>) target_semaphore(%run_scoped3A_281 : memref<!tpu.dma_semaphore, #tpu.memory_space<semaphore_mem>>)
        %dma_wait3A_286 = arith.constant 0 : i32
        %dma_wait3A_287 = tpu.memref_slice %arg12[%multiple_of3A, %dma_wait3A_286] : memref<10240x128xf32, #tpu.memory_space<vmem_shared>> -> memref<80x128xf32, #tpu.memory_space<vmem_shared>>
        %dma_wait3A_288 = arith.constant 0 : i32
        %dma_wait3A_289 = tpu.memref_slice %arg12[%multiple_of3A, %dma_wait3A_288] : memref<10240x128xf32, #tpu.memory_space<vmem_shared>> -> memref<80x128xf32, #tpu.memory_space<vmem_shared>>
        tpu.wait_dma2 semaphore(%run_scoped3A_281 : memref<!tpu.dma_semaphore, #tpu.memory_space<semaphore_mem>>) src(%dma_wait3A_289 : memref<80x128xf32, #tpu.memory_space<vmem_shared>>) dst(%arg17 : memref<80x128xf32, #tpu.memory_space<vmem>>)
        tpu.yield
      }) : () -> ()
      %run_scoped3A = arith.constant 2 : i32
      "tpu.region"() ({
        %run_scoped3A_281 = tpu.sem_alloc : memref<!tpu.dma_semaphore, #tpu.memory_space<semaphore_mem>>
        %dma_start3A_282 = arith.constant 0 : i32
        %dma_start3A_283 = tpu.memref_slice %arg11[%run_scoped3A, %arg0, %multiple_of3A, %dma_start3A_282] : memref<6x2x10240x128xf32, #tpu.memory_space<hbm>> -> memref<1x1x80x128xf32, #tpu.memory_space<hbm>>
        %dma_start3A_284 = tpu.memref_squeeze %dma_start3A_283 : memref<1x1x80x128xf32, #tpu.memory_space<hbm>> -> memref<80x128xf32, #tpu.memory_space<hbm>>
        %dma_start3A_285 = arith.constant 0 : i32
        %dma_start3A_286 = tpu.memref_slice %arg11[%run_scoped3A, %arg0, %multiple_of3A, %dma_start3A_285] : memref<6x2x10240x128xf32, #tpu.memory_space<hbm>> -> memref<1x1x80x128xf32, #tpu.memory_space<hbm>>
        %dma_start3A_287 = tpu.memref_squeeze %dma_start3A_286 : memref<1x1x80x128xf32, #tpu.memory_space<hbm>> -> memref<80x128xf32, #tpu.memory_space<hbm>>
        tpu.enqueue_dma source(%arg17 : memref<80x128xf32, #tpu.memory_space<vmem>>) target(%dma_start3A_287 : memref<80x128xf32, #tpu.memory_space<hbm>>) target_semaphore(%run_scoped3A_281 : memref<!tpu.dma_semaphore, #tpu.memory_space<semaphore_mem>>)
        %dma_wait3A_288 = arith.constant 0 : i32
        %dma_wait3A_289 = tpu.memref_slice %arg11[%run_scoped3A, %arg0, %multiple_of3A, %dma_wait3A_288] : memref<6x2x10240x128xf32, #tpu.memory_space<hbm>> -> memref<1x1x80x128xf32, #tpu.memory_space<hbm>>
        %dma_wait3A_290 = tpu.memref_squeeze %dma_wait3A_289 : memref<1x1x80x128xf32, #tpu.memory_space<hbm>> -> memref<80x128xf32, #tpu.memory_space<hbm>>
        %dma_wait3A_291 = arith.constant 0 : i32
        %dma_wait3A_292 = tpu.memref_slice %arg11[%run_scoped3A, %arg0, %multiple_of3A, %dma_wait3A_291] : memref<6x2x10240x128xf32, #tpu.memory_space<hbm>> -> memref<1x1x80x128xf32, #tpu.memory_space<hbm>>
        %dma_wait3A_293 = tpu.memref_squeeze %dma_wait3A_292 : memref<1x1x80x128xf32, #tpu.memory_space<hbm>> -> memref<80x128xf32, #tpu.memory_space<hbm>>
        tpu.wait_dma2 semaphore(%run_scoped3A_281 : memref<!tpu.dma_semaphore, #tpu.memory_space<semaphore_mem>>) src(%arg17 : memref<80x128xf32, #tpu.memory_space<vmem>>) dst(%dma_wait3A_293 : memref<80x128xf32, #tpu.memory_space<hbm>>)
        tpu.yield
      }) : () -> ()
    }
    %scan3A_156 = arith.constant 8 : i32
    %scan3A_157 = arith.constant 0 : i32
    %scan3A_158 = arith.constant 0 : i32
    %scan3A_159 = arith.constant 80 : i32
    %scan3A_160 = arith.addi %scan3A_158, %scan3A_159 : i32
    %scan3A_161 = arith.constant 1 : i32
    scf.for %scan3A_277 = %scan3A_158 to %scan3A_160 step %scan3A_161  : i32 {
      %broadcast_in_dim3A = arith.constant 1.000000e+00 : f32
      %broadcast_in_dim3A_278 = vector.broadcast %broadcast_in_dim3A : f32 to vector<16xf32>
      %swap3A = arith.index_cast %scan3A_277 : i32 to index
      %swap3A_279 = arith.constant 0 : index
      %swap3A_280 = tpu.vector_load %arg18[%swap3A, %swap3A_279] {strides = array<i32>} : memref<80x128xf32, #tpu.memory_space<vmem>>, vector<1x16xf32>,
      %swap3A_281 = vector.shape_cast %swap3A_280 : vector<1x16xf32> to vector<16xf32>
      %swap3A_282 = vector.shape_cast %broadcast_in_dim3A_278 : vector<16xf32> to vector<1x16xf32>
      tpu.vector_store %arg18[%swap3A, %swap3A_279], %swap3A_282 {strides = array<i32>} : memref<80x128xf32, #tpu.memory_space<vmem>>, vector<1x16xf32>,
      %broadcast_in_dim3A_283 = arith.constant 1.000000e+00 : f32
      %broadcast_in_dim3A_284 = vector.broadcast %broadcast_in_dim3A_283 : f32 to vector<16xf32>
      %swap3A_285 = arith.index_cast %scan3A_277 : i32 to index
      %swap3A_286 = arith.constant 16 : index
      %swap3A_287 = tpu.vector_load %arg18[%swap3A_285, %swap3A_286] {strides = array<i32>} : memref<80x128xf32, #tpu.memory_space<vmem>>, vector<1x16xf32>,
      %swap3A_288 = vector.shape_cast %swap3A_287 : vector<1x16xf32> to vector<16xf32>
      %swap3A_289 = vector.shape_cast %broadcast_in_dim3A_284 : vector<16xf32> to vector<1x16xf32>
      tpu.vector_store %arg18[%swap3A_285, %swap3A_286], %swap3A_289 {strides = array<i32>} : memref<80x128xf32, #tpu.memory_space<vmem>>, vector<1x16xf32>,
      %broadcast_in_dim3A_290 = arith.constant 1.000000e+00 : f32
      %broadcast_in_dim3A_291 = vector.broadcast %broadcast_in_dim3A_290 : f32 to vector<16xf32>
      %swap3A_292 = arith.index_cast %scan3A_277 : i32 to index
      %swap3A_293 = arith.constant 32 : index
      %swap3A_294 = tpu.vector_load %arg18[%swap3A_292, %swap3A_293] {strides = array<i32>} : memref<80x128xf32, #tpu.memory_space<vmem>>, vector<1x16xf32>,
      %swap3A_295 = vector.shape_cast %swap3A_294 : vector<1x16xf32> to vector<16xf32>
      %swap3A_296 = vector.shape_cast %broadcast_in_dim3A_291 : vector<16xf32> to vector<1x16xf32>
      tpu.vector_store %arg18[%swap3A_292, %swap3A_293], %swap3A_296 {strides = array<i32>} : memref<80x128xf32, #tpu.memory_space<vmem>>, vector<1x16xf32>,
      %broadcast_in_dim3A_297 = arith.constant 1.000000e+00 : f32
      %broadcast_in_dim3A_298 = vector.broadcast %broadcast_in_dim3A_297 : f32 to vector<16xf32>
      %swap3A_299 = arith.index_cast %scan3A_277 : i32 to index
      %swap3A_300 = arith.constant 48 : index
      %swap3A_301 = tpu.vector_load %arg18[%swap3A_299, %swap3A_300] {strides = array<i32>} : memref<80x128xf32, #tpu.memory_space<vmem>>, vector<1x16xf32>,
      %swap3A_302 = vector.shape_cast %swap3A_301 : vector<1x16xf32> to vector<16xf32>
      %swap3A_303 = vector.shape_cast %broadcast_in_dim3A_298 : vector<16xf32> to vector<1x16xf32>
      tpu.vector_store %arg18[%swap3A_299, %swap3A_300], %swap3A_303 {strides = array<i32>} : memref<80x128xf32, #tpu.memory_space<vmem>>, vector<1x16xf32>,
      %broadcast_in_dim3A_304 = arith.constant 1.000000e+00 : f32
      %broadcast_in_dim3A_305 = vector.broadcast %broadcast_in_dim3A_304 : f32 to vector<16xf32>
      %swap3A_306 = arith.index_cast %scan3A_277 : i32 to index
      %swap3A_307 = arith.constant 64 : index
      %swap3A_308 = tpu.vector_load %arg18[%swap3A_306, %swap3A_307] {strides = array<i32>} : memref<80x128xf32, #tpu.memory_space<vmem>>, vector<1x16xf32>,
      %swap3A_309 = vector.shape_cast %swap3A_308 : vector<1x16xf32> to vector<16xf32>
      %swap3A_310 = vector.shape_cast %broadcast_in_dim3A_305 : vector<16xf32> to vector<1x16xf32>
      tpu.vector_store %arg18[%swap3A_306, %swap3A_307], %swap3A_310 {strides = array<i32>} : memref<80x128xf32, #tpu.memory_space<vmem>>, vector<1x16xf32>,
      %broadcast_in_dim3A_311 = arith.constant 1.000000e+00 : f32
      %broadcast_in_dim3A_312 = vector.broadcast %broadcast_in_dim3A_311 : f32 to vector<16xf32>
      %swap3A_313 = arith.index_cast %scan3A_277 : i32 to index
      %swap3A_314 = arith.constant 80 : index
      %swap3A_315 = tpu.vector_load %arg18[%swap3A_313, %swap3A_314] {strides = array<i32>} : memref<80x128xf32, #tpu.memory_space<vmem>>, vector<1x16xf32>,
      %swap3A_316 = vector.shape_cast %swap3A_315 : vector<1x16xf32> to vector<16xf32>
      %swap3A_317 = vector.shape_cast %broadcast_in_dim3A_312 : vector<16xf32> to vector<1x16xf32>
      tpu.vector_store %arg18[%swap3A_313, %swap3A_314], %swap3A_317 {strides = array<i32>} : memref<80x128xf32, #tpu.memory_space<vmem>>, vector<1x16xf32>,
      %broadcast_in_dim3A_318 = arith.constant 1.000000e+00 : f32
      %broadcast_in_dim3A_319 = vector.broadcast %broadcast_in_dim3A_318 : f32 to vector<16xf32>
      %swap3A_320 = arith.index_cast %scan3A_277 : i32 to index
      %swap3A_321 = arith.constant 96 : index
      %swap3A_322 = tpu.vector_load %arg18[%swap3A_320, %swap3A_321] {strides = array<i32>} : memref<80x128xf32, #tpu.memory_space<vmem>>, vector<1x16xf32>,
      %swap3A_323 = vector.shape_cast %swap3A_322 : vector<1x16xf32> to vector<16xf32>
      %swap3A_324 = vector.shape_cast %broadcast_in_dim3A_319 : vector<16xf32> to vector<1x16xf32>
      tpu.vector_store %arg18[%swap3A_320, %swap3A_321], %swap3A_324 {strides = array<i32>} : memref<80x128xf32, #tpu.memory_space<vmem>>, vector<1x16xf32>,
      %broadcast_in_dim3A_325 = arith.constant 1.000000e+00 : f32
      %broadcast_in_dim3A_326 = vector.broadcast %broadcast_in_dim3A_325 : f32 to vector<16xf32>
      %swap3A_327 = arith.index_cast %scan3A_277 : i32 to index
      %swap3A_328 = arith.constant 112 : index
      %swap3A_329 = tpu.vector_load %arg18[%swap3A_327, %swap3A_328] {strides = array<i32>} : memref<80x128xf32, #tpu.memory_space<vmem>>, vector<1x16xf32>,
      %swap3A_330 = vector.shape_cast %swap3A_329 : vector<1x16xf32> to vector<16xf32>
      %swap3A_331 = vector.shape_cast %broadcast_in_dim3A_326 : vector<16xf32> to vector<1x16xf32>
      tpu.vector_store %arg18[%swap3A_327, %swap3A_328], %swap3A_331 {strides = array<i32>} : memref<80x128xf32, #tpu.memory_space<vmem>>, vector<1x16xf32>,
    }
    %scan3A_162 = arith.constant 80 : i32
    %scan3A_163 = arith.constant 0 : i32
    %scan3A_164 = arith.constant 0 : i32
    %scan3A_165 = arith.constant 80 : i32
    %scan3A_166 = arith.addi %scan3A_164, %scan3A_165 : i32
    %scan3A_167 = arith.constant 1 : i32
    scf.for %scan3A_277 = %scan3A_164 to %scan3A_166 step %scan3A_167  : i32 {
      %mul3A_278 = arith.constant 8 : i32
      %mul3A_279 = arith.muli %scan3A_277, %mul3A_278 : i32
      %add3A_280 = arith.addi %mul3A_2, %mul3A_279 : i32
      %multiple_of3A = tpu.assume_multiple %add3A_280, 8 : i32
      "tpu.region"() ({
        %run_scoped3A = tpu.sem_alloc : memref<!tpu.dma_semaphore, #tpu.memory_space<semaphore_mem>>
        %dma_start3A_281 = arith.constant 0 : i32
        %dma_start3A_282 = tpu.memref_slice %arg12[%multiple_of3A, %dma_start3A_281] : memref<10240x128xf32, #tpu.memory_space<vmem_shared>> -> memref<8x128xf32, #tpu.memory_space<vmem_shared>>
        %dma_start3A_283 = arith.constant 0 : i32
        %dma_start3A_284 = tpu.memref_slice %arg12[%multiple_of3A, %dma_start3A_283] : memref<10240x128xf32, #tpu.memory_space<vmem_shared>> -> memref<8x128xf32, #tpu.memory_space<vmem_shared>>
        tpu.enqueue_dma source(%arg19 : memref<8x128xf32, #tpu.memory_space<vmem>>) target(%dma_start3A_284 : memref<8x128xf32, #tpu.memory_space<vmem_shared>>) target_semaphore(%run_scoped3A : memref<!tpu.dma_semaphore, #tpu.memory_space<semaphore_mem>>)
        %dma_wait3A_285 = arith.constant 0 : i32
        %dma_wait3A_286 = tpu.memref_slice %arg12[%multiple_of3A, %dma_wait3A_285] : memref<10240x128xf32, #tpu.memory_space<vmem_shared>> -> memref<8x128xf32, #tpu.memory_space<vmem_shared>>
        %dma_wait3A_287 = arith.constant 0 : i32
        %dma_wait3A_288 = tpu.memref_slice %arg12[%multiple_of3A, %dma_wait3A_287] : memref<10240x128xf32, #tpu.memory_space<vmem_shared>> -> memref<8x128xf32, #tpu.memory_space<vmem_shared>>
        tpu.wait_dma2 semaphore(%run_scoped3A : memref<!tpu.dma_semaphore, #tpu.memory_space<semaphore_mem>>) src(%arg19 : memref<8x128xf32, #tpu.memory_space<vmem>>) dst(%dma_wait3A_288 : memref<8x128xf32, #tpu.memory_space<vmem_shared>>)
        tpu.yield
      }) : () -> ()
    }
    %scan3A_168 = arith.constant 80 : i32
    %barrier3A_169 = arith.constant 0 : index
    tpu.barrier barrier_id(%barrier3A_169)
    %add3A_170 = arith.constant 0 : i32
    %add3A_171 = arith.addi %mul3A_4, %add3A_170 : i32
    %dma_start3A_172 = tpu.memref_slice %arg3[%add3A_171] : memref<320000xi32, #tpu.memory_space<hbm>> -> memref<80xi32, #tpu.memory_space<hbm>>
    %dma_start3A_173 = tpu.memref_slice %arg3[%add3A_171] : memref<320000xi32, #tpu.memory_space<hbm>> -> memref<80xi32, #tpu.memory_space<hbm>>
    tpu.enqueue_dma source(%dma_start3A_173 : memref<80xi32, #tpu.memory_space<hbm>>) target(%arg15 : memref<80xi32, #tpu.memory_space<vmem>>) target_semaphore(%arg20 : memref<!tpu.dma_semaphore, #tpu.memory_space<semaphore_mem>>)
    %add3A_174 = arith.constant 80 : i32
    %add3A_175 = arith.addi %mul3A_4, %add3A_174 : i32
    %dma_start3A_176 = tpu.memref_slice %arg3[%add3A_175] : memref<320000xi32, #tpu.memory_space<hbm>> -> memref<80xi32, #tpu.memory_space<hbm>>
    %dma_start3A_177 = tpu.memref_slice %arg3[%add3A_175] : memref<320000xi32, #tpu.memory_space<hbm>> -> memref<80xi32, #tpu.memory_space<hbm>>
    tpu.enqueue_dma source(%dma_start3A_177 : memref<80xi32, #tpu.memory_space<hbm>>) target(%arg16 : memref<80xi32, #tpu.memory_space<vmem>>) target_semaphore(%arg21 : memref<!tpu.dma_semaphore, #tpu.memory_space<semaphore_mem>>)
    %scan3A_178 = arith.constant 0 : i32
    %scan3A_179 = arith.constant 1 : i32
    %scan3A_180 = arith.constant 61 : i32
    %scan3A_181 = arith.addi %scan3A_179, %scan3A_180 : i32
    %scan3A_182 = arith.constant 1 : i32
    scf.for %scan3A_277 = %scan3A_179 to %scan3A_181 step %scan3A_182  : i32 {
      %dma_wait3A_278 = arith.constant 0 : i32
      %dma_wait3A_279 = tpu.memref_slice %arg3[%dma_wait3A_278] : memref<320000xi32, #tpu.memory_space<hbm>> -> memref<80xi32, #tpu.memory_space<hbm>>
      %dma_wait3A_280 = arith.constant 0 : i32
      %dma_wait3A_281 = tpu.memref_slice %arg3[%dma_wait3A_280] : memref<320000xi32, #tpu.memory_space<hbm>> -> memref<80xi32, #tpu.memory_space<hbm>>
      tpu.wait_dma2 semaphore(%arg20 : memref<!tpu.dma_semaphore, #tpu.memory_space<semaphore_mem>>) src(%dma_wait3A_281 : memref<80xi32, #tpu.memory_space<hbm>>) dst(%arg15 : memref<80xi32, #tpu.memory_space<vmem>>)
      "tpu.region"() ({
        %run_scoped3A = tpu.sem_alloc : memref<!tpu.dma_semaphore, #tpu.memory_space<semaphore_mem>>
        %dma_start3A_304 = arith.constant 0 : i32
        %dma_start3A_305 = arith.constant 0 : i32
        %dma_start3A_306 = tpu.memref_slice %arg12[%dma_start3A_304, %dma_start3A_305] : memref<10240x128xf32, #tpu.memory_space<vmem_shared>> -> memref<10240x128xf32, #tpu.memory_space<vmem_shared>>
        tpu.enqueue_indirect_dma source(%arg18 : memref<80x128xf32, #tpu.memory_space<vmem>>) target(%dma_start3A_306 : memref<10240x128xf32, #tpu.memory_space<vmem_shared>>) offsets(%arg15 : memref<80xi32, #tpu.memory_space<vmem>>) semaphore(%run_scoped3A : memref<!tpu.dma_semaphore, #tpu.memory_space<semaphore_mem>>) {add = true}
        %dma_wait3A_307 = arith.constant 0 : i32
        %dma_wait3A_308 = arith.constant 0 : i32
        %dma_wait3A_309 = tpu.memref_slice %arg12[%dma_wait3A_307, %dma_wait3A_308] : memref<10240x128xf32, #tpu.memory_space<vmem_shared>> -> memref<10240x128xf32, #tpu.memory_space<vmem_shared>>
        tpu.wait_indirect_dma semaphore(%run_scoped3A : memref<!tpu.dma_semaphore, #tpu.memory_space<semaphore_mem>>) src(%arg18 : memref<80x128xf32, #tpu.memory_space<vmem>>) dst(%dma_wait3A_309 : memref<10240x128xf32, #tpu.memory_space<vmem_shared>>)
        tpu.yield
      }) : () -> ()
      %mul3A_282 = arith.constant 2 : i32
      %mul3A_283 = arith.muli %mul3A_282, %scan3A_277 : i32
      %add3A_284 = arith.constant 0 : i32
      %add3A_285 = arith.addi %mul3A_283, %add3A_284 : i32
      %mul3A_286 = arith.constant 80 : i32
      %mul3A_287 = arith.muli %add3A_285, %mul3A_286 : i32
      %add3A_288 = arith.addi %mul3A_4, %mul3A_287 : i32
      %dma_start3A_289 = tpu.memref_slice %arg3[%add3A_288] : memref<320000xi32, #tpu.memory_space<hbm>> -> memref<80xi32, #tpu.memory_space<hbm>>
      %dma_start3A_290 = tpu.memref_slice %arg3[%add3A_288] : memref<320000xi32, #tpu.memory_space<hbm>> -> memref<80xi32, #tpu.memory_space<hbm>>
      tpu.enqueue_dma source(%dma_start3A_290 : memref<80xi32, #tpu.memory_space<hbm>>) target(%arg15 : memref<80xi32, #tpu.memory_space<vmem>>) target_semaphore(%arg20 : memref<!tpu.dma_semaphore, #tpu.memory_space<semaphore_mem>>)
      %dma_wait3A_291 = arith.constant 0 : i32
      %dma_wait3A_292 = tpu.memref_slice %arg3[%dma_wait3A_291] : memref<320000xi32, #tpu.memory_space<hbm>> -> memref<80xi32, #tpu.memory_space<hbm>>
      %dma_wait3A_293 = arith.constant 0 : i32
      %dma_wait3A_294 = tpu.memref_slice %arg3[%dma_wait3A_293] : memref<320000xi32, #tpu.memory_space<hbm>> -> memref<80xi32, #tpu.memory_space<hbm>>
      tpu.wait_dma2 semaphore(%arg21 : memref<!tpu.dma_semaphore, #tpu.memory_space<semaphore_mem>>) src(%dma_wait3A_294 : memref<80xi32, #tpu.memory_space<hbm>>) dst(%arg16 : memref<80xi32, #tpu.memory_space<vmem>>)
      "tpu.region"() ({
        %run_scoped3A = tpu.sem_alloc : memref<!tpu.dma_semaphore, #tpu.memory_space<semaphore_mem>>
        %dma_start3A_304 = arith.constant 0 : i32
        %dma_start3A_305 = arith.constant 0 : i32
        %dma_start3A_306 = tpu.memref_slice %arg12[%dma_start3A_304, %dma_start3A_305] : memref<10240x128xf32, #tpu.memory_space<vmem_shared>> -> memref<10240x128xf32, #tpu.memory_space<vmem_shared>>
        tpu.enqueue_indirect_dma source(%arg18 : memref<80x128xf32, #tpu.memory_space<vmem>>) target(%dma_start3A_306 : memref<10240x128xf32, #tpu.memory_space<vmem_shared>>) offsets(%arg16 : memref<80xi32, #tpu.memory_space<vmem>>) semaphore(%run_scoped3A : memref<!tpu.dma_semaphore, #tpu.memory_space<semaphore_mem>>) {add = true}
        %dma_wait3A_307 = arith.constant 0 : i32
        %dma_wait3A_308 = arith.constant 0 : i32
        %dma_wait3A_309 = tpu.memref_slice %arg12[%dma_wait3A_307, %dma_wait3A_308] : memref<10240x128xf32, #tpu.memory_space<vmem_shared>> -> memref<10240x128xf32, #tpu.memory_space<vmem_shared>>
        tpu.wait_indirect_dma semaphore(%run_scoped3A : memref<!tpu.dma_semaphore, #tpu.memory_space<semaphore_mem>>) src(%arg18 : memref<80x128xf32, #tpu.memory_space<vmem>>) dst(%dma_wait3A_309 : memref<10240x128xf32, #tpu.memory_space<vmem_shared>>)
        tpu.yield
      }) : () -> ()
      %mul3A_295 = arith.constant 2 : i32
      %mul3A_296 = arith.muli %mul3A_295, %scan3A_277 : i32
      %add3A_297 = arith.constant 1 : i32
      %add3A_298 = arith.addi %mul3A_296, %add3A_297 : i32
      %mul3A_299 = arith.constant 80 : i32
      %mul3A_300 = arith.muli %add3A_298, %mul3A_299 : i32
      %add3A_301 = arith.addi %mul3A_4, %mul3A_300 : i32
      %dma_start3A_302 = tpu.memref_slice %arg3[%add3A_301] : memref<320000xi32, #tpu.memory_space<hbm>> -> memref<80xi32, #tpu.memory_space<hbm>>
      %dma_start3A_303 = tpu.memref_slice %arg3[%add3A_301] : memref<320000xi32, #tpu.memory_space<hbm>> -> memref<80xi32, #tpu.memory_space<hbm>>
      tpu.enqueue_dma source(%dma_start3A_303 : memref<80xi32, #tpu.memory_space<hbm>>) target(%arg16 : memref<80xi32, #tpu.memory_space<vmem>>) target_semaphore(%arg21 : memref<!tpu.dma_semaphore, #tpu.memory_space<semaphore_mem>>)
    }
    %scan3A_183 = arith.constant 61 : i32
    %dma_wait3A_184 = arith.constant 0 : i32
    %dma_wait3A_185 = tpu.memref_slice %arg3[%dma_wait3A_184] : memref<320000xi32, #tpu.memory_space<hbm>> -> memref<80xi32, #tpu.memory_space<hbm>>
    %dma_wait3A_186 = arith.constant 0 : i32
    %dma_wait3A_187 = tpu.memref_slice %arg3[%dma_wait3A_186] : memref<320000xi32, #tpu.memory_space<hbm>> -> memref<80xi32, #tpu.memory_space<hbm>>
    tpu.wait_dma2 semaphore(%arg20 : memref<!tpu.dma_semaphore, #tpu.memory_space<semaphore_mem>>) src(%dma_wait3A_187 : memref<80xi32, #tpu.memory_space<hbm>>) dst(%arg15 : memref<80xi32, #tpu.memory_space<vmem>>)
    "tpu.region"() ({
      %run_scoped3A = tpu.sem_alloc : memref<!tpu.dma_semaphore, #tpu.memory_space<semaphore_mem>>
      %dma_start3A_277 = arith.constant 0 : i32
      %dma_start3A_278 = arith.constant 0 : i32
      %dma_start3A_279 = tpu.memref_slice %arg12[%dma_start3A_277, %dma_start3A_278] : memref<10240x128xf32, #tpu.memory_space<vmem_shared>> -> memref<10240x128xf32, #tpu.memory_space<vmem_shared>>
      tpu.enqueue_indirect_dma source(%arg18 : memref<80x128xf32, #tpu.memory_space<vmem>>) target(%dma_start3A_279 : memref<10240x128xf32, #tpu.memory_space<vmem_shared>>) offsets(%arg15 : memref<80xi32, #tpu.memory_space<vmem>>) semaphore(%run_scoped3A : memref<!tpu.dma_semaphore, #tpu.memory_space<semaphore_mem>>) {add = true}
      %dma_wait3A_280 = arith.constant 0 : i32
      %dma_wait3A_281 = arith.constant 0 : i32
      %dma_wait3A_282 = tpu.memref_slice %arg12[%dma_wait3A_280, %dma_wait3A_281] : memref<10240x128xf32, #tpu.memory_space<vmem_shared>> -> memref<10240x128xf32, #tpu.memory_space<vmem_shared>>
      tpu.wait_indirect_dma semaphore(%run_scoped3A : memref<!tpu.dma_semaphore, #tpu.memory_space<semaphore_mem>>) src(%arg18 : memref<80x128xf32, #tpu.memory_space<vmem>>) dst(%dma_wait3A_282 : memref<10240x128xf32, #tpu.memory_space<vmem_shared>>)
      tpu.yield
    }) : () -> ()
    %dma_wait3A_188 = arith.constant 0 : i32
    %dma_wait3A_189 = tpu.memref_slice %arg3[%dma_wait3A_188] : memref<320000xi32, #tpu.memory_space<hbm>> -> memref<80xi32, #tpu.memory_space<hbm>>
    %dma_wait3A_190 = arith.constant 0 : i32
    %dma_wait3A_191 = tpu.memref_slice %arg3[%dma_wait3A_190] : memref<320000xi32, #tpu.memory_space<hbm>> -> memref<80xi32, #tpu.memory_space<hbm>>
    tpu.wait_dma2 semaphore(%arg21 : memref<!tpu.dma_semaphore, #tpu.memory_space<semaphore_mem>>) src(%dma_wait3A_191 : memref<80xi32, #tpu.memory_space<hbm>>) dst(%arg16 : memref<80xi32, #tpu.memory_space<vmem>>)
    "tpu.region"() ({
      %run_scoped3A = tpu.sem_alloc : memref<!tpu.dma_semaphore, #tpu.memory_space<semaphore_mem>>
      %dma_start3A_277 = arith.constant 0 : i32
      %dma_start3A_278 = arith.constant 0 : i32
      %dma_start3A_279 = tpu.memref_slice %arg12[%dma_start3A_277, %dma_start3A_278] : memref<10240x128xf32, #tpu.memory_space<vmem_shared>> -> memref<10240x128xf32, #tpu.memory_space<vmem_shared>>
      tpu.enqueue_indirect_dma source(%arg18 : memref<80x128xf32, #tpu.memory_space<vmem>>) target(%dma_start3A_279 : memref<10240x128xf32, #tpu.memory_space<vmem_shared>>) offsets(%arg16 : memref<80xi32, #tpu.memory_space<vmem>>) semaphore(%run_scoped3A : memref<!tpu.dma_semaphore, #tpu.memory_space<semaphore_mem>>) {add = true}
      %dma_wait3A_280 = arith.constant 0 : i32
      %dma_wait3A_281 = arith.constant 0 : i32
      %dma_wait3A_282 = tpu.memref_slice %arg12[%dma_wait3A_280, %dma_wait3A_281] : memref<10240x128xf32, #tpu.memory_space<vmem_shared>> -> memref<10240x128xf32, #tpu.memory_space<vmem_shared>>
      tpu.wait_indirect_dma semaphore(%run_scoped3A : memref<!tpu.dma_semaphore, #tpu.memory_space<semaphore_mem>>) src(%arg18 : memref<80x128xf32, #tpu.memory_space<vmem>>) dst(%dma_wait3A_282 : memref<10240x128xf32, #tpu.memory_space<vmem_shared>>)
      tpu.yield
    }) : () -> ()
    %add3A_192 = arith.constant 9920 : i32
    %add3A_193 = arith.addi %mul3A_4, %add3A_192 : i32
    "tpu.region"() ({
      %run_scoped3A = tpu.sem_alloc : memref<!tpu.dma_semaphore, #tpu.memory_space<semaphore_mem>>
      %dma_start3A_277 = tpu.memref_slice %arg3[%add3A_193] : memref<320000xi32, #tpu.memory_space<hbm>> -> memref<80xi32, #tpu.memory_space<hbm>>
      %dma_start3A_278 = tpu.memref_slice %arg3[%add3A_193] : memref<320000xi32, #tpu.memory_space<hbm>> -> memref<80xi32, #tpu.memory_space<hbm>>
      tpu.enqueue_dma source(%dma_start3A_278 : memref<80xi32, #tpu.memory_space<hbm>>) target(%arg15 : memref<80xi32, #tpu.memory_space<vmem>>) target_semaphore(%run_scoped3A : memref<!tpu.dma_semaphore, #tpu.memory_space<semaphore_mem>>)
      %dma_wait3A_279 = tpu.memref_slice %arg3[%add3A_193] : memref<320000xi32, #tpu.memory_space<hbm>> -> memref<80xi32, #tpu.memory_space<hbm>>
      %dma_wait3A_280 = tpu.memref_slice %arg3[%add3A_193] : memref<320000xi32, #tpu.memory_space<hbm>> -> memref<80xi32, #tpu.memory_space<hbm>>
      tpu.wait_dma2 semaphore(%run_scoped3A : memref<!tpu.dma_semaphore, #tpu.memory_space<semaphore_mem>>) src(%dma_wait3A_280 : memref<80xi32, #tpu.memory_space<hbm>>) dst(%arg15 : memref<80xi32, #tpu.memory_space<vmem>>)
      tpu.yield
    }) : () -> ()
    "tpu.region"() ({
      %run_scoped3A = tpu.sem_alloc : memref<!tpu.dma_semaphore, #tpu.memory_space<semaphore_mem>>
      %dma_start3A_277 = arith.constant 0 : i32
      %dma_start3A_278 = arith.constant 0 : i32
      %dma_start3A_279 = tpu.memref_slice %arg12[%dma_start3A_277, %dma_start3A_278] : memref<10240x128xf32, #tpu.memory_space<vmem_shared>> -> memref<10240x128xf32, #tpu.memory_space<vmem_shared>>
      tpu.enqueue_indirect_dma source(%arg18 : memref<80x128xf32, #tpu.memory_space<vmem>>) target(%dma_start3A_279 : memref<10240x128xf32, #tpu.memory_space<vmem_shared>>) offsets(%arg15 : memref<80xi32, #tpu.memory_space<vmem>>) semaphore(%run_scoped3A : memref<!tpu.dma_semaphore, #tpu.memory_space<semaphore_mem>>) {add = true}
      %dma_wait3A_280 = arith.constant 0 : i32
      %dma_wait3A_281 = arith.constant 0 : i32
      %dma_wait3A_282 = tpu.memref_slice %arg12[%dma_wait3A_280, %dma_wait3A_281] : memref<10240x128xf32, #tpu.memory_space<vmem_shared>> -> memref<10240x128xf32, #tpu.memory_space<vmem_shared>>
      tpu.wait_indirect_dma semaphore(%run_scoped3A : memref<!tpu.dma_semaphore, #tpu.memory_space<semaphore_mem>>) src(%arg18 : memref<80x128xf32, #tpu.memory_space<vmem>>) dst(%dma_wait3A_282 : memref<10240x128xf32, #tpu.memory_space<vmem_shared>>)
      tpu.yield
    }) : () -> ()
    %barrier3A_194 = arith.constant 0 : index
    tpu.barrier barrier_id(%barrier3A_194)
    %scan3A_195 = arith.constant 0 : i32
    %scan3A_196 = arith.constant 0 : i32
    %scan3A_197 = arith.constant 8 : i32
    %scan3A_198 = arith.addi %scan3A_196, %scan3A_197 : i32
    %scan3A_199 = arith.constant 1 : i32
    scf.for %scan3A_277 = %scan3A_196 to %scan3A_198 step %scan3A_199  : i32 {
      %mul3A_278 = arith.constant 80 : i32
      %mul3A_279 = arith.muli %scan3A_277, %mul3A_278 : i32
      %add3A_280 = arith.addi %mul3A_2, %mul3A_279 : i32
      %multiple_of3A = tpu.assume_multiple %add3A_280, 8 : i32
      "tpu.region"() ({
        %run_scoped3A_281 = tpu.sem_alloc : memref<!tpu.dma_semaphore, #tpu.memory_space<semaphore_mem>>
        %dma_start3A_282 = arith.constant 0 : i32
        %dma_start3A_283 = tpu.memref_slice %arg12[%multiple_of3A, %dma_start3A_282] : memref<10240x128xf32, #tpu.memory_space<vmem_shared>> -> memref<80x128xf32, #tpu.memory_space<vmem_shared>>
        %dma_start3A_284 = arith.constant 0 : i32
        %dma_start3A_285 = tpu.memref_slice %arg12[%multiple_of3A, %dma_start3A_284] : memref<10240x128xf32, #tpu.memory_space<vmem_shared>> -> memref<80x128xf32, #tpu.memory_space<vmem_shared>>
        tpu.enqueue_dma source(%dma_start3A_285 : memref<80x128xf32, #tpu.memory_space<vmem_shared>>) target(%arg17 : memref<80x128xf32, #tpu.memory_space<vmem>>) target_semaphore(%run_scoped3A_281 : memref<!tpu.dma_semaphore, #tpu.memory_space<semaphore_mem>>)
        %dma_wait3A_286 = arith.constant 0 : i32
        %dma_wait3A_287 = tpu.memref_slice %arg12[%multiple_of3A, %dma_wait3A_286] : memref<10240x128xf32, #tpu.memory_space<vmem_shared>> -> memref<80x128xf32, #tpu.memory_space<vmem_shared>>
        %dma_wait3A_288 = arith.constant 0 : i32
        %dma_wait3A_289 = tpu.memref_slice %arg12[%multiple_of3A, %dma_wait3A_288] : memref<10240x128xf32, #tpu.memory_space<vmem_shared>> -> memref<80x128xf32, #tpu.memory_space<vmem_shared>>
        tpu.wait_dma2 semaphore(%run_scoped3A_281 : memref<!tpu.dma_semaphore, #tpu.memory_space<semaphore_mem>>) src(%dma_wait3A_289 : memref<80x128xf32, #tpu.memory_space<vmem_shared>>) dst(%arg17 : memref<80x128xf32, #tpu.memory_space<vmem>>)
        tpu.yield
      }) : () -> ()
      %run_scoped3A = arith.constant 3 : i32
      "tpu.region"() ({
        %run_scoped3A_281 = tpu.sem_alloc : memref<!tpu.dma_semaphore, #tpu.memory_space<semaphore_mem>>
        %dma_start3A_282 = arith.constant 0 : i32
        %dma_start3A_283 = tpu.memref_slice %arg11[%run_scoped3A, %arg0, %multiple_of3A, %dma_start3A_282] : memref<6x2x10240x128xf32, #tpu.memory_space<hbm>> -> memref<1x1x80x128xf32, #tpu.memory_space<hbm>>
        %dma_start3A_284 = tpu.memref_squeeze %dma_start3A_283 : memref<1x1x80x128xf32, #tpu.memory_space<hbm>> -> memref<80x128xf32, #tpu.memory_space<hbm>>
        %dma_start3A_285 = arith.constant 0 : i32
        %dma_start3A_286 = tpu.memref_slice %arg11[%run_scoped3A, %arg0, %multiple_of3A, %dma_start3A_285] : memref<6x2x10240x128xf32, #tpu.memory_space<hbm>> -> memref<1x1x80x128xf32, #tpu.memory_space<hbm>>
        %dma_start3A_287 = tpu.memref_squeeze %dma_start3A_286 : memref<1x1x80x128xf32, #tpu.memory_space<hbm>> -> memref<80x128xf32, #tpu.memory_space<hbm>>
        tpu.enqueue_dma source(%arg17 : memref<80x128xf32, #tpu.memory_space<vmem>>) target(%dma_start3A_287 : memref<80x128xf32, #tpu.memory_space<hbm>>) target_semaphore(%run_scoped3A_281 : memref<!tpu.dma_semaphore, #tpu.memory_space<semaphore_mem>>)
        %dma_wait3A_288 = arith.constant 0 : i32
        %dma_wait3A_289 = tpu.memref_slice %arg11[%run_scoped3A, %arg0, %multiple_of3A, %dma_wait3A_288] : memref<6x2x10240x128xf32, #tpu.memory_space<hbm>> -> memref<1x1x80x128xf32, #tpu.memory_space<hbm>>
        %dma_wait3A_290 = tpu.memref_squeeze %dma_wait3A_289 : memref<1x1x80x128xf32, #tpu.memory_space<hbm>> -> memref<80x128xf32, #tpu.memory_space<hbm>>
        %dma_wait3A_291 = arith.constant 0 : i32
        %dma_wait3A_292 = tpu.memref_slice %arg11[%run_scoped3A, %arg0, %multiple_of3A, %dma_wait3A_291] : memref<6x2x10240x128xf32, #tpu.memory_space<hbm>> -> memref<1x1x80x128xf32, #tpu.memory_space<hbm>>
        %dma_wait3A_293 = tpu.memref_squeeze %dma_wait3A_292 : memref<1x1x80x128xf32, #tpu.memory_space<hbm>> -> memref<80x128xf32, #tpu.memory_space<hbm>>
        tpu.wait_dma2 semaphore(%run_scoped3A_281 : memref<!tpu.dma_semaphore, #tpu.memory_space<semaphore_mem>>) src(%arg17 : memref<80x128xf32, #tpu.memory_space<vmem>>) dst(%dma_wait3A_293 : memref<80x128xf32, #tpu.memory_space<hbm>>)
        tpu.yield
      }) : () -> ()
    }
    %scan3A_200 = arith.constant 8 : i32
    %scan3A_201 = arith.constant 0 : i32
    %scan3A_202 = arith.constant 0 : i32
    %scan3A_203 = arith.constant 80 : i32
    %scan3A_204 = arith.addi %scan3A_202, %scan3A_203 : i32
    %scan3A_205 = arith.constant 1 : i32
    scf.for %scan3A_277 = %scan3A_202 to %scan3A_204 step %scan3A_205  : i32 {
      %mul3A_278 = arith.constant 8 : i32
      %mul3A_279 = arith.muli %scan3A_277, %mul3A_278 : i32
      %add3A_280 = arith.addi %mul3A_2, %mul3A_279 : i32
      %multiple_of3A = tpu.assume_multiple %add3A_280, 8 : i32
      "tpu.region"() ({
        %run_scoped3A = tpu.sem_alloc : memref<!tpu.dma_semaphore, #tpu.memory_space<semaphore_mem>>
        %dma_start3A_281 = arith.constant 0 : i32
        %dma_start3A_282 = tpu.memref_slice %arg12[%multiple_of3A, %dma_start3A_281] : memref<10240x128xf32, #tpu.memory_space<vmem_shared>> -> memref<8x128xf32, #tpu.memory_space<vmem_shared>>
        %dma_start3A_283 = arith.constant 0 : i32
        %dma_start3A_284 = tpu.memref_slice %arg12[%multiple_of3A, %dma_start3A_283] : memref<10240x128xf32, #tpu.memory_space<vmem_shared>> -> memref<8x128xf32, #tpu.memory_space<vmem_shared>>
        tpu.enqueue_dma source(%arg19 : memref<8x128xf32, #tpu.memory_space<vmem>>) target(%dma_start3A_284 : memref<8x128xf32, #tpu.memory_space<vmem_shared>>) target_semaphore(%run_scoped3A : memref<!tpu.dma_semaphore, #tpu.memory_space<semaphore_mem>>)
        %dma_wait3A_285 = arith.constant 0 : i32
        %dma_wait3A_286 = tpu.memref_slice %arg12[%multiple_of3A, %dma_wait3A_285] : memref<10240x128xf32, #tpu.memory_space<vmem_shared>> -> memref<8x128xf32, #tpu.memory_space<vmem_shared>>
        %dma_wait3A_287 = arith.constant 0 : i32
        %dma_wait3A_288 = tpu.memref_slice %arg12[%multiple_of3A, %dma_wait3A_287] : memref<10240x128xf32, #tpu.memory_space<vmem_shared>> -> memref<8x128xf32, #tpu.memory_space<vmem_shared>>
        tpu.wait_dma2 semaphore(%run_scoped3A : memref<!tpu.dma_semaphore, #tpu.memory_space<semaphore_mem>>) src(%arg19 : memref<8x128xf32, #tpu.memory_space<vmem>>) dst(%dma_wait3A_288 : memref<8x128xf32, #tpu.memory_space<vmem_shared>>)
        tpu.yield
      }) : () -> ()
    }
    %scan3A_206 = arith.constant 80 : i32
    %barrier3A_207 = arith.constant 0 : index
    tpu.barrier barrier_id(%barrier3A_207)
    %add3A_208 = arith.constant 0 : i32
    %add3A_209 = arith.addi %mul3A_4, %add3A_208 : i32
    %dma_start3A_210 = tpu.memref_slice %arg5[%add3A_209] : memref<320000xi32, #tpu.memory_space<hbm>> -> memref<80xi32, #tpu.memory_space<hbm>>
    %dma_start3A_211 = tpu.memref_slice %arg5[%add3A_209] : memref<320000xi32, #tpu.memory_space<hbm>> -> memref<80xi32, #tpu.memory_space<hbm>>
    tpu.enqueue_dma source(%dma_start3A_211 : memref<80xi32, #tpu.memory_space<hbm>>) target(%arg15 : memref<80xi32, #tpu.memory_space<vmem>>) target_semaphore(%arg20 : memref<!tpu.dma_semaphore, #tpu.memory_space<semaphore_mem>>)
    %add3A_212 = arith.constant 80 : i32
    %add3A_213 = arith.addi %mul3A_4, %add3A_212 : i32
    %dma_start3A_214 = tpu.memref_slice %arg5[%add3A_213] : memref<320000xi32, #tpu.memory_space<hbm>> -> memref<80xi32, #tpu.memory_space<hbm>>
    %dma_start3A_215 = tpu.memref_slice %arg5[%add3A_213] : memref<320000xi32, #tpu.memory_space<hbm>> -> memref<80xi32, #tpu.memory_space<hbm>>
    tpu.enqueue_dma source(%dma_start3A_215 : memref<80xi32, #tpu.memory_space<hbm>>) target(%arg16 : memref<80xi32, #tpu.memory_space<vmem>>) target_semaphore(%arg21 : memref<!tpu.dma_semaphore, #tpu.memory_space<semaphore_mem>>)
    %scan3A_216 = arith.constant 0 : i32
    %scan3A_217 = arith.constant 1 : i32
    %scan3A_218 = arith.constant 61 : i32
    %scan3A_219 = arith.addi %scan3A_217, %scan3A_218 : i32
    %scan3A_220 = arith.constant 1 : i32
    scf.for %scan3A_277 = %scan3A_217 to %scan3A_219 step %scan3A_220  : i32 {
      %dma_wait3A_278 = arith.constant 0 : i32
      %dma_wait3A_279 = tpu.memref_slice %arg5[%dma_wait3A_278] : memref<320000xi32, #tpu.memory_space<hbm>> -> memref<80xi32, #tpu.memory_space<hbm>>
      %dma_wait3A_280 = arith.constant 0 : i32
      %dma_wait3A_281 = tpu.memref_slice %arg5[%dma_wait3A_280] : memref<320000xi32, #tpu.memory_space<hbm>> -> memref<80xi32, #tpu.memory_space<hbm>>
      tpu.wait_dma2 semaphore(%arg20 : memref<!tpu.dma_semaphore, #tpu.memory_space<semaphore_mem>>) src(%dma_wait3A_281 : memref<80xi32, #tpu.memory_space<hbm>>) dst(%arg15 : memref<80xi32, #tpu.memory_space<vmem>>)
      "tpu.region"() ({
        %run_scoped3A = tpu.sem_alloc : memref<!tpu.dma_semaphore, #tpu.memory_space<semaphore_mem>>
        %dma_start3A_304 = arith.constant 0 : i32
        %dma_start3A_305 = arith.constant 0 : i32
        %dma_start3A_306 = tpu.memref_slice %arg12[%dma_start3A_304, %dma_start3A_305] : memref<10240x128xf32, #tpu.memory_space<vmem_shared>> -> memref<10240x128xf32, #tpu.memory_space<vmem_shared>>
        tpu.enqueue_indirect_dma source(%arg18 : memref<80x128xf32, #tpu.memory_space<vmem>>) target(%dma_start3A_306 : memref<10240x128xf32, #tpu.memory_space<vmem_shared>>) offsets(%arg15 : memref<80xi32, #tpu.memory_space<vmem>>) semaphore(%run_scoped3A : memref<!tpu.dma_semaphore, #tpu.memory_space<semaphore_mem>>) {add = true}
        %dma_wait3A_307 = arith.constant 0 : i32
        %dma_wait3A_308 = arith.constant 0 : i32
        %dma_wait3A_309 = tpu.memref_slice %arg12[%dma_wait3A_307, %dma_wait3A_308] : memref<10240x128xf32, #tpu.memory_space<vmem_shared>> -> memref<10240x128xf32, #tpu.memory_space<vmem_shared>>
        tpu.wait_indirect_dma semaphore(%run_scoped3A : memref<!tpu.dma_semaphore, #tpu.memory_space<semaphore_mem>>) src(%arg18 : memref<80x128xf32, #tpu.memory_space<vmem>>) dst(%dma_wait3A_309 : memref<10240x128xf32, #tpu.memory_space<vmem_shared>>)
        tpu.yield
      }) : () -> ()
      %mul3A_282 = arith.constant 2 : i32
      %mul3A_283 = arith.muli %mul3A_282, %scan3A_277 : i32
      %add3A_284 = arith.constant 0 : i32
      %add3A_285 = arith.addi %mul3A_283, %add3A_284 : i32
      %mul3A_286 = arith.constant 80 : i32
      %mul3A_287 = arith.muli %add3A_285, %mul3A_286 : i32
      %add3A_288 = arith.addi %mul3A_4, %mul3A_287 : i32
      %dma_start3A_289 = tpu.memref_slice %arg5[%add3A_288] : memref<320000xi32, #tpu.memory_space<hbm>> -> memref<80xi32, #tpu.memory_space<hbm>>
      %dma_start3A_290 = tpu.memref_slice %arg5[%add3A_288] : memref<320000xi32, #tpu.memory_space<hbm>> -> memref<80xi32, #tpu.memory_space<hbm>>
      tpu.enqueue_dma source(%dma_start3A_290 : memref<80xi32, #tpu.memory_space<hbm>>) target(%arg15 : memref<80xi32, #tpu.memory_space<vmem>>) target_semaphore(%arg20 : memref<!tpu.dma_semaphore, #tpu.memory_space<semaphore_mem>>)
      %dma_wait3A_291 = arith.constant 0 : i32
      %dma_wait3A_292 = tpu.memref_slice %arg5[%dma_wait3A_291] : memref<320000xi32, #tpu.memory_space<hbm>> -> memref<80xi32, #tpu.memory_space<hbm>>
      %dma_wait3A_293 = arith.constant 0 : i32
      %dma_wait3A_294 = tpu.memref_slice %arg5[%dma_wait3A_293] : memref<320000xi32, #tpu.memory_space<hbm>> -> memref<80xi32, #tpu.memory_space<hbm>>
      tpu.wait_dma2 semaphore(%arg21 : memref<!tpu.dma_semaphore, #tpu.memory_space<semaphore_mem>>) src(%dma_wait3A_294 : memref<80xi32, #tpu.memory_space<hbm>>) dst(%arg16 : memref<80xi32, #tpu.memory_space<vmem>>)
      "tpu.region"() ({
        %run_scoped3A = tpu.sem_alloc : memref<!tpu.dma_semaphore, #tpu.memory_space<semaphore_mem>>
        %dma_start3A_304 = arith.constant 0 : i32
        %dma_start3A_305 = arith.constant 0 : i32
        %dma_start3A_306 = tpu.memref_slice %arg12[%dma_start3A_304, %dma_start3A_305] : memref<10240x128xf32, #tpu.memory_space<vmem_shared>> -> memref<10240x128xf32, #tpu.memory_space<vmem_shared>>
        tpu.enqueue_indirect_dma source(%arg18 : memref<80x128xf32, #tpu.memory_space<vmem>>) target(%dma_start3A_306 : memref<10240x128xf32, #tpu.memory_space<vmem_shared>>) offsets(%arg16 : memref<80xi32, #tpu.memory_space<vmem>>) semaphore(%run_scoped3A : memref<!tpu.dma_semaphore, #tpu.memory_space<semaphore_mem>>) {add = true}
        %dma_wait3A_307 = arith.constant 0 : i32
        %dma_wait3A_308 = arith.constant 0 : i32
        %dma_wait3A_309 = tpu.memref_slice %arg12[%dma_wait3A_307, %dma_wait3A_308] : memref<10240x128xf32, #tpu.memory_space<vmem_shared>> -> memref<10240x128xf32, #tpu.memory_space<vmem_shared>>
        tpu.wait_indirect_dma semaphore(%run_scoped3A : memref<!tpu.dma_semaphore, #tpu.memory_space<semaphore_mem>>) src(%arg18 : memref<80x128xf32, #tpu.memory_space<vmem>>) dst(%dma_wait3A_309 : memref<10240x128xf32, #tpu.memory_space<vmem_shared>>)
        tpu.yield
      }) : () -> ()
      %mul3A_295 = arith.constant 2 : i32
      %mul3A_296 = arith.muli %mul3A_295, %scan3A_277 : i32
      %add3A_297 = arith.constant 1 : i32
      %add3A_298 = arith.addi %mul3A_296, %add3A_297 : i32
      %mul3A_299 = arith.constant 80 : i32
      %mul3A_300 = arith.muli %add3A_298, %mul3A_299 : i32
      %add3A_301 = arith.addi %mul3A_4, %mul3A_300 : i32
      %dma_start3A_302 = tpu.memref_slice %arg5[%add3A_301] : memref<320000xi32, #tpu.memory_space<hbm>> -> memref<80xi32, #tpu.memory_space<hbm>>
      %dma_start3A_303 = tpu.memref_slice %arg5[%add3A_301] : memref<320000xi32, #tpu.memory_space<hbm>> -> memref<80xi32, #tpu.memory_space<hbm>>
      tpu.enqueue_dma source(%dma_start3A_303 : memref<80xi32, #tpu.memory_space<hbm>>) target(%arg16 : memref<80xi32, #tpu.memory_space<vmem>>) target_semaphore(%arg21 : memref<!tpu.dma_semaphore, #tpu.memory_space<semaphore_mem>>)
    }
    %scan3A_221 = arith.constant 61 : i32
    %dma_wait3A_222 = arith.constant 0 : i32
    %dma_wait3A_223 = tpu.memref_slice %arg5[%dma_wait3A_222] : memref<320000xi32, #tpu.memory_space<hbm>> -> memref<80xi32, #tpu.memory_space<hbm>>
    %dma_wait3A_224 = arith.constant 0 : i32
    %dma_wait3A_225 = tpu.memref_slice %arg5[%dma_wait3A_224] : memref<320000xi32, #tpu.memory_space<hbm>> -> memref<80xi32, #tpu.memory_space<hbm>>
    tpu.wait_dma2 semaphore(%arg20 : memref<!tpu.dma_semaphore, #tpu.memory_space<semaphore_mem>>) src(%dma_wait3A_225 : memref<80xi32, #tpu.memory_space<hbm>>) dst(%arg15 : memref<80xi32, #tpu.memory_space<vmem>>)
    "tpu.region"() ({
      %run_scoped3A = tpu.sem_alloc : memref<!tpu.dma_semaphore, #tpu.memory_space<semaphore_mem>>
      %dma_start3A_277 = arith.constant 0 : i32
      %dma_start3A_278 = arith.constant 0 : i32
      %dma_start3A_279 = tpu.memref_slice %arg12[%dma_start3A_277, %dma_start3A_278] : memref<10240x128xf32, #tpu.memory_space<vmem_shared>> -> memref<10240x128xf32, #tpu.memory_space<vmem_shared>>
      tpu.enqueue_indirect_dma source(%arg18 : memref<80x128xf32, #tpu.memory_space<vmem>>) target(%dma_start3A_279 : memref<10240x128xf32, #tpu.memory_space<vmem_shared>>) offsets(%arg15 : memref<80xi32, #tpu.memory_space<vmem>>) semaphore(%run_scoped3A : memref<!tpu.dma_semaphore, #tpu.memory_space<semaphore_mem>>) {add = true}
      %dma_wait3A_280 = arith.constant 0 : i32
      %dma_wait3A_281 = arith.constant 0 : i32
      %dma_wait3A_282 = tpu.memref_slice %arg12[%dma_wait3A_280, %dma_wait3A_281] : memref<10240x128xf32, #tpu.memory_space<vmem_shared>> -> memref<10240x128xf32, #tpu.memory_space<vmem_shared>>
      tpu.wait_indirect_dma semaphore(%run_scoped3A : memref<!tpu.dma_semaphore, #tpu.memory_space<semaphore_mem>>) src(%arg18 : memref<80x128xf32, #tpu.memory_space<vmem>>) dst(%dma_wait3A_282 : memref<10240x128xf32, #tpu.memory_space<vmem_shared>>)
      tpu.yield
    }) : () -> ()
    %dma_wait3A_226 = arith.constant 0 : i32
    %dma_wait3A_227 = tpu.memref_slice %arg5[%dma_wait3A_226] : memref<320000xi32, #tpu.memory_space<hbm>> -> memref<80xi32, #tpu.memory_space<hbm>>
    %dma_wait3A_228 = arith.constant 0 : i32
    %dma_wait3A_229 = tpu.memref_slice %arg5[%dma_wait3A_228] : memref<320000xi32, #tpu.memory_space<hbm>> -> memref<80xi32, #tpu.memory_space<hbm>>
    tpu.wait_dma2 semaphore(%arg21 : memref<!tpu.dma_semaphore, #tpu.memory_space<semaphore_mem>>) src(%dma_wait3A_229 : memref<80xi32, #tpu.memory_space<hbm>>) dst(%arg16 : memref<80xi32, #tpu.memory_space<vmem>>)
    "tpu.region"() ({
      %run_scoped3A = tpu.sem_alloc : memref<!tpu.dma_semaphore, #tpu.memory_space<semaphore_mem>>
      %dma_start3A_277 = arith.constant 0 : i32
      %dma_start3A_278 = arith.constant 0 : i32
      %dma_start3A_279 = tpu.memref_slice %arg12[%dma_start3A_277, %dma_start3A_278] : memref<10240x128xf32, #tpu.memory_space<vmem_shared>> -> memref<10240x128xf32, #tpu.memory_space<vmem_shared>>
      tpu.enqueue_indirect_dma source(%arg18 : memref<80x128xf32, #tpu.memory_space<vmem>>) target(%dma_start3A_279 : memref<10240x128xf32, #tpu.memory_space<vmem_shared>>) offsets(%arg16 : memref<80xi32, #tpu.memory_space<vmem>>) semaphore(%run_scoped3A : memref<!tpu.dma_semaphore, #tpu.memory_space<semaphore_mem>>) {add = true}
      %dma_wait3A_280 = arith.constant 0 : i32
      %dma_wait3A_281 = arith.constant 0 : i32
      %dma_wait3A_282 = tpu.memref_slice %arg12[%dma_wait3A_280, %dma_wait3A_281] : memref<10240x128xf32, #tpu.memory_space<vmem_shared>> -> memref<10240x128xf32, #tpu.memory_space<vmem_shared>>
      tpu.wait_indirect_dma semaphore(%run_scoped3A : memref<!tpu.dma_semaphore, #tpu.memory_space<semaphore_mem>>) src(%arg18 : memref<80x128xf32, #tpu.memory_space<vmem>>) dst(%dma_wait3A_282 : memref<10240x128xf32, #tpu.memory_space<vmem_shared>>)
      tpu.yield
    }) : () -> ()
    %add3A_230 = arith.constant 9920 : i32
    %add3A_231 = arith.addi %mul3A_4, %add3A_230 : i32
    "tpu.region"() ({
      %run_scoped3A = tpu.sem_alloc : memref<!tpu.dma_semaphore, #tpu.memory_space<semaphore_mem>>
      %dma_start3A_277 = tpu.memref_slice %arg5[%add3A_231] : memref<320000xi32, #tpu.memory_space<hbm>> -> memref<80xi32, #tpu.memory_space<hbm>>
      %dma_start3A_278 = tpu.memref_slice %arg5[%add3A_231] : memref<320000xi32, #tpu.memory_space<hbm>> -> memref<80xi32, #tpu.memory_space<hbm>>
      tpu.enqueue_dma source(%dma_start3A_278 : memref<80xi32, #tpu.memory_space<hbm>>) target(%arg15 : memref<80xi32, #tpu.memory_space<vmem>>) target_semaphore(%run_scoped3A : memref<!tpu.dma_semaphore, #tpu.memory_space<semaphore_mem>>)
      %dma_wait3A_279 = tpu.memref_slice %arg5[%add3A_231] : memref<320000xi32, #tpu.memory_space<hbm>> -> memref<80xi32, #tpu.memory_space<hbm>>
      %dma_wait3A_280 = tpu.memref_slice %arg5[%add3A_231] : memref<320000xi32, #tpu.memory_space<hbm>> -> memref<80xi32, #tpu.memory_space<hbm>>
      tpu.wait_dma2 semaphore(%run_scoped3A : memref<!tpu.dma_semaphore, #tpu.memory_space<semaphore_mem>>) src(%dma_wait3A_280 : memref<80xi32, #tpu.memory_space<hbm>>) dst(%arg15 : memref<80xi32, #tpu.memory_space<vmem>>)
      tpu.yield
    }) : () -> ()
    "tpu.region"() ({
      %run_scoped3A = tpu.sem_alloc : memref<!tpu.dma_semaphore, #tpu.memory_space<semaphore_mem>>
      %dma_start3A_277 = arith.constant 0 : i32
      %dma_start3A_278 = arith.constant 0 : i32
      %dma_start3A_279 = tpu.memref_slice %arg12[%dma_start3A_277, %dma_start3A_278] : memref<10240x128xf32, #tpu.memory_space<vmem_shared>> -> memref<10240x128xf32, #tpu.memory_space<vmem_shared>>
      tpu.enqueue_indirect_dma source(%arg18 : memref<80x128xf32, #tpu.memory_space<vmem>>) target(%dma_start3A_279 : memref<10240x128xf32, #tpu.memory_space<vmem_shared>>) offsets(%arg15 : memref<80xi32, #tpu.memory_space<vmem>>) semaphore(%run_scoped3A : memref<!tpu.dma_semaphore, #tpu.memory_space<semaphore_mem>>) {add = true}
      %dma_wait3A_280 = arith.constant 0 : i32
      %dma_wait3A_281 = arith.constant 0 : i32
      %dma_wait3A_282 = tpu.memref_slice %arg12[%dma_wait3A_280, %dma_wait3A_281] : memref<10240x128xf32, #tpu.memory_space<vmem_shared>> -> memref<10240x128xf32, #tpu.memory_space<vmem_shared>>
      tpu.wait_indirect_dma semaphore(%run_scoped3A : memref<!tpu.dma_semaphore, #tpu.memory_space<semaphore_mem>>) src(%arg18 : memref<80x128xf32, #tpu.memory_space<vmem>>) dst(%dma_wait3A_282 : memref<10240x128xf32, #tpu.memory_space<vmem_shared>>)
      tpu.yield
    }) : () -> ()
    %barrier3A_232 = arith.constant 0 : index
    tpu.barrier barrier_id(%barrier3A_232)
    %scan3A_233 = arith.constant 0 : i32
    %scan3A_234 = arith.constant 0 : i32
    %scan3A_235 = arith.constant 8 : i32
    %scan3A_236 = arith.addi %scan3A_234, %scan3A_235 : i32
    %scan3A_237 = arith.constant 1 : i32
    scf.for %scan3A_277 = %scan3A_234 to %scan3A_236 step %scan3A_237  : i32 {
      %mul3A_278 = arith.constant 80 : i32
      %mul3A_279 = arith.muli %scan3A_277, %mul3A_278 : i32
      %add3A_280 = arith.addi %mul3A_2, %mul3A_279 : i32
      %multiple_of3A = tpu.assume_multiple %add3A_280, 8 : i32
      "tpu.region"() ({
        %run_scoped3A_281 = tpu.sem_alloc : memref<!tpu.dma_semaphore, #tpu.memory_space<semaphore_mem>>
        %dma_start3A_282 = arith.constant 0 : i32
        %dma_start3A_283 = tpu.memref_slice %arg12[%multiple_of3A, %dma_start3A_282] : memref<10240x128xf32, #tpu.memory_space<vmem_shared>> -> memref<80x128xf32, #tpu.memory_space<vmem_shared>>
        %dma_start3A_284 = arith.constant 0 : i32
        %dma_start3A_285 = tpu.memref_slice %arg12[%multiple_of3A, %dma_start3A_284] : memref<10240x128xf32, #tpu.memory_space<vmem_shared>> -> memref<80x128xf32, #tpu.memory_space<vmem_shared>>
        tpu.enqueue_dma source(%dma_start3A_285 : memref<80x128xf32, #tpu.memory_space<vmem_shared>>) target(%arg17 : memref<80x128xf32, #tpu.memory_space<vmem>>) target_semaphore(%run_scoped3A_281 : memref<!tpu.dma_semaphore, #tpu.memory_space<semaphore_mem>>)
        %dma_wait3A_286 = arith.constant 0 : i32
        %dma_wait3A_287 = tpu.memref_slice %arg12[%multiple_of3A, %dma_wait3A_286] : memref<10240x128xf32, #tpu.memory_space<vmem_shared>> -> memref<80x128xf32, #tpu.memory_space<vmem_shared>>
        %dma_wait3A_288 = arith.constant 0 : i32
        %dma_wait3A_289 = tpu.memref_slice %arg12[%multiple_of3A, %dma_wait3A_288] : memref<10240x128xf32, #tpu.memory_space<vmem_shared>> -> memref<80x128xf32, #tpu.memory_space<vmem_shared>>
        tpu.wait_dma2 semaphore(%run_scoped3A_281 : memref<!tpu.dma_semaphore, #tpu.memory_space<semaphore_mem>>) src(%dma_wait3A_289 : memref<80x128xf32, #tpu.memory_space<vmem_shared>>) dst(%arg17 : memref<80x128xf32, #tpu.memory_space<vmem>>)
        tpu.yield
      }) : () -> ()
      %run_scoped3A = arith.constant 4 : i32
      "tpu.region"() ({
        %run_scoped3A_281 = tpu.sem_alloc : memref<!tpu.dma_semaphore, #tpu.memory_space<semaphore_mem>>
        %dma_start3A_282 = arith.constant 0 : i32
        %dma_start3A_283 = tpu.memref_slice %arg11[%run_scoped3A, %arg0, %multiple_of3A, %dma_start3A_282] : memref<6x2x10240x128xf32, #tpu.memory_space<hbm>> -> memref<1x1x80x128xf32, #tpu.memory_space<hbm>>
        %dma_start3A_284 = tpu.memref_squeeze %dma_start3A_283 : memref<1x1x80x128xf32, #tpu.memory_space<hbm>> -> memref<80x128xf32, #tpu.memory_space<hbm>>
        %dma_start3A_285 = arith.constant 0 : i32
        %dma_start3A_286 = tpu.memref_slice %arg11[%run_scoped3A, %arg0, %multiple_of3A, %dma_start3A_285] : memref<6x2x10240x128xf32, #tpu.memory_space<hbm>> -> memref<1x1x80x128xf32, #tpu.memory_space<hbm>>
        %dma_start3A_287 = tpu.memref_squeeze %dma_start3A_286 : memref<1x1x80x128xf32, #tpu.memory_space<hbm>> -> memref<80x128xf32, #tpu.memory_space<hbm>>
        tpu.enqueue_dma source(%arg17 : memref<80x128xf32, #tpu.memory_space<vmem>>) target(%dma_start3A_287 : memref<80x128xf32, #tpu.memory_space<hbm>>) target_semaphore(%run_scoped3A_281 : memref<!tpu.dma_semaphore, #tpu.memory_space<semaphore_mem>>)
        %dma_wait3A_288 = arith.constant 0 : i32
        %dma_wait3A_289 = tpu.memref_slice %arg11[%run_scoped3A, %arg0, %multiple_of3A, %dma_wait3A_288] : memref<6x2x10240x128xf32, #tpu.memory_space<hbm>> -> memref<1x1x80x128xf32, #tpu.memory_space<hbm>>
        %dma_wait3A_290 = tpu.memref_squeeze %dma_wait3A_289 : memref<1x1x80x128xf32, #tpu.memory_space<hbm>> -> memref<80x128xf32, #tpu.memory_space<hbm>>
        %dma_wait3A_291 = arith.constant 0 : i32
        %dma_wait3A_292 = tpu.memref_slice %arg11[%run_scoped3A, %arg0, %multiple_of3A, %dma_wait3A_291] : memref<6x2x10240x128xf32, #tpu.memory_space<hbm>> -> memref<1x1x80x128xf32, #tpu.memory_space<hbm>>
        %dma_wait3A_293 = tpu.memref_squeeze %dma_wait3A_292 : memref<1x1x80x128xf32, #tpu.memory_space<hbm>> -> memref<80x128xf32, #tpu.memory_space<hbm>>
        tpu.wait_dma2 semaphore(%run_scoped3A_281 : memref<!tpu.dma_semaphore, #tpu.memory_space<semaphore_mem>>) src(%arg17 : memref<80x128xf32, #tpu.memory_space<vmem>>) dst(%dma_wait3A_293 : memref<80x128xf32, #tpu.memory_space<hbm>>)
        tpu.yield
      }) : () -> ()
    }
    %scan3A_238 = arith.constant 8 : i32
    %scan3A_239 = arith.constant 0 : i32
    %scan3A_240 = arith.constant 0 : i32
    %scan3A_241 = arith.constant 80 : i32
    %scan3A_242 = arith.addi %scan3A_240, %scan3A_241 : i32
    %scan3A_243 = arith.constant 1 : i32
    scf.for %scan3A_277 = %scan3A_240 to %scan3A_242 step %scan3A_243  : i32 {
      %mul3A_278 = arith.constant 8 : i32
      %mul3A_279 = arith.muli %scan3A_277, %mul3A_278 : i32
      %add3A_280 = arith.addi %mul3A_2, %mul3A_279 : i32
      %multiple_of3A = tpu.assume_multiple %add3A_280, 8 : i32
      "tpu.region"() ({
        %run_scoped3A = tpu.sem_alloc : memref<!tpu.dma_semaphore, #tpu.memory_space<semaphore_mem>>
        %dma_start3A_281 = arith.constant 0 : i32
        %dma_start3A_282 = tpu.memref_slice %arg12[%multiple_of3A, %dma_start3A_281] : memref<10240x128xf32, #tpu.memory_space<vmem_shared>> -> memref<8x128xf32, #tpu.memory_space<vmem_shared>>
        %dma_start3A_283 = arith.constant 0 : i32
        %dma_start3A_284 = tpu.memref_slice %arg12[%multiple_of3A, %dma_start3A_283] : memref<10240x128xf32, #tpu.memory_space<vmem_shared>> -> memref<8x128xf32, #tpu.memory_space<vmem_shared>>
        tpu.enqueue_dma source(%arg19 : memref<8x128xf32, #tpu.memory_space<vmem>>) target(%dma_start3A_284 : memref<8x128xf32, #tpu.memory_space<vmem_shared>>) target_semaphore(%run_scoped3A : memref<!tpu.dma_semaphore, #tpu.memory_space<semaphore_mem>>)
        %dma_wait3A_285 = arith.constant 0 : i32
        %dma_wait3A_286 = tpu.memref_slice %arg12[%multiple_of3A, %dma_wait3A_285] : memref<10240x128xf32, #tpu.memory_space<vmem_shared>> -> memref<8x128xf32, #tpu.memory_space<vmem_shared>>
        %dma_wait3A_287 = arith.constant 0 : i32
        %dma_wait3A_288 = tpu.memref_slice %arg12[%multiple_of3A, %dma_wait3A_287] : memref<10240x128xf32, #tpu.memory_space<vmem_shared>> -> memref<8x128xf32, #tpu.memory_space<vmem_shared>>
        tpu.wait_dma2 semaphore(%run_scoped3A : memref<!tpu.dma_semaphore, #tpu.memory_space<semaphore_mem>>) src(%arg19 : memref<8x128xf32, #tpu.memory_space<vmem>>) dst(%dma_wait3A_288 : memref<8x128xf32, #tpu.memory_space<vmem_shared>>)
        tpu.yield
      }) : () -> ()
    }
    %scan3A_244 = arith.constant 80 : i32
    %barrier3A_245 = arith.constant 0 : index
    tpu.barrier barrier_id(%barrier3A_245)
    %add3A_246 = arith.constant 0 : i32
    %add3A_247 = arith.addi %mul3A_4, %add3A_246 : i32
    %dma_start3A_248 = tpu.memref_slice %arg7[%add3A_247] : memref<320000xi32, #tpu.memory_space<hbm>> -> memref<80xi32, #tpu.memory_space<hbm>>
    %dma_start3A_249 = tpu.memref_slice %arg7[%add3A_247] : memref<320000xi32, #tpu.memory_space<hbm>> -> memref<80xi32, #tpu.memory_space<hbm>>
    tpu.enqueue_dma source(%dma_start3A_249 : memref<80xi32, #tpu.memory_space<hbm>>) target(%arg15 : memref<80xi32, #tpu.memory_space<vmem>>) target_semaphore(%arg20 : memref<!tpu.dma_semaphore, #tpu.memory_space<semaphore_mem>>)
    %add3A_250 = arith.constant 80 : i32
    %add3A_251 = arith.addi %mul3A_4, %add3A_250 : i32
    %dma_start3A_252 = tpu.memref_slice %arg7[%add3A_251] : memref<320000xi32, #tpu.memory_space<hbm>> -> memref<80xi32, #tpu.memory_space<hbm>>
    %dma_start3A_253 = tpu.memref_slice %arg7[%add3A_251] : memref<320000xi32, #tpu.memory_space<hbm>> -> memref<80xi32, #tpu.memory_space<hbm>>
    tpu.enqueue_dma source(%dma_start3A_253 : memref<80xi32, #tpu.memory_space<hbm>>) target(%arg16 : memref<80xi32, #tpu.memory_space<vmem>>) target_semaphore(%arg21 : memref<!tpu.dma_semaphore, #tpu.memory_space<semaphore_mem>>)
    %scan3A_254 = arith.constant 0 : i32
    %scan3A_255 = arith.constant 1 : i32
    %scan3A_256 = arith.constant 61 : i32
    %scan3A_257 = arith.addi %scan3A_255, %scan3A_256 : i32
    %scan3A_258 = arith.constant 1 : i32
    scf.for %scan3A_277 = %scan3A_255 to %scan3A_257 step %scan3A_258  : i32 {
      %dma_wait3A_278 = arith.constant 0 : i32
      %dma_wait3A_279 = tpu.memref_slice %arg7[%dma_wait3A_278] : memref<320000xi32, #tpu.memory_space<hbm>> -> memref<80xi32, #tpu.memory_space<hbm>>
      %dma_wait3A_280 = arith.constant 0 : i32
      %dma_wait3A_281 = tpu.memref_slice %arg7[%dma_wait3A_280] : memref<320000xi32, #tpu.memory_space<hbm>> -> memref<80xi32, #tpu.memory_space<hbm>>
      tpu.wait_dma2 semaphore(%arg20 : memref<!tpu.dma_semaphore, #tpu.memory_space<semaphore_mem>>) src(%dma_wait3A_281 : memref<80xi32, #tpu.memory_space<hbm>>) dst(%arg15 : memref<80xi32, #tpu.memory_space<vmem>>)
      "tpu.region"() ({
        %run_scoped3A = tpu.sem_alloc : memref<!tpu.dma_semaphore, #tpu.memory_space<semaphore_mem>>
        %dma_start3A_304 = arith.constant 0 : i32
        %dma_start3A_305 = arith.constant 0 : i32
        %dma_start3A_306 = tpu.memref_slice %arg12[%dma_start3A_304, %dma_start3A_305] : memref<10240x128xf32, #tpu.memory_space<vmem_shared>> -> memref<10240x128xf32, #tpu.memory_space<vmem_shared>>
        tpu.enqueue_indirect_dma source(%arg18 : memref<80x128xf32, #tpu.memory_space<vmem>>) target(%dma_start3A_306 : memref<10240x128xf32, #tpu.memory_space<vmem_shared>>) offsets(%arg15 : memref<80xi32, #tpu.memory_space<vmem>>) semaphore(%run_scoped3A : memref<!tpu.dma_semaphore, #tpu.memory_space<semaphore_mem>>) {add = true}
        %dma_wait3A_307 = arith.constant 0 : i32
        %dma_wait3A_308 = arith.constant 0 : i32
        %dma_wait3A_309 = tpu.memref_slice %arg12[%dma_wait3A_307, %dma_wait3A_308] : memref<10240x128xf32, #tpu.memory_space<vmem_shared>> -> memref<10240x128xf32, #tpu.memory_space<vmem_shared>>
        tpu.wait_indirect_dma semaphore(%run_scoped3A : memref<!tpu.dma_semaphore, #tpu.memory_space<semaphore_mem>>) src(%arg18 : memref<80x128xf32, #tpu.memory_space<vmem>>) dst(%dma_wait3A_309 : memref<10240x128xf32, #tpu.memory_space<vmem_shared>>)
        tpu.yield
      }) : () -> ()
      %mul3A_282 = arith.constant 2 : i32
      %mul3A_283 = arith.muli %mul3A_282, %scan3A_277 : i32
      %add3A_284 = arith.constant 0 : i32
      %add3A_285 = arith.addi %mul3A_283, %add3A_284 : i32
      %mul3A_286 = arith.constant 80 : i32
      %mul3A_287 = arith.muli %add3A_285, %mul3A_286 : i32
      %add3A_288 = arith.addi %mul3A_4, %mul3A_287 : i32
      %dma_start3A_289 = tpu.memref_slice %arg7[%add3A_288] : memref<320000xi32, #tpu.memory_space<hbm>> -> memref<80xi32, #tpu.memory_space<hbm>>
      %dma_start3A_290 = tpu.memref_slice %arg7[%add3A_288] : memref<320000xi32, #tpu.memory_space<hbm>> -> memref<80xi32, #tpu.memory_space<hbm>>
      tpu.enqueue_dma source(%dma_start3A_290 : memref<80xi32, #tpu.memory_space<hbm>>) target(%arg15 : memref<80xi32, #tpu.memory_space<vmem>>) target_semaphore(%arg20 : memref<!tpu.dma_semaphore, #tpu.memory_space<semaphore_mem>>)
      %dma_wait3A_291 = arith.constant 0 : i32
      %dma_wait3A_292 = tpu.memref_slice %arg7[%dma_wait3A_291] : memref<320000xi32, #tpu.memory_space<hbm>> -> memref<80xi32, #tpu.memory_space<hbm>>
      %dma_wait3A_293 = arith.constant 0 : i32
      %dma_wait3A_294 = tpu.memref_slice %arg7[%dma_wait3A_293] : memref<320000xi32, #tpu.memory_space<hbm>> -> memref<80xi32, #tpu.memory_space<hbm>>
      tpu.wait_dma2 semaphore(%arg21 : memref<!tpu.dma_semaphore, #tpu.memory_space<semaphore_mem>>) src(%dma_wait3A_294 : memref<80xi32, #tpu.memory_space<hbm>>) dst(%arg16 : memref<80xi32, #tpu.memory_space<vmem>>)
      "tpu.region"() ({
        %run_scoped3A = tpu.sem_alloc : memref<!tpu.dma_semaphore, #tpu.memory_space<semaphore_mem>>
        %dma_start3A_304 = arith.constant 0 : i32
        %dma_start3A_305 = arith.constant 0 : i32
        %dma_start3A_306 = tpu.memref_slice %arg12[%dma_start3A_304, %dma_start3A_305] : memref<10240x128xf32, #tpu.memory_space<vmem_shared>> -> memref<10240x128xf32, #tpu.memory_space<vmem_shared>>
        tpu.enqueue_indirect_dma source(%arg18 : memref<80x128xf32, #tpu.memory_space<vmem>>) target(%dma_start3A_306 : memref<10240x128xf32, #tpu.memory_space<vmem_shared>>) offsets(%arg16 : memref<80xi32, #tpu.memory_space<vmem>>) semaphore(%run_scoped3A : memref<!tpu.dma_semaphore, #tpu.memory_space<semaphore_mem>>) {add = true}
        %dma_wait3A_307 = arith.constant 0 : i32
        %dma_wait3A_308 = arith.constant 0 : i32
        %dma_wait3A_309 = tpu.memref_slice %arg12[%dma_wait3A_307, %dma_wait3A_308] : memref<10240x128xf32, #tpu.memory_space<vmem_shared>> -> memref<10240x128xf32, #tpu.memory_space<vmem_shared>>
        tpu.wait_indirect_dma semaphore(%run_scoped3A : memref<!tpu.dma_semaphore, #tpu.memory_space<semaphore_mem>>) src(%arg18 : memref<80x128xf32, #tpu.memory_space<vmem>>) dst(%dma_wait3A_309 : memref<10240x128xf32, #tpu.memory_space<vmem_shared>>)
        tpu.yield
      }) : () -> ()
      %mul3A_295 = arith.constant 2 : i32
      %mul3A_296 = arith.muli %mul3A_295, %scan3A_277 : i32
      %add3A_297 = arith.constant 1 : i32
      %add3A_298 = arith.addi %mul3A_296, %add3A_297 : i32
      %mul3A_299 = arith.constant 80 : i32
      %mul3A_300 = arith.muli %add3A_298, %mul3A_299 : i32
      %add3A_301 = arith.addi %mul3A_4, %mul3A_300 : i32
      %dma_start3A_302 = tpu.memref_slice %arg7[%add3A_301] : memref<320000xi32, #tpu.memory_space<hbm>> -> memref<80xi32, #tpu.memory_space<hbm>>
      %dma_start3A_303 = tpu.memref_slice %arg7[%add3A_301] : memref<320000xi32, #tpu.memory_space<hbm>> -> memref<80xi32, #tpu.memory_space<hbm>>
      tpu.enqueue_dma source(%dma_start3A_303 : memref<80xi32, #tpu.memory_space<hbm>>) target(%arg16 : memref<80xi32, #tpu.memory_space<vmem>>) target_semaphore(%arg21 : memref<!tpu.dma_semaphore, #tpu.memory_space<semaphore_mem>>)
    }
    %scan3A_259 = arith.constant 61 : i32
    %dma_wait3A_260 = arith.constant 0 : i32
    %dma_wait3A_261 = tpu.memref_slice %arg7[%dma_wait3A_260] : memref<320000xi32, #tpu.memory_space<hbm>> -> memref<80xi32, #tpu.memory_space<hbm>>
    %dma_wait3A_262 = arith.constant 0 : i32
    %dma_wait3A_263 = tpu.memref_slice %arg7[%dma_wait3A_262] : memref<320000xi32, #tpu.memory_space<hbm>> -> memref<80xi32, #tpu.memory_space<hbm>>
    tpu.wait_dma2 semaphore(%arg20 : memref<!tpu.dma_semaphore, #tpu.memory_space<semaphore_mem>>) src(%dma_wait3A_263 : memref<80xi32, #tpu.memory_space<hbm>>) dst(%arg15 : memref<80xi32, #tpu.memory_space<vmem>>)
    "tpu.region"() ({
      %run_scoped3A = tpu.sem_alloc : memref<!tpu.dma_semaphore, #tpu.memory_space<semaphore_mem>>
      %dma_start3A_277 = arith.constant 0 : i32
      %dma_start3A_278 = arith.constant 0 : i32
      %dma_start3A_279 = tpu.memref_slice %arg12[%dma_start3A_277, %dma_start3A_278] : memref<10240x128xf32, #tpu.memory_space<vmem_shared>> -> memref<10240x128xf32, #tpu.memory_space<vmem_shared>>
      tpu.enqueue_indirect_dma source(%arg18 : memref<80x128xf32, #tpu.memory_space<vmem>>) target(%dma_start3A_279 : memref<10240x128xf32, #tpu.memory_space<vmem_shared>>) offsets(%arg15 : memref<80xi32, #tpu.memory_space<vmem>>) semaphore(%run_scoped3A : memref<!tpu.dma_semaphore, #tpu.memory_space<semaphore_mem>>) {add = true}
      %dma_wait3A_280 = arith.constant 0 : i32
      %dma_wait3A_281 = arith.constant 0 : i32
      %dma_wait3A_282 = tpu.memref_slice %arg12[%dma_wait3A_280, %dma_wait3A_281] : memref<10240x128xf32, #tpu.memory_space<vmem_shared>> -> memref<10240x128xf32, #tpu.memory_space<vmem_shared>>
      tpu.wait_indirect_dma semaphore(%run_scoped3A : memref<!tpu.dma_semaphore, #tpu.memory_space<semaphore_mem>>) src(%arg18 : memref<80x128xf32, #tpu.memory_space<vmem>>) dst(%dma_wait3A_282 : memref<10240x128xf32, #tpu.memory_space<vmem_shared>>)
      tpu.yield
    }) : () -> ()
    %dma_wait3A_264 = arith.constant 0 : i32
    %dma_wait3A_265 = tpu.memref_slice %arg7[%dma_wait3A_264] : memref<320000xi32, #tpu.memory_space<hbm>> -> memref<80xi32, #tpu.memory_space<hbm>>
    %dma_wait3A_266 = arith.constant 0 : i32
    %dma_wait3A_267 = tpu.memref_slice %arg7[%dma_wait3A_266] : memref<320000xi32, #tpu.memory_space<hbm>> -> memref<80xi32, #tpu.memory_space<hbm>>
    tpu.wait_dma2 semaphore(%arg21 : memref<!tpu.dma_semaphore, #tpu.memory_space<semaphore_mem>>) src(%dma_wait3A_267 : memref<80xi32, #tpu.memory_space<hbm>>) dst(%arg16 : memref<80xi32, #tpu.memory_space<vmem>>)
    "tpu.region"() ({
      %run_scoped3A = tpu.sem_alloc : memref<!tpu.dma_semaphore, #tpu.memory_space<semaphore_mem>>
      %dma_start3A_277 = arith.constant 0 : i32
      %dma_start3A_278 = arith.constant 0 : i32
      %dma_start3A_279 = tpu.memref_slice %arg12[%dma_start3A_277, %dma_start3A_278] : memref<10240x128xf32, #tpu.memory_space<vmem_shared>> -> memref<10240x128xf32, #tpu.memory_space<vmem_shared>>
      tpu.enqueue_indirect_dma source(%arg18 : memref<80x128xf32, #tpu.memory_space<vmem>>) target(%dma_start3A_279 : memref<10240x128xf32, #tpu.memory_space<vmem_shared>>) offsets(%arg16 : memref<80xi32, #tpu.memory_space<vmem>>) semaphore(%run_scoped3A : memref<!tpu.dma_semaphore, #tpu.memory_space<semaphore_mem>>) {add = true}
      %dma_wait3A_280 = arith.constant 0 : i32
      %dma_wait3A_281 = arith.constant 0 : i32
      %dma_wait3A_282 = tpu.memref_slice %arg12[%dma_wait3A_280, %dma_wait3A_281] : memref<10240x128xf32, #tpu.memory_space<vmem_shared>> -> memref<10240x128xf32, #tpu.memory_space<vmem_shared>>
      tpu.wait_indirect_dma semaphore(%run_scoped3A : memref<!tpu.dma_semaphore, #tpu.memory_space<semaphore_mem>>) src(%arg18 : memref<80x128xf32, #tpu.memory_space<vmem>>) dst(%dma_wait3A_282 : memref<10240x128xf32, #tpu.memory_space<vmem_shared>>)
      tpu.yield
    }) : () -> ()
    %add3A_268 = arith.constant 9920 : i32
    %add3A_269 = arith.addi %mul3A_4, %add3A_268 : i32
    "tpu.region"() ({
      %run_scoped3A = tpu.sem_alloc : memref<!tpu.dma_semaphore, #tpu.memory_space<semaphore_mem>>
      %dma_start3A_277 = tpu.memref_slice %arg7[%add3A_269] : memref<320000xi32, #tpu.memory_space<hbm>> -> memref<80xi32, #tpu.memory_space<hbm>>
      %dma_start3A_278 = tpu.memref_slice %arg7[%add3A_269] : memref<320000xi32, #tpu.memory_space<hbm>> -> memref<80xi32, #tpu.memory_space<hbm>>
      tpu.enqueue_dma source(%dma_start3A_278 : memref<80xi32, #tpu.memory_space<hbm>>) target(%arg15 : memref<80xi32, #tpu.memory_space<vmem>>) target_semaphore(%run_scoped3A : memref<!tpu.dma_semaphore, #tpu.memory_space<semaphore_mem>>)
      %dma_wait3A_279 = tpu.memref_slice %arg7[%add3A_269] : memref<320000xi32, #tpu.memory_space<hbm>> -> memref<80xi32, #tpu.memory_space<hbm>>
      %dma_wait3A_280 = tpu.memref_slice %arg7[%add3A_269] : memref<320000xi32, #tpu.memory_space<hbm>> -> memref<80xi32, #tpu.memory_space<hbm>>
      tpu.wait_dma2 semaphore(%run_scoped3A : memref<!tpu.dma_semaphore, #tpu.memory_space<semaphore_mem>>) src(%dma_wait3A_280 : memref<80xi32, #tpu.memory_space<hbm>>) dst(%arg15 : memref<80xi32, #tpu.memory_space<vmem>>)
      tpu.yield
    }) : () -> ()
    "tpu.region"() ({
      %run_scoped3A = tpu.sem_alloc : memref<!tpu.dma_semaphore, #tpu.memory_space<semaphore_mem>>
      %dma_start3A_277 = arith.constant 0 : i32
      %dma_start3A_278 = arith.constant 0 : i32
      %dma_start3A_279 = tpu.memref_slice %arg12[%dma_start3A_277, %dma_start3A_278] : memref<10240x128xf32, #tpu.memory_space<vmem_shared>> -> memref<10240x128xf32, #tpu.memory_space<vmem_shared>>
      tpu.enqueue_indirect_dma source(%arg18 : memref<80x128xf32, #tpu.memory_space<vmem>>) target(%dma_start3A_279 : memref<10240x128xf32, #tpu.memory_space<vmem_shared>>) offsets(%arg15 : memref<80xi32, #tpu.memory_space<vmem>>) semaphore(%run_scoped3A : memref<!tpu.dma_semaphore, #tpu.memory_space<semaphore_mem>>) {add = true}
      %dma_wait3A_280 = arith.constant 0 : i32
      %dma_wait3A_281 = arith.constant 0 : i32
      %dma_wait3A_282 = tpu.memref_slice %arg12[%dma_wait3A_280, %dma_wait3A_281] : memref<10240x128xf32, #tpu.memory_space<vmem_shared>> -> memref<10240x128xf32, #tpu.memory_space<vmem_shared>>
      tpu.wait_indirect_dma semaphore(%run_scoped3A : memref<!tpu.dma_semaphore, #tpu.memory_space<semaphore_mem>>) src(%arg18 : memref<80x128xf32, #tpu.memory_space<vmem>>) dst(%dma_wait3A_282 : memref<10240x128xf32, #tpu.memory_space<vmem_shared>>)
      tpu.yield
    }) : () -> ()
    %barrier3A_270 = arith.constant 0 : index
    tpu.barrier barrier_id(%barrier3A_270)
    %scan3A_271 = arith.constant 0 : i32
    %scan3A_272 = arith.constant 0 : i32
    %scan3A_273 = arith.constant 8 : i32
    %scan3A_274 = arith.addi %scan3A_272, %scan3A_273 : i32
    %scan3A_275 = arith.constant 1 : i32
    scf.for %scan3A_277 = %scan3A_272 to %scan3A_274 step %scan3A_275  : i32 {
      %mul3A_278 = arith.constant 80 : i32
      %mul3A_279 = arith.muli %scan3A_277, %mul3A_278 : i32
      %add3A_280 = arith.addi %mul3A_2, %mul3A_279 : i32
      %multiple_of3A = tpu.assume_multiple %add3A_280, 8 : i32
      "tpu.region"() ({
        %run_scoped3A_281 = tpu.sem_alloc : memref<!tpu.dma_semaphore, #tpu.memory_space<semaphore_mem>>
        %dma_start3A_282 = arith.constant 0 : i32
        %dma_start3A_283 = tpu.memref_slice %arg12[%multiple_of3A, %dma_start3A_282] : memref<10240x128xf32, #tpu.memory_space<vmem_shared>> -> memref<80x128xf32, #tpu.memory_space<vmem_shared>>
        %dma_start3A_284 = arith.constant 0 : i32
        %dma_start3A_285 = tpu.memref_slice %arg12[%multiple_of3A, %dma_start3A_284] : memref<10240x128xf32, #tpu.memory_space<vmem_shared>> -> memref<80x128xf32, #tpu.memory_space<vmem_shared>>
        tpu.enqueue_dma source(%dma_start3A_285 : memref<80x128xf32, #tpu.memory_space<vmem_shared>>) target(%arg17 : memref<80x128xf32, #tpu.memory_space<vmem>>) target_semaphore(%run_scoped3A_281 : memref<!tpu.dma_semaphore, #tpu.memory_space<semaphore_mem>>)
        %dma_wait3A_286 = arith.constant 0 : i32
        %dma_wait3A_287 = tpu.memref_slice %arg12[%multiple_of3A, %dma_wait3A_286] : memref<10240x128xf32, #tpu.memory_space<vmem_shared>> -> memref<80x128xf32, #tpu.memory_space<vmem_shared>>
        %dma_wait3A_288 = arith.constant 0 : i32
        %dma_wait3A_289 = tpu.memref_slice %arg12[%multiple_of3A, %dma_wait3A_288] : memref<10240x128xf32, #tpu.memory_space<vmem_shared>> -> memref<80x128xf32, #tpu.memory_space<vmem_shared>>
        tpu.wait_dma2 semaphore(%run_scoped3A_281 : memref<!tpu.dma_semaphore, #tpu.memory_space<semaphore_mem>>) src(%dma_wait3A_289 : memref<80x128xf32, #tpu.memory_space<vmem_shared>>) dst(%arg17 : memref<80x128xf32, #tpu.memory_space<vmem>>)
        tpu.yield
      }) : () -> ()
      %run_scoped3A = arith.constant 5 : i32
      "tpu.region"() ({
        %run_scoped3A_281 = tpu.sem_alloc : memref<!tpu.dma_semaphore, #tpu.memory_space<semaphore_mem>>
        %dma_start3A_282 = arith.constant 0 : i32
        %dma_start3A_283 = tpu.memref_slice %arg11[%run_scoped3A, %arg0, %multiple_of3A, %dma_start3A_282] : memref<6x2x10240x128xf32, #tpu.memory_space<hbm>> -> memref<1x1x80x128xf32, #tpu.memory_space<hbm>>
        %dma_start3A_284 = tpu.memref_squeeze %dma_start3A_283 : memref<1x1x80x128xf32, #tpu.memory_space<hbm>> -> memref<80x128xf32, #tpu.memory_space<hbm>>
        %dma_start3A_285 = arith.constant 0 : i32
        %dma_start3A_286 = tpu.memref_slice %arg11[%run_scoped3A, %arg0, %multiple_of3A, %dma_start3A_285] : memref<6x2x10240x128xf32, #tpu.memory_space<hbm>> -> memref<1x1x80x128xf32, #tpu.memory_space<hbm>>
        %dma_start3A_287 = tpu.memref_squeeze %dma_start3A_286 : memref<1x1x80x128xf32, #tpu.memory_space<hbm>> -> memref<80x128xf32, #tpu.memory_space<hbm>>
        tpu.enqueue_dma source(%arg17 : memref<80x128xf32, #tpu.memory_space<vmem>>) target(%dma_start3A_287 : memref<80x128xf32, #tpu.memory_space<hbm>>) target_semaphore(%run_scoped3A_281 : memref<!tpu.dma_semaphore, #tpu.memory_space<semaphore_mem>>)
        %dma_wait3A_288 = arith.constant 0 : i32
        %dma_wait3A_289 = tpu.memref_slice %arg11[%run_scoped3A, %arg0, %multiple_of3A, %dma_wait3A_288] : memref<6x2x10240x128xf32, #tpu.memory_space<hbm>> -> memref<1x1x80x128xf32, #tpu.memory_space<hbm>>
        %dma_wait3A_290 = tpu.memref_squeeze %dma_wait3A_289 : memref<1x1x80x128xf32, #tpu.memory_space<hbm>> -> memref<80x128xf32, #tpu.memory_space<hbm>>
        %dma_wait3A_291 = arith.constant 0 : i32
        %dma_wait3A_292 = tpu.memref_slice %arg11[%run_scoped3A, %arg0, %multiple_of3A, %dma_wait3A_291] : memref<6x2x10240x128xf32, #tpu.memory_space<hbm>> -> memref<1x1x80x128xf32, #tpu.memory_space<hbm>>
        %dma_wait3A_293 = tpu.memref_squeeze %dma_wait3A_292 : memref<1x1x80x128xf32, #tpu.memory_space<hbm>> -> memref<80x128xf32, #tpu.memory_space<hbm>>
        tpu.wait_dma2 semaphore(%run_scoped3A_281 : memref<!tpu.dma_semaphore, #tpu.memory_space<semaphore_mem>>) src(%arg17 : memref<80x128xf32, #tpu.memory_space<vmem>>) dst(%dma_wait3A_293 : memref<80x128xf32, #tpu.memory_space<hbm>>)
        tpu.yield
      }) : () -> ()
    }
    %scan3A_276 = arith.constant 8 : i32
    return
  }
}

</mosaic_0001>

<sc_bundles>
// kernel: _agg.3.cloned.1.call-start
scs
__scs_entry_jumppad:
0x0: {  	(pc) =	sbr.rel $0x88, $3  }
0x1: {  	(tag) =	ssettag $0x0;
	lr =	simm.s32 $0x1  }
0x2: {  	[smem:$0x3F98] =	sst lr;
	_ =	strace $0xD0000000  }
0x3: {  	_ = 	snop  }
0x4: {  	_ = 	snop  }
0x5: {  	_ = 	snop  }
0x6: {  	_ = 	snop  }
0x7: {  	_ = 	snop  }
__scs_overlays_trampoline_lowered:
0x8: {  	[smem:$0x3FA7] =	sst s0  }
0x9: {  	[smem:$0x3FA8] =	sst s1  }
0xa: {  	[smem:$0x3FA9] =	sst s2  }
0xb: {  	[smem:$0x3FAA] =	sst s3  }
0xc: {  	[smem:$0x3FAB] =	sst s4  }
0xd: {  	[smem:$0x3FAC] =	sst s5  }
0xe: {  	[smem:$0x3FAD] =	sst s6  }
0xf: {  	[smem:$0x3FAE] =	sst s7  }
0x10: {  	[smem:$0x3FAF] =	sst s8  }
0x11: {  	[smem:$0x3FB0] =	sst s9;
	s0 =	simm.s32 @!p0 $0x0  }
0x12: {  	s1 =	sld [smem:$0x3F96];
	s0 =	simm.s32 @p0 $0x1  }
0x13: {  	[smem:$0x3FB1] =	sst s0;
	s0 =	simm.s32 @!p1 $0x0  }
0x14: {  	s2 =	sld [smem:$0x3F95];
	s0 =	simm.s32 @p1 $0x1  }
0x15: {  	[smem:$0x3FB2] =	sst s0;
	s0 =	simm.s32 @!p2 $0x0  }
0x16: {  	s3 =	sld [smem:$0x3FDB];
	s0 =	simm.s32 @p2 $0x1  }
0x17: {  	s4 =	simm.s32 $0x1BF5;
	[smem:$0x3FB4] =	sst s0  }
0x18: {  	s0 =	sld [smem:$0x3F97];
	_ =	swait.ge [sflag:s4], $0x0  }
0x19: {  	s7 =	sld [smem:$0x3F98]  }
0x1a: {  	s8 =	sadd.s32 $0xFFFFE003, lr  }
0x1b: {  	s9 =	sadd.s32 $0xFFFFFEF7, lr;
	s5 =	simm.s32 $0xFFFFFFFF;
	p2 =	slt.u32 s8, $0xFFFFF086  }
0x1c: {  	p1 =	slt.u32 s9, $0xF7A;
	s5 =	simm.s32 @!p2 $0x0  }
0x1d: {  	s5 =	simm.s32 @p1 $0x1;
	p0 =	seq.s32 s7, s2  }
0x1e: {  	s7 =	smul.u32 @!p0 $0xF7A, s2;
	p2 =	seq.s32 @!p0 s5, $0x0  }
0x1f: {  	s9 =	smul.u32 $0xF7A, s1;
	s8 =	simm.s32 @!p0 $0x1BF5;
	p2 =	por !p2, p0  }
0x20: {  	[sflag:s8] =	ssyncset.s32 @!p0 $0xFFFFF086;
	s6 =	sadd.s32 @!p0 s3, s7;
	s7 =	simm.s32 @!p0 $0x108  }
0x21: {  	s3 =	sadd.s32 s3, s9;
	s6 =	sadd.s32 @!p0 $0x88, s6;
	s7 =	simm.s32 @p2 $0x1082  }
0x22: {  	[simem:s7], [sflag:s8] =	dma.local @!p0 [hbm:s6], $0xF7A  }
0x23: {  	s9 =	sor.u32 $0xD0000000, s2;
	s6 =	simm.s32 $0x108;
	_ =	swait.ge @!p0 [sflag:s8], $0x0  }
0x24: {  	s3 =	sadd.s32 $0x88, s3;
	s6 =	simm.s32 @!p1 $0x1082;
	[sflag:s4] =	ssyncset.s32 $0xFFFFF086  }
0x25: {  	[simem:s6], [sflag:s4] =	dma.local [hbm:s3], $0xF7A  }
0x26: {  	[smem:$0x3F98] =	sst s1;
	(tag) =	ssettag s2;
	_ =	strace s9  }
0x27: {  	s1 =	sld [smem:$0x3FA8]  }
0x28: {  	s2 =	sld [smem:$0x3FA9]  }
0x29: {  	s4 =	sld [smem:$0x3FAB]  }
0x2a: {  	p0 =	seq.s32 s5, $0x0;
	s5 =	sld [smem:$0x3FAC]  }
0x2b: {  	s6 =	sld [smem:$0x3FAD]  }
0x2c: {  	s7 =	sld [smem:$0x3FAE]  }
0x2d: {  	s3 =	simm.s32 $0x108;
	s8 =	sld [smem:$0x3FAF]  }
0x2e: {  	s3 =	simm.s32 @!p0 $0x1082;
	s9 =	sld [smem:$0x3FB0]  }
0x2f: {  	lr =	sadd.s32 s0, s3;
	s0 =	sld [smem:$0x3FA7]  }
0x30: {  	s3 =	sld [smem:$0x3FAA]  }
0x31: {  	[smem:$0x3FB3] =	sst s10  }
0x32: {  	s10 =	sld [smem:$0x3FB1];
	_ =	sdelay $0x3  }
0x33: {  	p0 =	seq.s32 s10, $0x1;
	s10 =	sld [smem:$0x3FB3];
	_ =	sdelay $0x3  }
0x34: {  	[smem:$0x3FB3] =	sst s10  }
0x35: {  	s10 =	sld [smem:$0x3FB2];
	_ =	sdelay $0x3  }
0x36: {  	p1 =	seq.s32 s10, $0x1;
	s10 =	sld [smem:$0x3FB3];
	_ =	sdelay $0x3  }
0x37: {  	[smem:$0x3FB3] =	sst s10  }
0x38: {  	s10 =	sld [smem:$0x3FB4]  }
0x39: {  	_ = 	snop;
	(pc) =	sbr.ind lr, $3  }
0x3a: {  	_ = 	snop  }
0x3b: {  	_ = 	snop  }
0x3c: {  	p2 =	seq.s32 s10, $0x1;
	s10 =	sld [smem:$0x3FB3]  }
0x3d: {  	_ =	shalt  }
0x3e: {  	_ =	shalt  }
0x3f: {  	_ =	shalt  }
0x40: {  	_ =	shalt  }
0x41: {  	_ =	shalt  }
0x42: {  	_ =	shalt  }
0x43: {  	_ =	shalt  }
0x44: {  	_ =	shalt  }
0x45: {  	_ =	shalt  }
0x46: {  	_ =	shalt  }
0x47: {  	_ =	shalt  }
0x48: {  	_ =	shalt  }
0x49: {  	_ =	shalt  }
0x4a: {  	_ =	shalt  }
0x4b: {  	_ =	shalt  }
0x4c: {  	_ =	shalt  }
0x4d: {  	_ =	shalt  }
0x4e: {  	_ =	shalt  }
0x4f: {  	_ =	shalt  }
0x50: {  	_ =	shalt  }
0x51: {  	_ =	shalt  }
0x52: {  	_ =	shalt  }
0x53: {  	_ =	shalt  }
0x54: {  	_ =	shalt  }
0x55: {  	_ =	shalt  }
0x56: {  	_ =	shalt  }
0x57: {  	_ =	shalt  }
0x58: {  	_ =	shalt  }
0x59: {  	_ =	shalt  }
0x5a: {  	_ =	shalt  }
0x5b: {  	_ =	shalt  }
0x5c: {  	_ =	shalt  }
0x5d: {  	_ =	shalt  }
0x5e: {  	_ =	shalt  }
0x5f: {  	_ =	shalt  }
0x60: {  	_ =	shalt  }
0x61: {  	_ =	shalt  }
0x62: {  	_ =	shalt  }
0x63: {  	_ =	shalt  }
0x64: {  	_ =	shalt  }
0x65: {  	_ =	shalt  }
0x66: {  	_ =	shalt  }
0x67: {  	_ =	shalt  }
0x68: {  	_ =	shalt  }
0x69: {  	_ =	shalt  }
0x6a: {  	_ =	shalt  }
0x6b: {  	_ =	shalt  }
0x6c: {  	_ =	shalt  }
0x6d: {  	_ =	shalt  }
0x6e: {  	_ =	shalt  }
0x6f: {  	_ =	shalt  }
0x70: {  	_ =	shalt  }
0x71: {  	_ =	shalt  }
0x72: {  	_ =	shalt  }
0x73: {  	_ =	shalt  }
0x74: {  	_ =	shalt  }
0x75: {  	_ =	shalt  }
0x76: {  	_ =	shalt  }
0x77: {  	_ =	shalt  }
0x78: {  	_ =	shalt  }
0x79: {  	_ =	shalt  }
0x7a: {  	_ =	shalt  }
0x7b: {  	_ =	shalt  }
0x7c: {  	_ =	shalt  }
0x7d: {  	_ =	shalt  }
0x7e: {  	_ =	shalt  }
0x7f: {  	_ =	shalt  }
0x80: {  	_ =	shalt  }
0x81: {  	_ =	shalt  }
0x82: {  	_ =	shalt  }
0x83: {  	_ =	shalt  }
0x84: {  	_ =	shalt  }
0x85: {  	_ =	shalt  }
0x86: {  	_ =	shalt  }
0x87: {  	_ =	shalt  }
.Lfunc_end0:
.L_simem_size_0:
called_computation_lowered:
.L_overlay_start_0:
0x88: {  	s2 =	sld [smem:$0x3FD9]  }
0x89: {  	s3 =	sld [smem:$0x3FFE];
	_ =	sdelay $0x1  }
0x8a: {  	s1 =	srdreg.scid  }
0x8b: {  	s0 =	sand.u32 $0x1, s1  }
0x8c: {  	s18 =	sshll.u32 s0, $0xA;
	s2 =	sadd.s32 s3, s2  }
0x8d: {  	s2 =	sadd.s32 s2, s18  }
0x8e: {  	[smem:$0x3FBF] =	sst s2  }
0x8f: {  	_ = 	snop  }
0x90: {  	s2 =	sld [smem:$0x3FC9]  }
0x91: {  	s19 =	sld [smem:$0x3FC8]  }
0x92: {  	s4 =	sld [smem:$0x3FC7]  }
0x93: {  	s5 =	sld [smem:$0x3FC6]  }
0x94: {  	s6 =	sld [smem:$0x3FC5]  }
0x95: {  	s7 =	sld [smem:$0x3FC4]  }
0x96: {  	s8 =	sld [smem:$0x3FC3]  }
0x97: {  	s9 =	sld [smem:$0x3FC2]  }
0x98: {  	s10 =	sld [smem:$0x3FC1]  }
0x99: {  	s11 =	sld [smem:$0x3FD0];
	(tm) =	ssettm $0x1  }
0x9a: {  	s12 =	sld [smem:$0x3FFB];
	_ =	sdelay $0x3  }
0x9b: {  	_ =	strace s12  }
0x9c: {  	s12 =	sld [smem:$0x3FFC];
	_ =	sdelay $0x3  }
0x9d: {  	_ =	strace s12  }
0x9e: {  	s12 =	sld [smem:$0x3FFD];
	_ =	sdelay $0x3  }
0x9f: {  	_ =	strace s12  }
0xa0: {  	_ =	strace $0x8FFFFFFF  }
0xa1: {  	s20 =	sld [smem:$0x3FDB];
	_ =	sdelay $0x1  }
0xa2: {  	s13 =	simm.s32 $_scs_section_size  }
0xa3: {  	s14 =	simm.s32 $_size__tile_overlayer_lowered;
	s15 =	simm.s32 $_tile_overlayer_lowered  }
0xa4: {  	s23 =	simm.s32 $0x1BFF;
	s22 =	sshll.u32 s15, $0x1;
	s12 =	sadd.s32 s13, s20  }
0xa5: {  	s16 =	simm.s32 $0x0;
	s21 =	sshll.u32 s14, $0x1;
	s14 =	sadd.s32 s22, s12  }
0xa6: {  	[timem:s16], [sflag:s23] =	dma.local [hbm:s14], s21  }
0xa7: {  	_ =	swait.ge [sflag:s23], s21  }
0xa8: {  	s13 =	ssub.s32 $0x0, s21;
	[sflag:s23] =	ssyncset.done $0x0  }
0xa9: {  	[sflag:s23] =	ssyncadd.s32 s13;
	_ =	sdelay $0x1  }
0xaa: {  	s24 =	simm.s32 $0x1B8B  }
0xab: {  	_ =	swait.ge [sflag:s24], $0x1  }
0xac: {  	[sflag:s24] =	ssyncset.done $0x0  }
0xad: {  	s25 =	simm.s32 $0x1B8E;
	[sflag:s24] =	ssyncadd.s32 $0xFFFFFFFF  }
0xae: {  	s26 =	simm.s32 $execute0_lowered;
	[smem:$0x3FD2] =	sst s25  }
0xaf: {  	s13 =	sshll.u32 s26, $0x1;
	_ =	strace $0x80000046;
	[dreg:$0x1] =	wrdreg $0xFFFFFFFF  }
0xb0: {  	s28 =	simm.s32 $_size_execute0_lowered;
	s12 =	sadd.s32 s12, s13;
	[dreg:$0x0] =	wrdreg $0x0  }
0xb1: {  	s13 =	sshll.u32 s28, $0x1;
	[dreg:$0x2] =	wrdreg s12  }
0xb2: {  	[dreg:$0x3] =	wrdreg s13  }
0xb3: {  	[dreg:$0x4] =	wrdreg $0xC0  }
0xb4: {  	_ =	task [dreg:s16], $0x5FFFF  }
0xb5: {  	[dreg:$0x1] =	wrdreg $0xFFFFFFFF  }
0xb6: {  	[dreg:$0x0] =	wrdreg $0x60  }
0xb7: {  	[dreg:$0x2] =	wrdreg s2  }
0xb8: {  	[dreg:$0x3] =	wrdreg s19  }
0xb9: {  	[dreg:$0x4] =	wrdreg s4  }
0xba: {  	[dreg:$0x5] =	wrdreg s5  }
0xbb: {  	[dreg:$0x6] =	wrdreg s6  }
0xbc: {  	[dreg:$0x7] =	wrdreg s7  }
0xbd: {  	[dreg:$0x8] =	wrdreg s8  }
0xbe: {  	[dreg:$0x9] =	wrdreg s9  }
0xbf: {  	[dreg:$0xa] =	wrdreg s10  }
0xc0: {  	[dreg:$0xb] =	wrdreg s11  }
0xc1: {  	[dreg:$0xc] =	wrdreg $0x0  }
0xc2: {  	[dreg:$0xd] =	wrdreg $0x9  }
0xc3: {  	_ =	task.clear_ibuf [dreg:s16], $0xEFFFF;
	_ =	strace $0x90000046  }
0xc4: {  	s29 =	simm.s32 $0x9;
	_ =	strace $0x80000048  }
0xc5: {  	_ =	swait.ge [sflag:s29], $0x1  }
0xc6: {  	[sflag:s29] =	ssyncadd.s32 $0xFFFFFFFF  }
0xc7: {  	_ =	strace $0x90000048  }
0xc8: {  	_ =	sfence  }
0xc9: {  	s30 =	sld [smem:$0x0];
	_ =	sdelay $0x2  }
0xca: {  	s31 =	sshll.u32 s1, $0xD;
	s1 =	sshrl.u32 s1, $0x2  }
0xcb: {  	s3 =	sand.u32 $0x4000, s31;
	s1 =	sadd.s32 s1, s30  }
0xcc: {  	s0 =	sor.u32 s3, s0;
	s1 =	sshll.u32 s1, $0x11  }
0xcd: {  	s0 =	sor.u32 s1, s0  }
0xce: {  	s0 =	sadd.s32 $0x8F2B, s0  }
0xcf: {  	[sflag:s0] =	ssyncadd.remote.s32 $0x1  }
0xd0: {  	_ =	sfence.sel $0xFFFF  }
0xd1: {  	[dreg:$0x0] =	wrdreg $0xFFFFFFFF;
	(pc) =	sbr.abs _section_cstart, $3  }
0xd2: {  	[dreg:$0x1] =	wrdreg $0xFFFFFFFF  }
0xd3: {  	_ =	task.clear_ibuf [dreg:s16], $0x2FFFF;
	_ =	strace $0x9FFFFFFF  }
0xd4: {  	(tm) =	ssettm $0x7FFFFFFF  }
0xd5: {  	_ =	shalt  }
tec
execute0_lowered:
.L_overlay_start_1:
0x0: {  	(tag) =	ssettag $0x1  }
0x1: {  	s0 =	srdreg.scid;
	s8 =	rddreg [dreg:$0x9]  }
0x2: {  	s21 =	stileid.u32;
	s28 =	rddreg [dreg:$0x7]  }
0x3: {  	s1 =	simm.s32 $0x0;
	s30 =	rddreg [dreg:$0xa];
	s10 =	sand.u32 $0x1, s0  }
0x4: {  	s12 =	smul.u32 $0x14000, s21;
	[smem:$0x7FF] =	sst s1;
	s0 =	ssub.s32 $0x2, s10  }
0x5: {  	s17 =	smul.u32 $0x140000, s10;
	s6 =	sshll.u32 s10, $0x4;
	s2 =	sshrl.u32 s0, $0x1  }
0x6: {  	s11 =	sor.u32 s21, s6;
	s3 =	sadd.s32 $0x5000, s12;
	s4 =	sadd.s32 $0x7800, s12  }
0x7: {  	s0 =	ssub.s32 s0, s2;
	s18 =	sadd.s32 $0x280000, s17;
	s7 =	sadd.s32 s17, s12  }
0x8: {  	s16 =	sadd.s32 $0x500000, s17;
	s15 =	sadd.s32 $0x780000, s17;
	s2 =	sshrl.u32 s7, $0x3  }
0x9: {  	s14 =	sor.u32 $0xA00000, s17;
	s6 =	sadd.s32 s17, s3;
	s2 =	sadd.s32 s8, s2  }
0xa: {  	s7 =	sadd.s32 s17, s4;
	[dreg:$0xc] =	wrdreg s2;
	s2 =	sor.u32 $0x2800, s12  }
0xb: {  	s9 =	sshrl.u32 s6, $0x3;
	s13 =	sshrl.u32 s7, $0x3;
	s5 =	sadd.s32 s17, s2  }
0xc: {  	s6 =	sadd.s32 $0xF000, s12;
	s19 =	sadd.s32 s8, s13;
	s5 =	sshrl.u32 s5, $0x3  }
0xd: {  	s24 =	sadd.s32 s12, s18;
	[dreg:$0xf] =	wrdreg s19;
	s5 =	sadd.s32 s8, s5  }
0xe: {  	s7 =	sadd.s32 $0xC800, s12;
	[dreg:$0xd] =	wrdreg s5;
	s5 =	sadd.s32 s8, s9  }
0xf: {  	s19 =	sadd.s32 s17, s6;
	[dreg:$0xe] =	wrdreg s5;
	s5 =	sadd.s32 $0xA000, s12  }
0x10: {  	s13 =	sadd.s32 s17, s7;
	s22 =	sshrl.u32 s19, $0x3;
	s9 =	sadd.s32 s17, s5  }
0x11: {  	s20 =	sshrl.u32 s13, $0x3;
	s23 =	sadd.s32 s8, s22;
	s9 =	sshrl.u32 s9, $0x3  }
0x12: {  	s13 =	sadd.s32 $0xC80000, s17;
	[dreg:$0x12] =	wrdreg s23;
	s9 =	sadd.s32 s8, s9  }
0x13: {  	s19 =	sshrl.u32 s24, $0x3;
	[dreg:$0x10] =	wrdreg s9;
	s9 =	sadd.s32 s8, s20  }
0x14: {  	s25 =	sadd.s32 s8, s19;
	[dreg:$0x11] =	wrdreg s9;
	s9 =	sadd.s32 $0x11800, s12  }
0x15: {  	s19 =	sadd.s32 s3, s18;
	[dreg:$0x14] =	wrdreg s25;
	s17 =	sadd.s32 s17, s9  }
0x16: {  	s25 =	sadd.s32 s7, s18;
	s20 =	sadd.s32 s2, s18;
	s17 =	sshrl.u32 s17, $0x3  }
0x17: {  	s22 =	sadd.s32 s5, s18;
	s26 =	sshrl.u32 s20, $0x3;
	s17 =	sadd.s32 s8, s17  }
0x18: {  	s24 =	sshrl.u32 s22, $0x3;
	[dreg:$0x13] =	wrdreg s17;
	s17 =	sadd.s32 s8, s26  }
0x19: {  	s20 =	sadd.s32 s4, s18;
	[dreg:$0x15] =	wrdreg s17;
	s17 =	sshrl.u32 s19, $0x3  }
0x1a: {  	s26 =	sadd.s32 s6, s18;
	s19 =	sshrl.u32 s20, $0x3;
	s17 =	sadd.s32 s8, s17  }
0x1b: {  	s18 =	sadd.s32 s9, s18;
	s23 =	sadd.s32 s8, s19;
	[dreg:$0x16] =	wrdreg s17  }
0x1c: {  	s22 =	sshrl.u32 s18, $0x3;
	s19 =	sshrl.u32 s26, $0x3;
	[dreg:$0x17] =	wrdreg s23  }
0x1d: {  	s17 =	sadd.s32 s8, s24;
	s20 =	sadd.s32 s8, s19;
	s23 =	sadd.s32 s12, s16  }
0x1e: {  	s24 =	sadd.s32 s2, s16;
	s19 =	sadd.s32 s4, s16;
	[dreg:$0x18] =	wrdreg s17  }
0x1f: {  	s17 =	sshrl.u32 s25, $0x3;
	[dreg:$0x1a] =	wrdreg s20;
	s18 =	sshrl.u32 s24, $0x3  }
0x20: {  	s25 =	sadd.s32 s3, s16;
	s20 =	sadd.s32 s5, s16;
	s17 =	sadd.s32 s8, s17  }
0x21: {  	s26 =	sadd.s32 s8, s18;
	s18 =	sshrl.u32 s25, $0x3;
	s25 =	sadd.s32 s6, s16  }
0x22: {  	[dreg:$0x19] =	wrdreg s17;
	s17 =	sadd.s32 s8, s22;
	s22 =	sadd.s32 s7, s16  }
0x23: {  	s16 =	sadd.s32 s9, s16;
	[dreg:$0x1b] =	wrdreg s17;
	s17 =	sshrl.u32 s23, $0x3  }
0x24: {  	[dreg:$0x1d] =	wrdreg s26;
	s16 =	sshrl.u32 s16, $0x3;
	s17 =	sadd.s32 s8, s17  }
0x25: {  	s26 =	sadd.s32 s12, s15;
	s16 =	sadd.s32 s8, s16;
	[dreg:$0x1c] =	wrdreg s17  }
0x26: {  	s24 =	sshrl.u32 s22, $0x3;
	s17 =	sadd.s32 s8, s18;
	[smem:$0x7CA] =	sst s16  }
0x27: {  	s18 =	sshrl.u32 s20, $0x3;
	s20 =	sadd.s32 s4, s15;
	[dreg:$0x1e] =	wrdreg s17  }
0x28: {  	s17 =	sshrl.u32 s19, $0x3;
	s23 =	sadd.s32 s8, s18;
	s18 =	sadd.s32 s2, s15  }
0x29: {  	s19 =	sadd.s32 s3, s15;
	s17 =	sadd.s32 s8, s17;
	[smem:$0x7C7] =	sst s23  }
0x2a: {  	s23 =	sshrl.u32 s20, $0x3;
	[dreg:$0x1f] =	wrdreg s17;
	s17 =	sadd.s32 s8, s24  }
0x2b: {  	s20 =	sadd.s32 s2, s14;
	[smem:$0x7C8] =	sst s17;
	s17 =	sshrl.u32 s25, $0x3  }
0x2c: {  	s24 =	sadd.s32 s5, s15;
	s25 =	sadd.s32 s7, s15;
	s17 =	sadd.s32 s8, s17  }
0x2d: {  	[smem:$0x7C9] =	sst s17;
	s17 =	sshrl.u32 s26, $0x3;
	s26 =	sadd.s32 s6, s15  }
0x2e: {  	s15 =	sadd.s32 s9, s15;
	s16 =	sadd.s32 s8, s17;
	s17 =	sshrl.u32 s19, $0x3  }
0x2f: {  	s19 =	sadd.s32 s12, s14;
	s15 =	sshrl.u32 s15, $0x3;
	s12 =	sadd.s32 s12, s13  }
0x30: {  	[smem:$0x7CB] =	sst s16;
	s16 =	sshrl.u32 s18, $0x3;
	s22 =	sadd.s32 s8, s17  }
0x31: {  	s17 =	sshrl.u32 s25, $0x3;
	s15 =	sadd.s32 s8, s15;
	[smem:$0x7CD] =	sst s22  }
0x32: {  	s18 =	sshrl.u32 s26, $0x3;
	s16 =	sadd.s32 s8, s16;
	[smem:$0x7D2] =	sst s15  }
0x33: {  	s12 =	sshrl.u32 s12, $0x3;
	s17 =	sadd.s32 s8, s17;
	[smem:$0x7CC] =	sst s16  }
0x34: {  	s25 =	sadd.s32 s4, s14;
	s12 =	sadd.s32 s8, s12;
	[smem:$0x7D0] =	sst s17  }
0x35: {  	s26 =	sadd.s32 s5, s14;
	s16 =	sadd.s32 s8, s23;
	[smem:$0x7DB] =	sst s12  }
0x36: {  	s23 =	sshrl.u32 s20, $0x3;
	s20 =	sadd.s32 s6, s14;
	[smem:$0x7CE] =	sst s16  }
0x37: {  	s16 =	sshrl.u32 s24, $0x3;
	s15 =	sadd.s32 s8, s23;
	s24 =	sadd.s32 s3, s14  }
0x38: {  	s16 =	sadd.s32 s8, s16;
	[smem:$0x7D4] =	sst s15;
	s15 =	sshrl.u32 s24, $0x3  }
0x39: {  	s24 =	sadd.s32 s3, s13;
	[smem:$0x7CF] =	sst s16;
	s16 =	sadd.s32 s8, s18  }
0x3a: {  	s15 =	sadd.s32 s8, s15;
	s18 =	sshrl.u32 s26, $0x3;
	[smem:$0x7D1] =	sst s16  }
0x3b: {  	s26 =	sshrl.u32 s24, $0x3;
	s16 =	sshrl.u32 s19, $0x3;
	[smem:$0x7D5] =	sst s15  }
0x3c: {  	s15 =	sadd.s32 s8, s18;
	s12 =	sadd.s32 s8, s26;
	s26 =	rddreg [dreg:$0x6]  }
0x3d: {  	s19 =	sadd.s32 s7, s14;
	s14 =	sadd.s32 s9, s14;
	[smem:$0x7D7] =	sst s15  }
0x3e: {  	s22 =	sadd.s32 s8, s16;
	s16 =	sshrl.u32 s25, $0x3;
	[smem:$0x7DD] =	sst s12  }
0x3f: {  	s15 =	sshrl.u32 s19, $0x3;
	[smem:$0x7D3] =	sst s22;
	s16 =	sadd.s32 s8, s16  }
0x40: {  	s14 =	sshrl.u32 s14, $0x3;
	s15 =	sadd.s32 s8, s15;
	[smem:$0x7D6] =	sst s16  }
0x41: {  	s23 =	sadd.s32 s2, s13;
	s14 =	sadd.s32 s8, s14;
	[smem:$0x7D8] =	sst s15  }
0x42: {  	s19 =	sadd.s32 s6, s13;
	s16 =	sshrl.u32 s20, $0x3;
	[smem:$0x7DA] =	sst s14  }
0x43: {  	s14 =	sshrl.u32 s23, $0x3;
	s23 =	rddreg [dreg:$0x1];
	s15 =	sadd.s32 s5, s13  }
0x44: {  	s20 =	sshrl.u32 s19, $0x3;
	s19 =	rddreg [dreg:$0x5];
	s22 =	sadd.s32 s8, s16  }
0x45: {  	s25 =	sadd.s32 s8, s14;
	s16 =	rddreg [dreg:$0x0];
	s14 =	sadd.s32 s4, s13  }
0x46: {  	s17 =	sshrl.u32 s15, $0x3;
	s15 =	rddreg [dreg:$0x2];
	s12 =	sshrl.u32 s14, $0x3  }
0x47: {  	[smem:$0x7D9] =	sst s22;
	s12 =	sadd.s32 s8, s12  }
0x48: {  	s18 =	sadd.s32 s7, s13;
	[smem:$0x7DE] =	sst s12;
	s12 =	sadd.s32 s8, s17  }
0x49: {  	[smem:$0x7DF] =	sst s12;
	s12 =	sshrl.u32 s18, $0x3  }
0x4a: {  	[smem:$0x7DC] =	sst s25;
	s12 =	sadd.s32 s8, s12  }
0x4b: {  	s22 =	sadd.s32 s9, s13;
	[smem:$0x7E0] =	sst s12;
	s12 =	sadd.s32 s8, s20  }
0x4c: {  	[smem:$0x7E1] =	sst s12;
	s12 =	sshrl.u32 s22, $0x3  }
0x4d: {  	s17 =	rddreg [dreg:$0x3];
	s8 =	sadd.s32 s8, s12;
	s12 =	smul.u32 $0x2710, s11  }
0x4e: {  	s0 =	smax.u32 s0, $0x1;
	s24 =	smul.u32 $0x50000, s21;
	s18 =	rddreg [dreg:$0x4]  }
0x4f: {  	s25 =	smul.u32 $0x2710, s21;
	[smem:$0x7E2] =	sst s8;
	s8 =	sshrl.u32 s12, $0x3  }
0x50: {  	_ =	strace $0x80000047;
	[smem:$0x7F5] =	sst s0;
	s21 =	sadd.s32 s16, s8  }
0x51: {  	s10 =	smul.u32 $0x27100, s10;
	s22 =	sadd.s32 s23, s8;
	[smem:$0x7E3] =	sst s21  }
0x52: {  	s20 =	sshrl.u32 s24, $0x2;
	s24 =	sadd.s32 s15, s8;
	[smem:$0x7E4] =	sst s22  }
0x53: {  	s10 =	sadd.s32 s25, s10;
	s25 =	sadd.s32 s17, s8;
	[smem:$0x7E5] =	sst s24  }
0x54: {  	s11 =	sadd.s32 $0xA, s8;
	s14 =	sadd.s32 s18, s8;
	[smem:$0x7E6] =	sst s25  }
0x55: {  	s12 =	sadd.s32 $0x4D8, s8;
	s8 =	sadd.s32 s19, s8;
	[smem:$0x7E7] =	sst s14  }
0x56: {  	s31 =	sadd.s32 s20, s30;
	[smem:$0x7E8] =	sst s8;
	s20 =	sadd.s32 s16, s11  }
0x57: {  	s21 =	sadd.s32 s23, s11;
	[smem:$0x7E9] =	sst s20  }
0x58: {  	s22 =	sadd.s32 s15, s11;
	[smem:$0x7EA] =	sst s21  }
0x59: {  	s24 =	sadd.s32 s17, s11;
	[smem:$0x7EB] =	sst s22  }
0x5a: {  	s25 =	sadd.s32 s18, s11;
	[smem:$0x7EC] =	sst s24  }
0x5b: {  	s13 =	sadd.s32 s19, s11;
	[smem:$0x7ED] =	sst s25  }
0x5c: {  	s14 =	sadd.s32 s16, s12;
	[smem:$0x7EE] =	sst s13  }
0x5d: {  	s11 =	sadd.s32 s2, s30;
	[smem:$0x7EF] =	sst s14  }
0x5e: {  	s20 =	sadd.s32 s23, s12;
	[smem:$0x7F6] =	sst s11  }
0x5f: {  	s21 =	sadd.s32 s15, s12;
	[smem:$0x7F0] =	sst s20  }
0x60: {  	s22 =	sadd.s32 s17, s12;
	[smem:$0x7F1] =	sst s21  }
0x61: {  	s24 =	sadd.s32 s18, s12;
	[smem:$0x7F2] =	sst s22  }
0x62: {  	s25 =	sadd.s32 s19, s12;
	[smem:$0x7F3] =	sst s24  }
0x63: {  	s12 =	sadd.s32 s3, s30;
	[smem:$0x7F4] =	sst s25  }
0x64: {  	s13 =	sadd.s32 s4, s30;
	[smem:$0x7F7] =	sst s12  }
0x65: {  	s14 =	sadd.s32 s5, s30;
	s3 =	simm.s32 $0x14080;
	[smem:$0x7F8] =	sst s13  }
0x66: {  	s5 =	simm.s32 $0x14180;
	s11 =	simm.s32 $0x2;
	[smem:$0x7F9] =	sst s14  }
0x67: {  	s20 =	sadd.s32 s7, s30;
	s21 =	sadd.s32 $0xF0, s10;
	s22 =	sadd.s32 s6, s30  }
0x68: {  	s24 =	sadd.s32 s9, s30;
	s25 =	sadd.s32 $0xA0, s10;
	s10 =	simm.s32 $0x19200  }
0x69: {  	s12 =	simm.s32 $0x5;
	s14 =	simm.s32 $0x14000;
	[smem:$0x7FA] =	sst s20  }
0x6a: {  	s7 =	simm.s32 $0x16A00;
	s9 =	simm.s32 $0x1;
	[smem:$0x7FB] =	sst s22  }
0x6b: {  	s13 =	simm.s32 $0x3;
	[smem:$0x7FC] =	sst s24;
	s0 =	sshrl.u32 s21, $0x3  }
0x6c: {  	[smem:$0x7FD] =	sst s25;
	s24 =	simm.s32 $0x50;
	s22 =	sadd.s32 s0, s23  }
0x6d: {  	s29 =	sadd.s32 s0, s16;
	s2 =	sadd.s32 s0, s17;
	s4 =	sadd.s32 s0, s15  }
0x6e: {  	s6 =	sadd.s32 s0, s19;
	s8 =	sadd.s32 s0, s18;
	s19 =	simm.s32 $0x14100  }
0x6f: {  	v0 =	vimm.f32 $0.0e+00;
	v1 =	vimm.f32 $1.000000000e+00;
	s0 =	simm.s32 $0x14200;
	s17 =	simm.s32 $0x4;
	s18 =	simm.s32 $0x0  }
.LBB2_1:
0x70: {  	[tilespmem:$0x19200] =	vst v0  }
0x71: {  	[tilespmem:$0x19210] =	vst v0  }
0x72: {  	[tilespmem:$0x19220] =	vst v0  }
0x73: {  	[tilespmem:$0x19230] =	vst v0  }
0x74: {  	[tilespmem:$0x19240] =	vst v0  }
0x75: {  	[tilespmem:$0x19250] =	vst v0  }
0x76: {  	[tilespmem:$0x19260] =	vst v0  }
0x77: {  	[tilespmem:$0x19270] =	vst v0  }
0x78: {  	[tilespmem:$0x19280] =	vst v0  }
0x79: {  	[tilespmem:$0x19290] =	vst v0  }
0x7a: {  	[tilespmem:$0x192A0] =	vst v0  }
0x7b: {  	[tilespmem:$0x192B0] =	vst v0  }
0x7c: {  	[tilespmem:$0x192C0] =	vst v0  }
0x7d: {  	[tilespmem:$0x192D0] =	vst v0  }
0x7e: {  	[tilespmem:$0x192E0] =	vst v0  }
0x7f: {  	[tilespmem:$0x192F0] =	vst v0  }
0x80: {  	[tilespmem:$0x19300] =	vst v0  }
0x81: {  	[tilespmem:$0x19310] =	vst v0  }
0x82: {  	[tilespmem:$0x19320] =	vst v0  }
0x83: {  	[tilespmem:$0x19330] =	vst v0  }
0x84: {  	[tilespmem:$0x19340] =	vst v0  }
0x85: {  	[tilespmem:$0x19350] =	vst v0  }
0x86: {  	[tilespmem:$0x19360] =	vst v0  }
0x87: {  	[tilespmem:$0x19370] =	vst v0  }
0x88: {  	[tilespmem:$0x19380] =	vst v0  }
0x89: {  	[tilespmem:$0x19390] =	vst v0  }
0x8a: {  	[tilespmem:$0x193A0] =	vst v0  }
0x8b: {  	[tilespmem:$0x193B0] =	vst v0  }
0x8c: {  	[tilespmem:$0x193C0] =	vst v0  }
0x8d: {  	[tilespmem:$0x193D0] =	vst v0  }
0x8e: {  	[tilespmem:$0x193E0] =	vst v0  }
0x8f: {  	[tilespmem:$0x193F0] =	vst v0  }
0x90: {  	[tilespmem:$0x19400] =	vst v0  }
0x91: {  	[tilespmem:$0x19410] =	vst v0  }
0x92: {  	[tilespmem:$0x19420] =	vst v0  }
0x93: {  	[tilespmem:$0x19430] =	vst v0  }
0x94: {  	[tilespmem:$0x19440] =	vst v0  }
0x95: {  	[tilespmem:$0x19450] =	vst v0  }
0x96: {  	[tilespmem:$0x19460] =	vst v0  }
0x97: {  	[tilespmem:$0x19470] =	vst v0  }
0x98: {  	[tilespmem:$0x19480] =	vst v0  }
0x99: {  	[tilespmem:$0x19490] =	vst v0  }
0x9a: {  	[tilespmem:$0x194A0] =	vst v0  }
0x9b: {  	[tilespmem:$0x194B0] =	vst v0  }
0x9c: {  	[tilespmem:$0x194C0] =	vst v0  }
0x9d: {  	[tilespmem:$0x194D0] =	vst v0  }
0x9e: {  	[tilespmem:$0x194E0] =	vst v0  }
0x9f: {  	[tilespmem:$0x194F0] =	vst v0  }
0xa0: {  	[tilespmem:$0x19500] =	vst v0  }
0xa1: {  	[tilespmem:$0x19510] =	vst v0  }
0xa2: {  	[tilespmem:$0x19520] =	vst v0  }
0xa3: {  	[tilespmem:$0x19530] =	vst v0  }
0xa4: {  	[tilespmem:$0x19540] =	vst v0  }
0xa5: {  	[tilespmem:$0x19550] =	vst v0  }
0xa6: {  	[tilespmem:$0x19560] =	vst v0  }
0xa7: {  	[tilespmem:$0x19570] =	vst v0  }
0xa8: {  	[tilespmem:$0x19580] =	vst v0  }
0xa9: {  	[tilespmem:$0x19590] =	vst v0  }
0xaa: {  	[tilespmem:$0x195A0] =	vst v0  }
0xab: {  	[tilespmem:$0x195B0] =	vst v0  }
0xac: {  	[tilespmem:$0x195C0] =	vst v0  }
0xad: {  	[tilespmem:$0x195D0] =	vst v0  }
0xae: {  	[tilespmem:$0x195E0] =	vst v0  }
0xaf: {  	[smem:$0x7C6] =	sst s18;
	[tilespmem:$0x195F0] =	vst v0;
	s15 =	sadd.s32 $0x0, s31  }
0xb0: {  	[spmem:s15] =	stream.linear.scatter [tilespmem:s10], [sflag:$0x5], $0x400, $0x38;
	[tilespmem:$0x19600] =	vst v63  }
0xb1: {  	s15 =	simm.s32 $0x1000;
	_ =	swait.ge [sflag:s12], $0x400  }
.LBB2_2:
0xb2: {  	s18 =	sshra.s32 s15, $0x2;
	[sflag:s12] =	ssyncset.done $0x0;
	p0 =	sne.s32 s15, $0x4F000  }
.Ltmp0:
0xb3: {  	s18 =	sadd.s32 s18, s31;
	[sflag:s12] =	ssyncadd.s32 $0xFFFFFC00;
	(pc) =	sbr.rel @p0 .LBB2_2-.Ltmp0, $3  }
0xb4: {  	[spmem:s18] =	stream.linear.scatter [tilespmem:s10], [sflag:$0x5], $0x400, $0x38;
	[tilespmem:$0x19600] =	vst v63  }
0xb5: {  	s15 =	sadd.s32 $0x1000, s15;
	_ =	sdelay $0x1  }
0xb6: {  	_ =	swait.ge [sflag:s12], $0x400  }
0xb7: {  	[sflag:s12] =	ssyncset.done $0x0  }
0xb8: {  	[sflag:s12] =	ssyncadd.s32 $0xFFFFFC00  }
0xb9: {  	[bflag:$0x0] =	sbarrier.arrive $0xFFFF  }
0xba: {  	s18 =	sld [smem:$0x7E3];
	_ =	sdelay $0x1  }
0xbb: {  	s15 =	simm.s32 $0x0  }
0xbc: {  	[tilespmem:s14], [sflag:$0x5] =	stream.linear.gather [hbm4b:s18+s15], $0x50, $0x38;
	[tilespmem:$0x19600] =	vst v63  }
0xbd: {  	_ =	swait.ge [sflag:s12], $0x50  }
0xbe: {  	s25 =	sld [smem:$0x7E4]  }
0xbf: {  	[sflag:s12] =	ssyncset.done $0x0  }
0xc0: {  	[sflag:s12] =	ssyncadd.s32 $0xFFFFFFB0  }
0xc1: {  	[tilespmem:s19], [sflag:$0x5] =	stream.linear.gather [hbm4b:s25+s15], $0x50, $0x38;
	[tilespmem:$0x19600] =	vst v63  }
0xc2: {  	_ =	swait.ge [sflag:s12], $0x50  }
0xc3: {  	[sflag:s12] =	ssyncset.done $0x0  }
0xc4: {  	s20 =	sld [smem:$0x7E9];
	[sflag:s12] =	ssyncadd.s32 $0xFFFFFFB0  }
0xc5: {  	[tilespmem:s0], [sflag:$0x1] =	stream.indirect.gather [hbm4b:s26+s24], $0x80, s14, s24, $0xb8;
	[tilespmem:$0x19600] =	vst v63  }
0xc6: {  	_ = 	snop  }
0xc7: {  	[tilespmem:s3], [sflag:$0x5] =	stream.linear.gather [hbm4b:s20+s15], $0x50, $0x38;
	[tilespmem:$0x19600] =	vst v63  }
0xc8: {  	_ =	swait.ge [sflag:s12], $0x50  }
0xc9: {  	s21 =	sld [smem:$0x7EA]  }
0xca: {  	[sflag:s12] =	ssyncset.done $0x0  }
0xcb: {  	[sflag:s12] =	ssyncadd.s32 $0xFFFFFFB0  }
0xcc: {  	[tilespmem:s5], [sflag:$0x5] =	stream.linear.gather [hbm4b:s21+s15], $0x50, $0x38;
	[tilespmem:$0x19600] =	vst v63  }
0xcd: {  	_ =	swait.ge [sflag:s12], $0x50  }
0xce: {  	[sflag:s12] =	ssyncset.done $0x0  }
0xcf: {  	[sflag:s12] =	ssyncadd.s32 $0xFFFFFFB0  }
0xd0: {  	[tilespmem:s7], [sflag:$0x2] =	stream.indirect.gather [hbm4b:s26+s24], $0x80, s3, s24, $0xb8;
	[tilespmem:$0x19600] =	vst v63  }
0xd1: {  	_ =	swait.ge [sflag:s9], $0x2800  }
0xd2: {  	[sflag:s9] =	ssyncset.done $0x0  }
0xd3: {  	[sflag:s9] =	ssyncadd.s32 $0xFFFFD800  }
0xd4: {  	[spmem:s30] =	stream.indirect.scatter.add.f32 [tilespmem:s0], [sflag:$0x5], $0x80, s19, s24, $0xb8;
	[tilespmem:$0x19600] =	vst v63  }
0xd5: {  	_ =	swait.ge [sflag:s12], $0x2800  }
0xd6: {  	s18 =	sld [smem:$0x7FD];
	_ =	sdelay $0x1  }
0xd7: {  	[sflag:s12] =	ssyncset.done $0x0  }
0xd8: {  	[sflag:s12] =	ssyncadd.s32 $0xFFFFD800;
	s20 =	sshrl.u32 s18, $0x3  }
0xd9: {  	s25 =	sadd.s32 s16, s20;
	[smem:$0x7C4] =	sst s20;
	s20 =	sadd.s32 s23, s20  }
0xda: {  	[tilespmem:s14], [sflag:$0x3] =	stream.linear.gather [hbm4b:s25+s1], $0x50, $0x38;
	[tilespmem:$0x19600] =	vst v63  }
0xdb: {  	[smem:$0x7C5] =	sst s20  }
0xdc: {  	[tilespmem:s19], [sflag:$0x3] =	stream.linear.gather [hbm4b:s20+s1], $0x50, $0x38;
	[tilespmem:$0x19600] =	vst v63  }
0xdd: {  	_ =	swait.ge [sflag:s11], $0x2800  }
0xde: {  	[sflag:s11] =	ssyncset.done $0x0  }
0xdf: {  	[sflag:s11] =	ssyncadd.s32 $0xFFFFD800  }
0xe0: {  	[spmem:s30] =	stream.indirect.scatter.add.f32 [tilespmem:s7], [sflag:$0x5], $0x80, s5, s24, $0xb8;
	[tilespmem:$0x19600] =	vst v63  }
0xe1: {  	_ =	swait.ge [sflag:s12], $0x2800  }
0xe2: {  	[sflag:s12] =	ssyncset.done $0x0  }
0xe3: {  	s21 =	sadd.s32 $0x0, s29;
	[sflag:s12] =	ssyncadd.s32 $0xFFFFD800  }
0xe4: {  	[tilespmem:s3], [sflag:$0x4] =	stream.linear.gather [hbm4b:s21+s1], $0x50, $0x38;
	[tilespmem:$0x19600] =	vst v63  }
0xe5: {  	s25 =	sadd.s32 $0x0, s22  }
0xe6: {  	[tilespmem:s5], [sflag:$0x4] =	stream.linear.gather [hbm4b:s25+s1], $0x50, $0x38;
	[tilespmem:$0x19600] =	vst v63  }
0xe7: {  	_ =	swait.ge [sflag:s13], $0x50  }
0xe8: {  	[sflag:s13] =	ssyncset.done $0x0  }
0xe9: {  	[sflag:s13] =	ssyncadd.s32 $0xFFFFFFB0  }
0xea: {  	_ =	swait.ge [sflag:s13], $0x50  }
0xeb: {  	[sflag:s13] =	ssyncset.done $0x0  }
0xec: {  	[sflag:s13] =	ssyncadd.s32 $0xFFFFFFB0  }
0xed: {  	[tilespmem:s0], [sflag:$0x1] =	stream.indirect.gather [hbm4b:s26+s24], $0x80, s14, s24, $0xb8;
	[tilespmem:$0x19600] =	vst v63  }
0xee: {  	_ =	swait.ge [sflag:s17], $0x50  }
0xef: {  	[sflag:s17] =	ssyncset.done $0x0  }
0xf0: {  	[sflag:s17] =	ssyncadd.s32 $0xFFFFFFB0  }
0xf1: {  	_ =	swait.ge [sflag:s17], $0x50  }
0xf2: {  	s15 =	simm.s32 $0x14;
	s18 =	sadd.s32 $0xA0, s18;
	[sflag:s17] =	ssyncset.done $0x0  }
0xf3: {  	s25 =	smov.u32 s23;
	s23 =	smov.u32 s16;
	[sflag:s17] =	ssyncadd.s32 $0xFFFFFFB0  }
.LBB2_4:
0xf4: {  	[tilespmem:s7], [sflag:$0x2] =	stream.indirect.gather [hbm4b:s26+s24], $0x80, s3, s24, $0xb8;
	[tilespmem:$0x19600] =	vst v63  }
0xf5: {  	s21 =	smov.u32 s15  }
0xf6: {  	p0 =	sne.s32 s15, $0x4B0;
	s15 =	sadd.s32 $0x14, s15;
	_ =	swait.ge [sflag:s9], $0x2800  }
0xf7: {  	[sflag:s9] =	ssyncset.done $0x0  }
0xf8: {  	[sflag:s9] =	ssyncadd.s32 $0xFFFFD800  }
0xf9: {  	[spmem:s30] =	stream.indirect.scatter.add.f32 [tilespmem:s0], [sflag:$0x5], $0x80, s19, s24, $0xb8;
	[tilespmem:$0x19600] =	vst v63  }
0xfa: {  	_ =	swait.ge [sflag:s12], $0x2800  }
0xfb: {  	s16 =	sshrl.u32 s18, $0x3;
	[sflag:s12] =	ssyncset.done $0x0  }
0xfc: {  	s20 =	sadd.s32 s23, s16;
	[sflag:s12] =	ssyncadd.s32 $0xFFFFD800  }
0xfd: {  	[tilespmem:s14], [sflag:$0x3] =	stream.linear.gather [hbm4b:s20+s1], $0x50, $0x38;
	[tilespmem:$0x19600] =	vst v63  }
0xfe: {  	s16 =	sadd.s32 s25, s16  }
0xff: {  	[tilespmem:s19], [sflag:$0x3] =	stream.linear.gather [hbm4b:s16+s1], $0x50, $0x38;
	[tilespmem:$0x19600] =	vst v63  }
0x100: {  	_ =	swait.ge [sflag:s11], $0x2800  }
0x101: {  	[sflag:s11] =	ssyncset.done $0x0  }
0x102: {  	[sflag:s11] =	ssyncadd.s32 $0xFFFFD800  }
0x103: {  	[spmem:s30] =	stream.indirect.scatter.add.f32 [tilespmem:s7], [sflag:$0x5], $0x80, s5, s24, $0xb8;
	[tilespmem:$0x19600] =	vst v63  }
0x104: {  	_ =	swait.ge [sflag:s12], $0x2800  }
0x105: {  	[sflag:s12] =	ssyncset.done $0x0  }
0x106: {  	s16 =	sadd.s32 s21, s29;
	[sflag:s12] =	ssyncadd.s32 $0xFFFFD800  }
0x107: {  	[tilespmem:s3], [sflag:$0x4] =	stream.linear.gather [hbm4b:s16+s1], $0x50, $0x38;
	[tilespmem:$0x19600] =	vst v63  }
0x108: {  	s16 =	sadd.s32 s21, s22  }
0x109: {  	[tilespmem:s5], [sflag:$0x4] =	stream.linear.gather [hbm4b:s16+s1], $0x50, $0x38;
	[tilespmem:$0x19600] =	vst v63  }
0x10a: {  	_ =	swait.ge [sflag:s13], $0x50  }
0x10b: {  	[sflag:s13] =	ssyncset.done $0x0  }
0x10c: {  	[sflag:s13] =	ssyncadd.s32 $0xFFFFFFB0  }
0x10d: {  	_ =	swait.ge [sflag:s13], $0x50  }
0x10e: {  	[sflag:s13] =	ssyncset.done $0x0  }
0x10f: {  	[sflag:s13] =	ssyncadd.s32 $0xFFFFFFB0  }
0x110: {  	[tilespmem:s0], [sflag:$0x1] =	stream.indirect.gather [hbm4b:s26+s24], $0x80, s14, s24, $0xb8;
	[tilespmem:$0x19600] =	vst v63  }
0x111: {  	_ =	swait.ge [sflag:s17], $0x50  }
.Ltmp1:
0x112: {  	[sflag:s17] =	ssyncset.done $0x0;
	(pc) =	sbr.rel @p0 .LBB2_4-.Ltmp1, $4  }
0x113: {  	[sflag:s17] =	ssyncadd.s32 $0xFFFFFFB0  }
0x114: {  	_ =	swait.ge [sflag:s17], $0x50  }
0x115: {  	[sflag:s17] =	ssyncset.done $0x0  }
0x116: {  	s18 =	sadd.s32 $0xA0, s18;
	[sflag:s17] =	ssyncadd.s32 $0xFFFFFFB0  }
0x117: {  	[tilespmem:s7], [sflag:$0x2] =	stream.indirect.gather [hbm4b:s26+s24], $0x80, s3, s24, $0xb8;
	[tilespmem:$0x19600] =	vst v63  }
0x118: {  	_ =	swait.ge [sflag:s9], $0x2800  }
0x119: {  	[sflag:s9] =	ssyncset.done $0x0  }
0x11a: {  	[sflag:s9] =	ssyncadd.s32 $0xFFFFD800  }
0x11b: {  	[spmem:s30] =	stream.indirect.scatter.add.f32 [tilespmem:s0], [sflag:$0x5], $0x80, s19, s24, $0xb8;
	[tilespmem:$0x19600] =	vst v63  }
0x11c: {  	_ =	swait.ge [sflag:s12], $0x2800  }
0x11d: {  	[sflag:s12] =	ssyncset.done $0x0  }
0x11e: {  	[sflag:s12] =	ssyncadd.s32 $0xFFFFD800  }
0x11f: {  	_ =	swait.ge [sflag:s11], $0x2800  }
0x120: {  	[sflag:s11] =	ssyncset.done $0x0  }
0x121: {  	[sflag:s11] =	ssyncadd.s32 $0xFFFFD800  }
0x122: {  	[spmem:s30] =	stream.indirect.scatter.add.f32 [tilespmem:s7], [sflag:$0x5], $0x80, s5, s24, $0xb8;
	[tilespmem:$0x19600] =	vst v63  }
0x123: {  	_ =	swait.ge [sflag:s12], $0x2800  }
0x124: {  	s16 =	sld [smem:$0x7EF]  }
0x125: {  	[sflag:s12] =	ssyncset.done $0x0  }
0x126: {  	s15 =	simm.s32 $0x0;
	[sflag:s12] =	ssyncadd.s32 $0xFFFFD800  }
0x127: {  	[tilespmem:s14], [sflag:$0x5] =	stream.linear.gather [hbm4b:s16+s15], $0x50, $0x38;
	[tilespmem:$0x19600] =	vst v63  }
0x128: {  	_ =	swait.ge [sflag:s12], $0x50  }
0x129: {  	s23 =	smov.u32 s25;
	s25 =	sld [smem:$0x7F0]  }
0x12a: {  	[sflag:s12] =	ssyncset.done $0x0  }
0x12b: {  	[sflag:s12] =	ssyncadd.s32 $0xFFFFFFB0  }
0x12c: {  	[tilespmem:s19], [sflag:$0x5] =	stream.linear.gather [hbm4b:s25+s15], $0x50, $0x38;
	[tilespmem:$0x19600] =	vst v63  }
0x12d: {  	_ =	swait.ge [sflag:s12], $0x50  }
0x12e: {  	[sflag:s12] =	ssyncset.done $0x0  }
0x12f: {  	[sflag:s12] =	ssyncadd.s32 $0xFFFFFFB0  }
0x130: {  	[tilespmem:s0], [sflag:$0x1] =	stream.indirect.gather [hbm4b:s26+s24], $0x80, s14, s24, $0xb8;
	[tilespmem:$0x19600] =	vst v63  }
0x131: {  	_ =	swait.ge [sflag:s9], $0x2800  }
0x132: {  	[sflag:s9] =	ssyncset.done $0x0  }
0x133: {  	[sflag:s9] =	ssyncadd.s32 $0xFFFFD800  }
0x134: {  	[spmem:s30] =	stream.indirect.scatter.add.f32 [tilespmem:s0], [sflag:$0x5], $0x80, s19, s24, $0xb8;
	[tilespmem:$0x19600] =	vst v63  }
0x135: {  	_ =	swait.ge [sflag:s12], $0x2800  }
0x136: {  	[sflag:s12] =	ssyncset.done $0x0  }
0x137: {  	[sflag:s12] =	ssyncadd.s32 $0xFFFFD800  }
0x138: {  	[bflag:$0x0] =	sbarrier.arrive $0xFFFF  }
0x139: {  	[tilespmem:s0], [sflag:$0x5] =	stream.linear.gather [spmem:s31], $0x2800, $0x38;
	[tilespmem:$0x19600] =	vst v63  }
0x13a: {  	_ =	swait.ge [sflag:s12], $0x2800  }
0x13b: {  	[sflag:s12] =	ssyncset.done $0x0  }
0x13c: {  	s26 =	rddreg [dreg:$0xc];
	[sflag:s12] =	ssyncadd.s32 $0xFFFFD800  }
0x13d: {  	[hbm4b:s26+s15] =	stream.linear.scatter [tilespmem:s0], [sflag:$0x5], $0x2800, $0x38;
	[tilespmem:$0x19600] =	vst v63  }
0x13e: {  	_ =	swait.ge [sflag:s12], $0x2800  }
0x13f: {  	s18 =	sld [smem:$0x7F6]  }
0x140: {  	[sflag:s12] =	ssyncset.done $0x0  }
0x141: {  	[sflag:s12] =	ssyncadd.s32 $0xFFFFD800  }
0x142: {  	[tilespmem:s0], [sflag:$0x5] =	stream.linear.gather [spmem:s18], $0x2800, $0x38;
	[tilespmem:$0x19600] =	vst v63  }
0x143: {  	_ =	swait.ge [sflag:s12], $0x2800  }
0x144: {  	[sflag:s12] =	ssyncset.done $0x0  }
0x145: {  	s20 =	rddreg [dreg:$0xd];
	[sflag:s12] =	ssyncadd.s32 $0xFFFFD800  }
0x146: {  	[hbm4b:s20+s15] =	stream.linear.scatter [tilespmem:s0], [sflag:$0x5], $0x2800, $0x38;
	[tilespmem:$0x19600] =	vst v63  }
0x147: {  	_ =	swait.ge [sflag:s12], $0x2800  }
0x148: {  	s21 =	sld [smem:$0x7F7]  }
0x149: {  	[sflag:s12] =	ssyncset.done $0x0  }
0x14a: {  	[sflag:s12] =	ssyncadd.s32 $0xFFFFD800  }
0x14b: {  	[tilespmem:s0], [sflag:$0x5] =	stream.linear.gather [spmem:s21], $0x2800, $0x38;
	[tilespmem:$0x19600] =	vst v63  }
0x14c: {  	_ =	swait.ge [sflag:s12], $0x2800  }
0x14d: {  	[sflag:s12] =	ssyncset.done $0x0  }
0x14e: {  	s25 =	rddreg [dreg:$0xe];
	[sflag:s12] =	ssyncadd.s32 $0xFFFFD800  }
0x14f: {  	[hbm4b:s25+s15] =	stream.linear.scatter [tilespmem:s0], [sflag:$0x5], $0x2800, $0x38;
	[tilespmem:$0x19600] =	vst v63  }
0x150: {  	_ =	swait.ge [sflag:s12], $0x2800  }
0x151: {  	s26 =	sld [smem:$0x7F8]  }
0x152: {  	[sflag:s12] =	ssyncset.done $0x0  }
0x153: {  	[sflag:s12] =	ssyncadd.s32 $0xFFFFD800  }
0x154: {  	[tilespmem:s0], [sflag:$0x5] =	stream.linear.gather [spmem:s26], $0x2800, $0x38;
	[tilespmem:$0x19600] =	vst v63  }
0x155: {  	_ =	swait.ge [sflag:s12], $0x2800  }
0x156: {  	[sflag:s12] =	ssyncset.done $0x0  }
0x157: {  	s18 =	rddreg [dreg:$0xf];
	[sflag:s12] =	ssyncadd.s32 $0xFFFFD800  }
0x158: {  	[hbm4b:s18+s15] =	stream.linear.scatter [tilespmem:s0], [sflag:$0x5], $0x2800, $0x38;
	[tilespmem:$0x19600] =	vst v63  }
0x159: {  	_ =	swait.ge [sflag:s12], $0x2800  }
0x15a: {  	s20 =	sld [smem:$0x7F9]  }
0x15b: {  	[sflag:s12] =	ssyncset.done $0x0  }
0x15c: {  	[sflag:s12] =	ssyncadd.s32 $0xFFFFD800  }
0x15d: {  	[tilespmem:s0], [sflag:$0x5] =	stream.linear.gather [spmem:s20], $0x2800, $0x38;
	[tilespmem:$0x19600] =	vst v63  }
0x15e: {  	_ =	swait.ge [sflag:s12], $0x2800  }
0x15f: {  	[sflag:s12] =	ssyncset.done $0x0  }
0x160: {  	s21 =	rddreg [dreg:$0x10];
	[sflag:s12] =	ssyncadd.s32 $0xFFFFD800  }
0x161: {  	[hbm4b:s21+s15] =	stream.linear.scatter [tilespmem:s0], [sflag:$0x5], $0x2800, $0x38;
	[tilespmem:$0x19600] =	vst v63  }
0x162: {  	_ =	swait.ge [sflag:s12], $0x2800  }
0x163: {  	s25 =	sld [smem:$0x7FA]  }
0x164: {  	[sflag:s12] =	ssyncset.done $0x0  }
0x165: {  	[sflag:s12] =	ssyncadd.s32 $0xFFFFD800  }
0x166: {  	[tilespmem:s0], [sflag:$0x5] =	stream.linear.gather [spmem:s25], $0x2800, $0x38;
	[tilespmem:$0x19600] =	vst v63  }
0x167: {  	_ =	swait.ge [sflag:s12], $0x2800  }
0x168: {  	[sflag:s12] =	ssyncset.done $0x0  }
0x169: {  	s26 =	rddreg [dreg:$0x11];
	[sflag:s12] =	ssyncadd.s32 $0xFFFFD800  }
0x16a: {  	[hbm4b:s26+s15] =	stream.linear.scatter [tilespmem:s0], [sflag:$0x5], $0x2800, $0x38;
	[tilespmem:$0x19600] =	vst v63  }
0x16b: {  	_ =	swait.ge [sflag:s12], $0x2800  }
0x16c: {  	s18 =	sld [smem:$0x7FB]  }
0x16d: {  	[sflag:s12] =	ssyncset.done $0x0  }
0x16e: {  	[sflag:s12] =	ssyncadd.s32 $0xFFFFD800  }
0x16f: {  	[tilespmem:s0], [sflag:$0x5] =	stream.linear.gather [spmem:s18], $0x2800, $0x38;
	[tilespmem:$0x19600] =	vst v63  }
0x170: {  	_ =	swait.ge [sflag:s12], $0x2800  }
0x171: {  	[sflag:s12] =	ssyncset.done $0x0  }
0x172: {  	s20 =	rddreg [dreg:$0x12];
	[sflag:s12] =	ssyncadd.s32 $0xFFFFD800  }
0x173: {  	[hbm4b:s20+s15] =	stream.linear.scatter [tilespmem:s0], [sflag:$0x5], $0x2800, $0x38;
	[tilespmem:$0x19600] =	vst v63  }
0x174: {  	_ =	swait.ge [sflag:s12], $0x2800  }
0x175: {  	s21 =	sld [smem:$0x7FC]  }
0x176: {  	[sflag:s12] =	ssyncset.done $0x0  }
0x177: {  	[sflag:s12] =	ssyncadd.s32 $0xFFFFD800  }
0x178: {  	[tilespmem:s0], [sflag:$0x5] =	stream.linear.gather [spmem:s21], $0x2800, $0x38;
	[tilespmem:$0x19600] =	vst v63  }
0x179: {  	_ =	swait.ge [sflag:s12], $0x2800  }
0x17a: {  	[sflag:s12] =	ssyncset.done $0x0  }
0x17b: {  	s25 =	rddreg [dreg:$0x13];
	[sflag:s12] =	ssyncadd.s32 $0xFFFFD800  }
0x17c: {  	[hbm4b:s25+s15] =	stream.linear.scatter [tilespmem:s0], [sflag:$0x5], $0x2800, $0x38;
	[tilespmem:$0x19600] =	vst v63  }
0x17d: {  	_ =	swait.ge [sflag:s12], $0x2800  }
0x17e: {  	[sflag:s12] =	ssyncset.done $0x0  }
0x17f: {  	s26 =	sadd.s32 $0x0, s31;
	[sflag:s12] =	ssyncadd.s32 $0xFFFFD800  }
0x180: {  	[spmem:s26] =	stream.linear.scatter [tilespmem:s10], [sflag:$0x5], $0x400, $0x38;
	[tilespmem:$0x19600] =	vst v63  }
0x181: {  	s15 =	simm.s32 $0x1000;
	_ =	swait.ge [sflag:s12], $0x400  }
.LBB2_6:
0x182: {  	s16 =	sshra.s32 s15, $0x2;
	[sflag:s12] =	ssyncset.done $0x0;
	p0 =	sne.s32 s15, $0x4F000  }
.Ltmp2:
0x183: {  	s16 =	sadd.s32 s16, s31;
	[sflag:s12] =	ssyncadd.s32 $0xFFFFFC00;
	(pc) =	sbr.rel @p0 .LBB2_6-.Ltmp2, $3  }
0x184: {  	[spmem:s16] =	stream.linear.scatter [tilespmem:s10], [sflag:$0x5], $0x400, $0x38;
	[tilespmem:$0x19600] =	vst v63  }
0x185: {  	s15 =	sadd.s32 $0x1000, s15;
	_ =	sdelay $0x1  }
0x186: {  	_ =	swait.ge [sflag:s12], $0x400  }
0x187: {  	[sflag:s12] =	ssyncset.done $0x0  }
0x188: {  	[sflag:s12] =	ssyncadd.s32 $0xFFFFFC00  }
0x189: {  	[bflag:$0x0] =	sbarrier.arrive $0xFFFF  }
0x18a: {  	s16 =	sld [smem:$0x7E5];
	_ =	sdelay $0x1  }
0x18b: {  	s15 =	simm.s32 $0x0  }
0x18c: {  	[tilespmem:s14], [sflag:$0x5] =	stream.linear.gather [hbm4b:s16+s15], $0x50, $0x38;
	[tilespmem:$0x19600] =	vst v63  }
0x18d: {  	_ =	swait.ge [sflag:s12], $0x50  }
0x18e: {  	s26 =	sld [smem:$0x7E6]  }
0x18f: {  	[sflag:s12] =	ssyncset.done $0x0  }
0x190: {  	[sflag:s12] =	ssyncadd.s32 $0xFFFFFFB0  }
0x191: {  	[tilespmem:s19], [sflag:$0x5] =	stream.linear.gather [hbm4b:s26+s15], $0x50, $0x38;
	[tilespmem:$0x19600] =	vst v63  }
0x192: {  	_ =	swait.ge [sflag:s12], $0x50  }
0x193: {  	[sflag:s12] =	ssyncset.done $0x0  }
0x194: {  	s18 =	sld [smem:$0x7EB];
	[sflag:s12] =	ssyncadd.s32 $0xFFFFFFB0  }
0x195: {  	[tilespmem:s0], [sflag:$0x1] =	stream.indirect.gather [hbm4b:s28+s24], $0x80, s14, s24, $0xb8;
	[tilespmem:$0x19600] =	vst v63  }
0x196: {  	_ = 	snop  }
0x197: {  	[tilespmem:s3], [sflag:$0x5] =	stream.linear.gather [hbm4b:s18+s15], $0x50, $0x38;
	[tilespmem:$0x19600] =	vst v63  }
0x198: {  	_ =	swait.ge [sflag:s12], $0x50  }
0x199: {  	s20 =	sld [smem:$0x7EC]  }
0x19a: {  	[sflag:s12] =	ssyncset.done $0x0  }
0x19b: {  	[sflag:s12] =	ssyncadd.s32 $0xFFFFFFB0  }
0x19c: {  	[tilespmem:s5], [sflag:$0x5] =	stream.linear.gather [hbm4b:s20+s15], $0x50, $0x38;
	[tilespmem:$0x19600] =	vst v63  }
0x19d: {  	_ =	swait.ge [sflag:s12], $0x50  }
0x19e: {  	[sflag:s12] =	ssyncset.done $0x0  }
0x19f: {  	[sflag:s12] =	ssyncadd.s32 $0xFFFFFFB0  }
0x1a0: {  	[tilespmem:s7], [sflag:$0x2] =	stream.indirect.gather [hbm4b:s28+s24], $0x80, s3, s24, $0xb8;
	[tilespmem:$0x19600] =	vst v63  }
0x1a1: {  	_ =	swait.ge [sflag:s9], $0x2800  }
0x1a2: {  	[sflag:s9] =	ssyncset.done $0x0  }
0x1a3: {  	[sflag:s9] =	ssyncadd.s32 $0xFFFFD800  }
0x1a4: {  	[spmem:s30] =	stream.indirect.scatter.add.f32 [tilespmem:s0], [sflag:$0x5], $0x80, s19, s24, $0xb8;
	[tilespmem:$0x19600] =	vst v63  }
0x1a5: {  	_ =	swait.ge [sflag:s12], $0x2800  }
0x1a6: {  	[sflag:s12] =	ssyncset.done $0x0;
	s21 =	sld [smem:$0x7C4]  }
0x1a7: {  	[sflag:s12] =	ssyncadd.s32 $0xFFFFD800  }
0x1a8: {  	s25 =	rddreg [dreg:$0x2]  }
0x1a9: {  	s26 =	sadd.s32 s25, s21  }
0x1aa: {  	[tilespmem:s14], [sflag:$0x3] =	stream.linear.gather [hbm4b:s26+s1], $0x50, $0x38;
	[tilespmem:$0x19600] =	vst v63  }
0x1ab: {  	s26 =	rddreg [dreg:$0x3]  }
0x1ac: {  	s16 =	sadd.s32 s26, s21  }
0x1ad: {  	[smem:$0x7C3] =	sst s16  }
0x1ae: {  	[tilespmem:s19], [sflag:$0x3] =	stream.linear.gather [hbm4b:s16+s1], $0x50, $0x38;
	[tilespmem:$0x19600] =	vst v63  }
0x1af: {  	_ =	swait.ge [sflag:s11], $0x2800  }
0x1b0: {  	[sflag:s11] =	ssyncset.done $0x0  }
0x1b1: {  	[sflag:s11] =	ssyncadd.s32 $0xFFFFD800  }
0x1b2: {  	[spmem:s30] =	stream.indirect.scatter.add.f32 [tilespmem:s7], [sflag:$0x5], $0x80, s5, s24, $0xb8;
	[tilespmem:$0x19600] =	vst v63  }
0x1b3: {  	_ =	swait.ge [sflag:s12], $0x2800  }
0x1b4: {  	[sflag:s12] =	ssyncset.done $0x0  }
0x1b5: {  	s18 =	sadd.s32 $0x0, s4;
	[sflag:s12] =	ssyncadd.s32 $0xFFFFD800  }
0x1b6: {  	[tilespmem:s3], [sflag:$0x4] =	stream.linear.gather [hbm4b:s18+s1], $0x50, $0x38;
	[tilespmem:$0x19600] =	vst v63  }
0x1b7: {  	s20 =	sadd.s32 $0x0, s2  }
0x1b8: {  	[tilespmem:s5], [sflag:$0x4] =	stream.linear.gather [hbm4b:s20+s1], $0x50, $0x38;
	[tilespmem:$0x19600] =	vst v63  }
0x1b9: {  	_ =	swait.ge [sflag:s13], $0x50  }
0x1ba: {  	[sflag:s13] =	ssyncset.done $0x0  }
0x1bb: {  	[sflag:s13] =	ssyncadd.s32 $0xFFFFFFB0  }
0x1bc: {  	_ =	swait.ge [sflag:s13], $0x50  }
0x1bd: {  	[sflag:s13] =	ssyncset.done $0x0  }
0x1be: {  	[sflag:s13] =	ssyncadd.s32 $0xFFFFFFB0  }
0x1bf: {  	[tilespmem:s0], [sflag:$0x1] =	stream.indirect.gather [hbm4b:s28+s24], $0x80, s14, s24, $0xb8;
	[tilespmem:$0x19600] =	vst v63  }
0x1c0: {  	_ =	swait.ge [sflag:s17], $0x50  }
0x1c1: {  	[sflag:s17] =	ssyncset.done $0x0  }
0x1c2: {  	[sflag:s17] =	ssyncadd.s32 $0xFFFFFFB0  }
0x1c3: {  	_ =	swait.ge [sflag:s17], $0x50  }
0x1c4: {  	s21 =	sld [smem:$0x7FD];
	_ =	sdelay $0x1  }
0x1c5: {  	[sflag:s17] =	ssyncset.done $0x0  }
0x1c6: {  	s15 =	simm.s32 $0x14;
	[sflag:s17] =	ssyncadd.s32 $0xFFFFFFB0;
	s18 =	sadd.s32 $0xA0, s21  }
.LBB2_8:
0x1c7: {  	[tilespmem:s7], [sflag:$0x2] =	stream.indirect.gather [hbm4b:s28+s24], $0x80, s3, s24, $0xb8;
	[tilespmem:$0x19600] =	vst v63  }
0x1c8: {  	s16 =	smov.u32 s15  }
0x1c9: {  	p0 =	sne.s32 s15, $0x4B0;
	s15 =	sadd.s32 $0x14, s15;
	_ =	swait.ge [sflag:s9], $0x2800  }
0x1ca: {  	[sflag:s9] =	ssyncset.done $0x0  }
0x1cb: {  	[sflag:s9] =	ssyncadd.s32 $0xFFFFD800  }
0x1cc: {  	[spmem:s30] =	stream.indirect.scatter.add.f32 [tilespmem:s0], [sflag:$0x5], $0x80, s19, s24, $0xb8;
	[tilespmem:$0x19600] =	vst v63  }
0x1cd: {  	_ =	swait.ge [sflag:s12], $0x2800  }
0x1ce: {  	s20 =	sshrl.u32 s18, $0x3;
	[sflag:s12] =	ssyncset.done $0x0  }
0x1cf: {  	s21 =	sadd.s32 s25, s20;
	[sflag:s12] =	ssyncadd.s32 $0xFFFFD800  }
0x1d0: {  	[tilespmem:s14], [sflag:$0x3] =	stream.linear.gather [hbm4b:s21+s1], $0x50, $0x38;
	[tilespmem:$0x19600] =	vst v63  }
0x1d1: {  	s20 =	sadd.s32 s26, s20  }
0x1d2: {  	[tilespmem:s19], [sflag:$0x3] =	stream.linear.gather [hbm4b:s20+s1], $0x50, $0x38;
	[tilespmem:$0x19600] =	vst v63  }
0x1d3: {  	_ =	swait.ge [sflag:s11], $0x2800  }
0x1d4: {  	[sflag:s11] =	ssyncset.done $0x0  }
0x1d5: {  	[sflag:s11] =	ssyncadd.s32 $0xFFFFD800  }
0x1d6: {  	[spmem:s30] =	stream.indirect.scatter.add.f32 [tilespmem:s7], [sflag:$0x5], $0x80, s5, s24, $0xb8;
	[tilespmem:$0x19600] =	vst v63  }
0x1d7: {  	_ =	swait.ge [sflag:s12], $0x2800  }
0x1d8: {  	[sflag:s12] =	ssyncset.done $0x0  }
0x1d9: {  	s20 =	sadd.s32 s16, s4;
	[sflag:s12] =	ssyncadd.s32 $0xFFFFD800  }
0x1da: {  	[tilespmem:s3], [sflag:$0x4] =	stream.linear.gather [hbm4b:s20+s1], $0x50, $0x38;
	[tilespmem:$0x19600] =	vst v63  }
0x1db: {  	s16 =	sadd.s32 s16, s2  }
0x1dc: {  	[tilespmem:s5], [sflag:$0x4] =	stream.linear.gather [hbm4b:s16+s1], $0x50, $0x38;
	[tilespmem:$0x19600] =	vst v63  }
0x1dd: {  	_ =	swait.ge [sflag:s13], $0x50  }
0x1de: {  	[sflag:s13] =	ssyncset.done $0x0  }
0x1df: {  	[sflag:s13] =	ssyncadd.s32 $0xFFFFFFB0  }
0x1e0: {  	_ =	swait.ge [sflag:s13], $0x50  }
0x1e1: {  	[sflag:s13] =	ssyncset.done $0x0  }
0x1e2: {  	[sflag:s13] =	ssyncadd.s32 $0xFFFFFFB0  }
0x1e3: {  	[tilespmem:s0], [sflag:$0x1] =	stream.indirect.gather [hbm4b:s28+s24], $0x80, s14, s24, $0xb8;
	[tilespmem:$0x19600] =	vst v63  }
0x1e4: {  	_ =	swait.ge [sflag:s17], $0x50  }
.Ltmp3:
0x1e5: {  	[sflag:s17] =	ssyncset.done $0x0;
	(pc) =	sbr.rel @p0 .LBB2_8-.Ltmp3, $4  }
0x1e6: {  	[sflag:s17] =	ssyncadd.s32 $0xFFFFFFB0  }
0x1e7: {  	_ =	swait.ge [sflag:s17], $0x50  }
0x1e8: {  	[sflag:s17] =	ssyncset.done $0x0  }
0x1e9: {  	s18 =	sadd.s32 $0xA0, s18;
	[sflag:s17] =	ssyncadd.s32 $0xFFFFFFB0  }
0x1ea: {  	[tilespmem:s7], [sflag:$0x2] =	stream.indirect.gather [hbm4b:s28+s24], $0x80, s3, s24, $0xb8;
	[tilespmem:$0x19600] =	vst v63  }
0x1eb: {  	_ =	swait.ge [sflag:s9], $0x2800  }
0x1ec: {  	[sflag:s9] =	ssyncset.done $0x0  }
0x1ed: {  	[sflag:s9] =	ssyncadd.s32 $0xFFFFD800  }
0x1ee: {  	[spmem:s30] =	stream.indirect.scatter.add.f32 [tilespmem:s0], [sflag:$0x5], $0x80, s19, s24, $0xb8;
	[tilespmem:$0x19600] =	vst v63  }
0x1ef: {  	_ =	swait.ge [sflag:s12], $0x2800  }
0x1f0: {  	[sflag:s12] =	ssyncset.done $0x0  }
0x1f1: {  	[sflag:s12] =	ssyncadd.s32 $0xFFFFD800  }
0x1f2: {  	_ =	swait.ge [sflag:s11], $0x2800  }
0x1f3: {  	[sflag:s11] =	ssyncset.done $0x0  }
0x1f4: {  	[sflag:s11] =	ssyncadd.s32 $0xFFFFD800  }
0x1f5: {  	[spmem:s30] =	stream.indirect.scatter.add.f32 [tilespmem:s7], [sflag:$0x5], $0x80, s5, s24, $0xb8;
	[tilespmem:$0x19600] =	vst v63  }
0x1f6: {  	_ =	swait.ge [sflag:s12], $0x2800  }
0x1f7: {  	s16 =	sld [smem:$0x7F1]  }
0x1f8: {  	[sflag:s12] =	ssyncset.done $0x0  }
0x1f9: {  	s15 =	simm.s32 $0x0;
	[sflag:s12] =	ssyncadd.s32 $0xFFFFD800  }
0x1fa: {  	[tilespmem:s14], [sflag:$0x5] =	stream.linear.gather [hbm4b:s16+s15], $0x50, $0x38;
	[tilespmem:$0x19600] =	vst v63  }
0x1fb: {  	_ =	swait.ge [sflag:s12], $0x50  }
0x1fc: {  	s20 =	sld [smem:$0x7F2]  }
0x1fd: {  	[sflag:s12] =	ssyncset.done $0x0  }
0x1fe: {  	[sflag:s12] =	ssyncadd.s32 $0xFFFFFFB0  }
0x1ff: {  	[tilespmem:s19], [sflag:$0x5] =	stream.linear.gather [hbm4b:s20+s15], $0x50, $0x38;
	[tilespmem:$0x19600] =	vst v63  }
0x200: {  	_ =	swait.ge [sflag:s12], $0x50  }
0x201: {  	[sflag:s12] =	ssyncset.done $0x0  }
0x202: {  	[sflag:s12] =	ssyncadd.s32 $0xFFFFFFB0  }
0x203: {  	[tilespmem:s0], [sflag:$0x1] =	stream.indirect.gather [hbm4b:s28+s24], $0x80, s14, s24, $0xb8;
	[tilespmem:$0x19600] =	vst v63  }
0x204: {  	_ =	swait.ge [sflag:s9], $0x2800  }
0x205: {  	[sflag:s9] =	ssyncset.done $0x0  }
0x206: {  	[sflag:s9] =	ssyncadd.s32 $0xFFFFD800  }
0x207: {  	[spmem:s30] =	stream.indirect.scatter.add.f32 [tilespmem:s0], [sflag:$0x5], $0x80, s19, s24, $0xb8;
	[tilespmem:$0x19600] =	vst v63  }
0x208: {  	_ =	swait.ge [sflag:s12], $0x2800  }
0x209: {  	[sflag:s12] =	ssyncset.done $0x0  }
0x20a: {  	[sflag:s12] =	ssyncadd.s32 $0xFFFFD800  }
0x20b: {  	[bflag:$0x0] =	sbarrier.arrive $0xFFFF  }
0x20c: {  	[tilespmem:s0], [sflag:$0x5] =	stream.linear.gather [spmem:s31], $0x2800, $0x38;
	[tilespmem:$0x19600] =	vst v63  }
0x20d: {  	_ =	swait.ge [sflag:s12], $0x2800  }
0x20e: {  	[sflag:s12] =	ssyncset.done $0x0  }
0x20f: {  	s21 =	rddreg [dreg:$0x14];
	[sflag:s12] =	ssyncadd.s32 $0xFFFFD800  }
0x210: {  	[hbm4b:s21+s15] =	stream.linear.scatter [tilespmem:s0], [sflag:$0x5], $0x2800, $0x38;
	[tilespmem:$0x19600] =	vst v63  }
0x211: {  	_ =	swait.ge [sflag:s12], $0x2800  }
0x212: {  	s25 =	sld [smem:$0x7F6]  }
0x213: {  	[sflag:s12] =	ssyncset.done $0x0  }
0x214: {  	[sflag:s12] =	ssyncadd.s32 $0xFFFFD800  }
0x215: {  	[tilespmem:s0], [sflag:$0x5] =	stream.linear.gather [spmem:s25], $0x2800, $0x38;
	[tilespmem:$0x19600] =	vst v63  }
0x216: {  	_ =	swait.ge [sflag:s12], $0x2800  }
0x217: {  	[sflag:s12] =	ssyncset.done $0x0  }
0x218: {  	s26 =	rddreg [dreg:$0x15];
	[sflag:s12] =	ssyncadd.s32 $0xFFFFD800  }
0x219: {  	[hbm4b:s26+s15] =	stream.linear.scatter [tilespmem:s0], [sflag:$0x5], $0x2800, $0x38;
	[tilespmem:$0x19600] =	vst v63  }
0x21a: {  	_ =	swait.ge [sflag:s12], $0x2800  }
0x21b: {  	s28 =	sld [smem:$0x7F7]  }
0x21c: {  	[sflag:s12] =	ssyncset.done $0x0  }
0x21d: {  	[sflag:s12] =	ssyncadd.s32 $0xFFFFD800  }
0x21e: {  	[tilespmem:s0], [sflag:$0x5] =	stream.linear.gather [spmem:s28], $0x2800, $0x38;
	[tilespmem:$0x19600] =	vst v63  }
0x21f: {  	_ =	swait.ge [sflag:s12], $0x2800  }
0x220: {  	[sflag:s12] =	ssyncset.done $0x0  }
0x221: {  	s18 =	rddreg [dreg:$0x16];
	[sflag:s12] =	ssyncadd.s32 $0xFFFFD800  }
0x222: {  	[hbm4b:s18+s15] =	stream.linear.scatter [tilespmem:s0], [sflag:$0x5], $0x2800, $0x38;
	[tilespmem:$0x19600] =	vst v63  }
0x223: {  	_ =	swait.ge [sflag:s12], $0x2800  }
0x224: {  	s20 =	sld [smem:$0x7F8]  }
0x225: {  	[sflag:s12] =	ssyncset.done $0x0  }
0x226: {  	[sflag:s12] =	ssyncadd.s32 $0xFFFFD800  }
0x227: {  	[tilespmem:s0], [sflag:$0x5] =	stream.linear.gather [spmem:s20], $0x2800, $0x38;
	[tilespmem:$0x19600] =	vst v63  }
0x228: {  	_ =	swait.ge [sflag:s12], $0x2800  }
0x229: {  	[sflag:s12] =	ssyncset.done $0x0  }
0x22a: {  	s21 =	rddreg [dreg:$0x17];
	[sflag:s12] =	ssyncadd.s32 $0xFFFFD800  }
0x22b: {  	[hbm4b:s21+s15] =	stream.linear.scatter [tilespmem:s0], [sflag:$0x5], $0x2800, $0x38;
	[tilespmem:$0x19600] =	vst v63  }
0x22c: {  	_ =	swait.ge [sflag:s12], $0x2800  }
0x22d: {  	s25 =	sld [smem:$0x7F9]  }
0x22e: {  	[sflag:s12] =	ssyncset.done $0x0  }
0x22f: {  	[sflag:s12] =	ssyncadd.s32 $0xFFFFD800  }
0x230: {  	[tilespmem:s0], [sflag:$0x5] =	stream.linear.gather [spmem:s25], $0x2800, $0x38;
	[tilespmem:$0x19600] =	vst v63  }
0x231: {  	_ =	swait.ge [sflag:s12], $0x2800  }
0x232: {  	[sflag:s12] =	ssyncset.done $0x0  }
0x233: {  	s26 =	rddreg [dreg:$0x18];
	[sflag:s12] =	ssyncadd.s32 $0xFFFFD800  }
0x234: {  	[hbm4b:s26+s15] =	stream.linear.scatter [tilespmem:s0], [sflag:$0x5], $0x2800, $0x38;
	[tilespmem:$0x19600] =	vst v63  }
0x235: {  	_ =	swait.ge [sflag:s12], $0x2800  }
0x236: {  	s28 =	sld [smem:$0x7FA]  }
0x237: {  	[sflag:s12] =	ssyncset.done $0x0  }
0x238: {  	[sflag:s12] =	ssyncadd.s32 $0xFFFFD800  }
0x239: {  	[tilespmem:s0], [sflag:$0x5] =	stream.linear.gather [spmem:s28], $0x2800, $0x38;
	[tilespmem:$0x19600] =	vst v63  }
0x23a: {  	_ =	swait.ge [sflag:s12], $0x2800  }
0x23b: {  	[sflag:s12] =	ssyncset.done $0x0  }
0x23c: {  	s18 =	rddreg [dreg:$0x19];
	[sflag:s12] =	ssyncadd.s32 $0xFFFFD800  }
0x23d: {  	[hbm4b:s18+s15] =	stream.linear.scatter [tilespmem:s0], [sflag:$0x5], $0x2800, $0x38;
	[tilespmem:$0x19600] =	vst v63  }
0x23e: {  	_ =	swait.ge [sflag:s12], $0x2800  }
0x23f: {  	s20 =	sld [smem:$0x7FB]  }
0x240: {  	[sflag:s12] =	ssyncset.done $0x0  }
0x241: {  	[sflag:s12] =	ssyncadd.s32 $0xFFFFD800  }
0x242: {  	[tilespmem:s0], [sflag:$0x5] =	stream.linear.gather [spmem:s20], $0x2800, $0x38;
	[tilespmem:$0x19600] =	vst v63  }
0x243: {  	_ =	swait.ge [sflag:s12], $0x2800  }
0x244: {  	[sflag:s12] =	ssyncset.done $0x0  }
0x245: {  	s21 =	rddreg [dreg:$0x1a];
	[sflag:s12] =	ssyncadd.s32 $0xFFFFD800  }
0x246: {  	[hbm4b:s21+s15] =	stream.linear.scatter [tilespmem:s0], [sflag:$0x5], $0x2800, $0x38;
	[tilespmem:$0x19600] =	vst v63  }
0x247: {  	_ =	swait.ge [sflag:s12], $0x2800  }
0x248: {  	s25 =	sld [smem:$0x7FC]  }
0x249: {  	[sflag:s12] =	ssyncset.done $0x0  }
0x24a: {  	[sflag:s12] =	ssyncadd.s32 $0xFFFFD800  }
0x24b: {  	[tilespmem:s0], [sflag:$0x5] =	stream.linear.gather [spmem:s25], $0x2800, $0x38;
	[tilespmem:$0x19600] =	vst v63  }
0x24c: {  	_ =	swait.ge [sflag:s12], $0x2800  }
0x24d: {  	[sflag:s12] =	ssyncset.done $0x0  }
0x24e: {  	s26 =	rddreg [dreg:$0x1b];
	[sflag:s12] =	ssyncadd.s32 $0xFFFFD800  }
0x24f: {  	[hbm4b:s26+s15] =	stream.linear.scatter [tilespmem:s0], [sflag:$0x5], $0x2800, $0x38;
	[tilespmem:$0x19600] =	vst v63  }
0x250: {  	_ =	swait.ge [sflag:s12], $0x2800  }
0x251: {  	[sflag:s12] =	ssyncset.done $0x0  }
0x252: {  	s28 =	sadd.s32 $0x0, s31;
	[sflag:s12] =	ssyncadd.s32 $0xFFFFD800  }
0x253: {  	[spmem:s28] =	stream.linear.scatter [tilespmem:s10], [sflag:$0x5], $0x400, $0x38;
	[tilespmem:$0x19600] =	vst v63  }
0x254: {  	s15 =	simm.s32 $0x1000;
	_ =	swait.ge [sflag:s12], $0x400  }
.LBB2_10:
0x255: {  	s16 =	sshra.s32 s15, $0x2;
	[sflag:s12] =	ssyncset.done $0x0;
	p0 =	sne.s32 s15, $0x4F000  }
.Ltmp4:
0x256: {  	s16 =	sadd.s32 s16, s31;
	[sflag:s12] =	ssyncadd.s32 $0xFFFFFC00;
	(pc) =	sbr.rel @p0 .LBB2_10-.Ltmp4, $3  }
0x257: {  	[spmem:s16] =	stream.linear.scatter [tilespmem:s10], [sflag:$0x5], $0x400, $0x38;
	[tilespmem:$0x19600] =	vst v63  }
0x258: {  	s15 =	sadd.s32 $0x1000, s15;
	_ =	sdelay $0x1  }
0x259: {  	_ =	swait.ge [sflag:s12], $0x400  }
0x25a: {  	[sflag:s12] =	ssyncset.done $0x0  }
0x25b: {  	[sflag:s12] =	ssyncadd.s32 $0xFFFFFC00  }
0x25c: {  	[bflag:$0x0] =	sbarrier.arrive $0xFFFF  }
0x25d: {  	s16 =	sld [smem:$0x7E7];
	_ =	sdelay $0x1  }
0x25e: {  	s15 =	simm.s32 $0x0  }
0x25f: {  	[tilespmem:s14], [sflag:$0x5] =	stream.linear.gather [hbm4b:s16+s15], $0x50, $0x38;
	[tilespmem:$0x19600] =	vst v63  }
0x260: {  	_ =	swait.ge [sflag:s12], $0x50  }
0x261: {  	s18 =	sld [smem:$0x7E8]  }
0x262: {  	[sflag:s12] =	ssyncset.done $0x0  }
0x263: {  	[sflag:s12] =	ssyncadd.s32 $0xFFFFFFB0  }
0x264: {  	[tilespmem:s19], [sflag:$0x5] =	stream.linear.gather [hbm4b:s18+s15], $0x50, $0x38;
	[tilespmem:$0x19600] =	vst v63  }
0x265: {  	_ =	swait.ge [sflag:s12], $0x50  }
0x266: {  	[sflag:s12] =	ssyncset.done $0x0  }
0x267: {  	s18 =	sld [smem:$0x7ED];
	[sflag:s12] =	ssyncadd.s32 $0xFFFFFFB0  }
0x268: {  	s16 =	rddreg [dreg:$0x8]  }
0x269: {  	[tilespmem:s0], [sflag:$0x1] =	stream.indirect.gather [hbm4b:s16+s24], $0x80, s14, s24, $0xb8;
	[tilespmem:$0x19600] =	vst v63  }
0x26a: {  	_ = 	snop  }
0x26b: {  	[tilespmem:s3], [sflag:$0x5] =	stream.linear.gather [hbm4b:s18+s15], $0x50, $0x38;
	[tilespmem:$0x19600] =	vst v63  }
0x26c: {  	_ =	swait.ge [sflag:s12], $0x50  }
0x26d: {  	s20 =	sld [smem:$0x7EE]  }
0x26e: {  	[sflag:s12] =	ssyncset.done $0x0  }
0x26f: {  	[sflag:s12] =	ssyncadd.s32 $0xFFFFFFB0  }
0x270: {  	[tilespmem:s5], [sflag:$0x5] =	stream.linear.gather [hbm4b:s20+s15], $0x50, $0x38;
	[tilespmem:$0x19600] =	vst v63  }
0x271: {  	_ =	swait.ge [sflag:s12], $0x50  }
0x272: {  	[sflag:s12] =	ssyncset.done $0x0  }
0x273: {  	[sflag:s12] =	ssyncadd.s32 $0xFFFFFFB0  }
0x274: {  	[tilespmem:s7], [sflag:$0x2] =	stream.indirect.gather [hbm4b:s16+s24], $0x80, s3, s24, $0xb8;
	[tilespmem:$0x19600] =	vst v63  }
0x275: {  	_ =	swait.ge [sflag:s9], $0x2800  }
0x276: {  	[sflag:s9] =	ssyncset.done $0x0  }
0x277: {  	[sflag:s9] =	ssyncadd.s32 $0xFFFFD800  }
0x278: {  	[spmem:s30] =	stream.indirect.scatter.add.f32 [tilespmem:s0], [sflag:$0x5], $0x80, s19, s24, $0xb8;
	[tilespmem:$0x19600] =	vst v63  }
0x279: {  	_ =	swait.ge [sflag:s12], $0x2800  }
0x27a: {  	[sflag:s12] =	ssyncset.done $0x0  }
0x27b: {  	s21 =	sld [smem:$0x7C4];
	[sflag:s12] =	ssyncadd.s32 $0xFFFFD800  }
0x27c: {  	s26 =	rddreg [dreg:$0x4]  }
0x27d: {  	s28 =	rddreg [dreg:$0x5]  }
0x27e: {  	s25 =	sadd.s32 s26, s21;
	s18 =	sadd.s32 s28, s21  }
0x27f: {  	[tilespmem:s14], [sflag:$0x3] =	stream.linear.gather [hbm4b:s25+s1], $0x50, $0x38;
	[tilespmem:$0x19600] =	vst v63  }
0x280: {  	[smem:$0x7C2] =	sst s18  }
0x281: {  	[tilespmem:s19], [sflag:$0x3] =	stream.linear.gather [hbm4b:s18+s1], $0x50, $0x38;
	[tilespmem:$0x19600] =	vst v63  }
0x282: {  	_ =	swait.ge [sflag:s11], $0x2800  }
0x283: {  	[sflag:s11] =	ssyncset.done $0x0  }
0x284: {  	[sflag:s11] =	ssyncadd.s32 $0xFFFFD800  }
0x285: {  	[spmem:s30] =	stream.indirect.scatter.add.f32 [tilespmem:s7], [sflag:$0x5], $0x80, s5, s24, $0xb8;
	[tilespmem:$0x19600] =	vst v63  }
0x286: {  	_ =	swait.ge [sflag:s12], $0x2800  }
0x287: {  	[sflag:s12] =	ssyncset.done $0x0  }
0x288: {  	s20 =	sadd.s32 $0x0, s8;
	[sflag:s12] =	ssyncadd.s32 $0xFFFFD800  }
0x289: {  	[tilespmem:s3], [sflag:$0x4] =	stream.linear.gather [hbm4b:s20+s1], $0x50, $0x38;
	[tilespmem:$0x19600] =	vst v63  }
0x28a: {  	s21 =	sadd.s32 $0x0, s6  }
0x28b: {  	[tilespmem:s5], [sflag:$0x4] =	stream.linear.gather [hbm4b:s21+s1], $0x50, $0x38;
	[tilespmem:$0x19600] =	vst v63  }
0x28c: {  	_ =	swait.ge [sflag:s13], $0x50  }
0x28d: {  	[sflag:s13] =	ssyncset.done $0x0  }
0x28e: {  	[sflag:s13] =	ssyncadd.s32 $0xFFFFFFB0  }
0x28f: {  	_ =	swait.ge [sflag:s13], $0x50  }
0x290: {  	[sflag:s13] =	ssyncset.done $0x0  }
0x291: {  	[sflag:s13] =	ssyncadd.s32 $0xFFFFFFB0  }
0x292: {  	[tilespmem:s0], [sflag:$0x1] =	stream.indirect.gather [hbm4b:s16+s24], $0x80, s14, s24, $0xb8;
	[tilespmem:$0x19600] =	vst v63  }
0x293: {  	_ =	swait.ge [sflag:s17], $0x50  }
0x294: {  	[sflag:s17] =	ssyncset.done $0x0  }
0x295: {  	[sflag:s17] =	ssyncadd.s32 $0xFFFFFFB0  }
0x296: {  	_ =	swait.ge [sflag:s17], $0x50  }
0x297: {  	s25 =	sld [smem:$0x7FD]  }
0x298: {  	[sflag:s17] =	ssyncset.done $0x0  }
0x299: {  	[sflag:s17] =	ssyncadd.s32 $0xFFFFFFB0  }
0x29a: {  	s15 =	simm.s32 $0x14;
	s18 =	sadd.s32 $0xA0, s25;
	s25 =	rddreg [dreg:$0x3]  }
.LBB2_12:
0x29b: {  	[tilespmem:s7], [sflag:$0x2] =	stream.indirect.gather [hbm4b:s16+s24], $0x80, s3, s24, $0xb8;
	[tilespmem:$0x19600] =	vst v63  }
0x29c: {  	_ =	swait.ge [sflag:s9], $0x2800  }
0x29d: {  	[sflag:s9] =	ssyncset.done $0x0  }
0x29e: {  	[sflag:s9] =	ssyncadd.s32 $0xFFFFD800  }
0x29f: {  	[spmem:s30] =	stream.indirect.scatter.add.f32 [tilespmem:s0], [sflag:$0x5], $0x80, s19, s24, $0xb8;
	[tilespmem:$0x19600] =	vst v63  }
0x2a0: {  	_ =	swait.ge [sflag:s12], $0x2800  }
0x2a1: {  	s20 =	sshrl.u32 s18, $0x3;
	[sflag:s12] =	ssyncset.done $0x0  }
0x2a2: {  	s21 =	sadd.s32 s26, s20;
	[sflag:s12] =	ssyncadd.s32 $0xFFFFD800  }
0x2a3: {  	[tilespmem:s14], [sflag:$0x3] =	stream.linear.gather [hbm4b:s21+s1], $0x50, $0x38;
	[tilespmem:$0x19600] =	vst v63  }
0x2a4: {  	s20 =	sadd.s32 s28, s20  }
0x2a5: {  	[tilespmem:s19], [sflag:$0x3] =	stream.linear.gather [hbm4b:s20+s1], $0x50, $0x38;
	[tilespmem:$0x19600] =	vst v63  }
0x2a6: {  	_ =	swait.ge [sflag:s11], $0x2800  }
0x2a7: {  	[sflag:s11] =	ssyncset.done $0x0  }
0x2a8: {  	[sflag:s11] =	ssyncadd.s32 $0xFFFFD800  }
0x2a9: {  	[spmem:s30] =	stream.indirect.scatter.add.f32 [tilespmem:s7], [sflag:$0x5], $0x80, s5, s24, $0xb8;
	[tilespmem:$0x19600] =	vst v63  }
0x2aa: {  	_ =	swait.ge [sflag:s12], $0x2800  }
0x2ab: {  	s16 =	smov.u32 s15;
	[sflag:s12] =	ssyncset.done $0x0  }
0x2ac: {  	s21 =	sadd.s32 s16, s8;
	[sflag:s12] =	ssyncadd.s32 $0xFFFFD800  }
0x2ad: {  	[tilespmem:s3], [sflag:$0x4] =	stream.linear.gather [hbm4b:s21+s1], $0x50, $0x38;
	[tilespmem:$0x19600] =	vst v63  }
0x2ae: {  	s16 =	sadd.s32 s16, s6  }
0x2af: {  	[tilespmem:s5], [sflag:$0x4] =	stream.linear.gather [hbm4b:s16+s1], $0x50, $0x38;
	[tilespmem:$0x19600] =	vst v63  }
0x2b0: {  	s16 =	rddreg [dreg:$0x8];
	_ =	swait.ge [sflag:s13], $0x50  }
0x2b1: {  	[sflag:s13] =	ssyncset.done $0x0  }
0x2b2: {  	[sflag:s13] =	ssyncadd.s32 $0xFFFFFFB0  }
0x2b3: {  	_ =	swait.ge [sflag:s13], $0x50  }
0x2b4: {  	[sflag:s13] =	ssyncset.done $0x0  }
0x2b5: {  	[sflag:s13] =	ssyncadd.s32 $0xFFFFFFB0  }
0x2b6: {  	[tilespmem:s0], [sflag:$0x1] =	stream.indirect.gather [hbm4b:s16+s24], $0x80, s14, s24, $0xb8;
	[tilespmem:$0x19600] =	vst v63  }
0x2b7: {  	p0 =	sne.s32 s15, $0x4B0;
	_ =	swait.ge [sflag:s17], $0x50  }
.Ltmp5:
0x2b8: {  	[sflag:s17] =	ssyncset.done $0x0;
	(pc) =	sbr.rel @p0 .LBB2_12-.Ltmp5, $4  }
0x2b9: {  	[sflag:s17] =	ssyncadd.s32 $0xFFFFFFB0  }
0x2ba: {  	_ =	swait.ge [sflag:s17], $0x50  }
0x2bb: {  	[sflag:s17] =	ssyncset.done $0x0  }
0x2bc: {  	s15 =	sadd.s32 $0x14, s15;
	s18 =	sadd.s32 $0xA0, s18;
	[sflag:s17] =	ssyncadd.s32 $0xFFFFFFB0  }
0x2bd: {  	[tilespmem:s7], [sflag:$0x2] =	stream.indirect.gather [hbm4b:s16+s24], $0x80, s3, s24, $0xb8;
	[tilespmem:$0x19600] =	vst v63  }
0x2be: {  	_ =	swait.ge [sflag:s9], $0x2800  }
0x2bf: {  	[sflag:s9] =	ssyncset.done $0x0  }
0x2c0: {  	[sflag:s9] =	ssyncadd.s32 $0xFFFFD800  }
0x2c1: {  	[spmem:s30] =	stream.indirect.scatter.add.f32 [tilespmem:s0], [sflag:$0x5], $0x80, s19, s24, $0xb8;
	[tilespmem:$0x19600] =	vst v63  }
0x2c2: {  	_ =	swait.ge [sflag:s12], $0x2800  }
0x2c3: {  	[sflag:s12] =	ssyncset.done $0x0  }
0x2c4: {  	[sflag:s12] =	ssyncadd.s32 $0xFFFFD800  }
0x2c5: {  	_ =	swait.ge [sflag:s11], $0x2800  }
0x2c6: {  	[sflag:s11] =	ssyncset.done $0x0  }
0x2c7: {  	[sflag:s11] =	ssyncadd.s32 $0xFFFFD800  }
0x2c8: {  	[spmem:s30] =	stream.indirect.scatter.add.f32 [tilespmem:s7], [sflag:$0x5], $0x80, s5, s24, $0xb8;
	[tilespmem:$0x19600] =	vst v63  }
0x2c9: {  	_ =	swait.ge [sflag:s12], $0x2800  }
0x2ca: {  	s18 =	sld [smem:$0x7F3]  }
0x2cb: {  	[sflag:s12] =	ssyncset.done $0x0  }
0x2cc: {  	s15 =	simm.s32 $0x0;
	[sflag:s12] =	ssyncadd.s32 $0xFFFFD800  }
0x2cd: {  	[tilespmem:s14], [sflag:$0x5] =	stream.linear.gather [hbm4b:s18+s15], $0x50, $0x38;
	[tilespmem:$0x19600] =	vst v63  }
0x2ce: {  	_ =	swait.ge [sflag:s12], $0x50  }
0x2cf: {  	s28 =	sld [smem:$0x7F4]  }
0x2d0: {  	[sflag:s12] =	ssyncset.done $0x0  }
0x2d1: {  	[sflag:s12] =	ssyncadd.s32 $0xFFFFFFB0  }
0x2d2: {  	[tilespmem:s19], [sflag:$0x5] =	stream.linear.gather [hbm4b:s28+s15], $0x50, $0x38;
	[tilespmem:$0x19600] =	vst v63  }
0x2d3: {  	_ =	swait.ge [sflag:s12], $0x50  }
0x2d4: {  	[sflag:s12] =	ssyncset.done $0x0  }
0x2d5: {  	[sflag:s12] =	ssyncadd.s32 $0xFFFFFFB0  }
0x2d6: {  	[tilespmem:s0], [sflag:$0x1] =	stream.indirect.gather [hbm4b:s16+s24], $0x80, s14, s24, $0xb8;
	[tilespmem:$0x19600] =	vst v63  }
0x2d7: {  	_ =	swait.ge [sflag:s9], $0x2800  }
0x2d8: {  	[sflag:s9] =	ssyncset.done $0x0  }
0x2d9: {  	[sflag:s9] =	ssyncadd.s32 $0xFFFFD800  }
0x2da: {  	[spmem:s30] =	stream.indirect.scatter.add.f32 [tilespmem:s0], [sflag:$0x5], $0x80, s19, s24, $0xb8;
	[tilespmem:$0x19600] =	vst v63  }
0x2db: {  	_ =	swait.ge [sflag:s12], $0x2800  }
0x2dc: {  	[sflag:s12] =	ssyncset.done $0x0  }
0x2dd: {  	[sflag:s12] =	ssyncadd.s32 $0xFFFFD800  }
0x2de: {  	[bflag:$0x0] =	sbarrier.arrive $0xFFFF  }
0x2df: {  	[tilespmem:s0], [sflag:$0x5] =	stream.linear.gather [spmem:s31], $0x2800, $0x38;
	[tilespmem:$0x19600] =	vst v63  }
0x2e0: {  	_ =	swait.ge [sflag:s12], $0x2800  }
0x2e1: {  	[sflag:s12] =	ssyncset.done $0x0  }
0x2e2: {  	s18 =	rddreg [dreg:$0x1c];
	[sflag:s12] =	ssyncadd.s32 $0xFFFFD800  }
0x2e3: {  	[hbm4b:s18+s15] =	stream.linear.scatter [tilespmem:s0], [sflag:$0x5], $0x2800, $0x38;
	[tilespmem:$0x19600] =	vst v63  }
0x2e4: {  	_ =	swait.ge [sflag:s12], $0x2800  }
0x2e5: {  	s20 =	sld [smem:$0x7F6]  }
0x2e6: {  	[sflag:s12] =	ssyncset.done $0x0  }
0x2e7: {  	[sflag:s12] =	ssyncadd.s32 $0xFFFFD800  }
0x2e8: {  	[tilespmem:s0], [sflag:$0x5] =	stream.linear.gather [spmem:s20], $0x2800, $0x38;
	[tilespmem:$0x19600] =	vst v63  }
0x2e9: {  	_ =	swait.ge [sflag:s12], $0x2800  }
0x2ea: {  	[sflag:s12] =	ssyncset.done $0x0  }
0x2eb: {  	s21 =	rddreg [dreg:$0x1d];
	[sflag:s12] =	ssyncadd.s32 $0xFFFFD800  }
0x2ec: {  	[hbm4b:s21+s15] =	stream.linear.scatter [tilespmem:s0], [sflag:$0x5], $0x2800, $0x38;
	[tilespmem:$0x19600] =	vst v63  }
0x2ed: {  	_ =	swait.ge [sflag:s12], $0x2800  }
0x2ee: {  	s26 =	sld [smem:$0x7F7]  }
0x2ef: {  	[sflag:s12] =	ssyncset.done $0x0  }
0x2f0: {  	[sflag:s12] =	ssyncadd.s32 $0xFFFFD800  }
0x2f1: {  	[tilespmem:s0], [sflag:$0x5] =	stream.linear.gather [spmem:s26], $0x2800, $0x38;
	[tilespmem:$0x19600] =	vst v63  }
0x2f2: {  	_ =	swait.ge [sflag:s12], $0x2800  }
0x2f3: {  	[sflag:s12] =	ssyncset.done $0x0  }
0x2f4: {  	s28 =	rddreg [dreg:$0x1e];
	[sflag:s12] =	ssyncadd.s32 $0xFFFFD800  }
0x2f5: {  	[hbm4b:s28+s15] =	stream.linear.scatter [tilespmem:s0], [sflag:$0x5], $0x2800, $0x38;
	[tilespmem:$0x19600] =	vst v63  }
0x2f6: {  	_ =	swait.ge [sflag:s12], $0x2800  }
0x2f7: {  	s18 =	sld [smem:$0x7F8]  }
0x2f8: {  	[sflag:s12] =	ssyncset.done $0x0  }
0x2f9: {  	[sflag:s12] =	ssyncadd.s32 $0xFFFFD800  }
0x2fa: {  	[tilespmem:s0], [sflag:$0x5] =	stream.linear.gather [spmem:s18], $0x2800, $0x38;
	[tilespmem:$0x19600] =	vst v63  }
0x2fb: {  	_ =	swait.ge [sflag:s12], $0x2800  }
0x2fc: {  	[sflag:s12] =	ssyncset.done $0x0  }
0x2fd: {  	s20 =	rddreg [dreg:$0x1f];
	[sflag:s12] =	ssyncadd.s32 $0xFFFFD800  }
0x2fe: {  	[hbm4b:s20+s15] =	stream.linear.scatter [tilespmem:s0], [sflag:$0x5], $0x2800, $0x38;
	[tilespmem:$0x19600] =	vst v63  }
0x2ff: {  	_ =	swait.ge [sflag:s12], $0x2800  }
0x300: {  	s21 =	sld [smem:$0x7F9]  }
0x301: {  	[sflag:s12] =	ssyncset.done $0x0  }
0x302: {  	[sflag:s12] =	ssyncadd.s32 $0xFFFFD800  }
0x303: {  	[tilespmem:s0], [sflag:$0x5] =	stream.linear.gather [spmem:s21], $0x2800, $0x38;
	[tilespmem:$0x19600] =	vst v63  }
0x304: {  	_ =	swait.ge [sflag:s12], $0x2800  }
0x305: {  	s26 =	sld [smem:$0x7C7]  }
0x306: {  	[sflag:s12] =	ssyncset.done $0x0  }
0x307: {  	[sflag:s12] =	ssyncadd.s32 $0xFFFFD800  }
0x308: {  	[hbm4b:s26+s15] =	stream.linear.scatter [tilespmem:s0], [sflag:$0x5], $0x2800, $0x38;
	[tilespmem:$0x19600] =	vst v63  }
0x309: {  	_ =	swait.ge [sflag:s12], $0x2800  }
0x30a: {  	s28 =	sld [smem:$0x7FA]  }
0x30b: {  	[sflag:s12] =	ssyncset.done $0x0  }
0x30c: {  	[sflag:s12] =	ssyncadd.s32 $0xFFFFD800  }
0x30d: {  	[tilespmem:s0], [sflag:$0x5] =	stream.linear.gather [spmem:s28], $0x2800, $0x38;
	[tilespmem:$0x19600] =	vst v63  }
0x30e: {  	_ =	swait.ge [sflag:s12], $0x2800  }
0x30f: {  	s18 =	sld [smem:$0x7C8]  }
0x310: {  	[sflag:s12] =	ssyncset.done $0x0  }
0x311: {  	[sflag:s12] =	ssyncadd.s32 $0xFFFFD800  }
0x312: {  	[hbm4b:s18+s15] =	stream.linear.scatter [tilespmem:s0], [sflag:$0x5], $0x2800, $0x38;
	[tilespmem:$0x19600] =	vst v63  }
0x313: {  	_ =	swait.ge [sflag:s12], $0x2800  }
0x314: {  	s20 =	sld [smem:$0x7FB]  }
0x315: {  	[sflag:s12] =	ssyncset.done $0x0  }
0x316: {  	[sflag:s12] =	ssyncadd.s32 $0xFFFFD800  }
0x317: {  	[tilespmem:s0], [sflag:$0x5] =	stream.linear.gather [spmem:s20], $0x2800, $0x38;
	[tilespmem:$0x19600] =	vst v63  }
0x318: {  	_ =	swait.ge [sflag:s12], $0x2800  }
0x319: {  	s21 =	sld [smem:$0x7C9]  }
0x31a: {  	[sflag:s12] =	ssyncset.done $0x0  }
0x31b: {  	[sflag:s12] =	ssyncadd.s32 $0xFFFFD800  }
0x31c: {  	[hbm4b:s21+s15] =	stream.linear.scatter [tilespmem:s0], [sflag:$0x5], $0x2800, $0x38;
	[tilespmem:$0x19600] =	vst v63  }
0x31d: {  	_ =	swait.ge [sflag:s12], $0x2800  }
0x31e: {  	s26 =	sld [smem:$0x7FC]  }
0x31f: {  	[sflag:s12] =	ssyncset.done $0x0  }
0x320: {  	[sflag:s12] =	ssyncadd.s32 $0xFFFFD800  }
0x321: {  	[tilespmem:s0], [sflag:$0x5] =	stream.linear.gather [spmem:s26], $0x2800, $0x38;
	[tilespmem:$0x19600] =	vst v63  }
0x322: {  	_ =	swait.ge [sflag:s12], $0x2800  }
0x323: {  	s28 =	sld [smem:$0x7CA]  }
0x324: {  	[sflag:s12] =	ssyncset.done $0x0  }
0x325: {  	[sflag:s12] =	ssyncadd.s32 $0xFFFFD800  }
0x326: {  	[hbm4b:s28+s15] =	stream.linear.scatter [tilespmem:s0], [sflag:$0x5], $0x2800, $0x38;
	[tilespmem:$0x19600] =	vst v63  }
0x327: {  	_ =	swait.ge [sflag:s12], $0x2800  }
0x328: {  	[sflag:s12] =	ssyncset.done $0x0  }
0x329: {  	s18 =	simm.s32 $0x200;
	s15 =	simm.s32 $0x0;
	[sflag:s12] =	ssyncadd.s32 $0xFFFFD800  }
.LBB2_14:
0x32a: {  	p0 =	sne.s32 s18, $0x9E00;
	[tilespmem:s15+$0x16A70] =	vst v1  }
0x32b: {  	[tilespmem:s15+$0x16A00] =	vst v1  }
0x32c: {  	[tilespmem:s15+$0x16A10] =	vst v1  }
.Ltmp6:
0x32d: {  	[tilespmem:s15+$0x16A20] =	vst v1;
	(pc) =	sbr.rel @p0 .LBB2_14-.Ltmp6, $4  }
0x32e: {  	[tilespmem:s15+$0x16A30] =	vst v1  }
0x32f: {  	[tilespmem:s15+$0x16A40] =	vst v1  }
0x330: {  	[tilespmem:s15+$0x16A50] =	vst v1  }
0x331: {  	[tilespmem:s15+$0x16A60] =	vst v1;
	s15 =	sshra.s32 s18, $0x2;
	s18 =	sadd.s32 $0x200, s18  }
0x332: {  	[tilespmem:s15+$0x16A70] =	vst v1  }
0x333: {  	[tilespmem:s15+$0x16A00] =	vst v1  }
0x334: {  	[tilespmem:s15+$0x16A10] =	vst v1  }
0x335: {  	[tilespmem:s15+$0x16A20] =	vst v1  }
0x336: {  	[tilespmem:s15+$0x16A30] =	vst v1  }
0x337: {  	[tilespmem:s15+$0x16A40] =	vst v1  }
0x338: {  	[tilespmem:s15+$0x16A50] =	vst v1  }
0x339: {  	[tilespmem:s15+$0x16A60] =	vst v1;
	s26 =	sadd.s32 $0x0, s31  }
0x33a: {  	[spmem:s26] =	stream.linear.scatter [tilespmem:s10], [sflag:$0x5], $0x400, $0x38;
	[tilespmem:$0x19600] =	vst v63  }
0x33b: {  	_ =	swait.ge [sflag:s12], $0x400  }
0x33c: {  	s26 =	rddreg [dreg:$0x6]  }
0x33d: {  	s15 =	simm.s32 $0x1000;
	s28 =	rddreg [dreg:$0x7]  }
.LBB2_16:
0x33e: {  	s16 =	sshra.s32 s15, $0x2;
	[sflag:s12] =	ssyncset.done $0x0;
	p0 =	sne.s32 s15, $0x4F000  }
.Ltmp7:
0x33f: {  	s16 =	sadd.s32 s16, s31;
	[sflag:s12] =	ssyncadd.s32 $0xFFFFFC00;
	(pc) =	sbr.rel @p0 .LBB2_16-.Ltmp7, $3  }
0x340: {  	[spmem:s16] =	stream.linear.scatter [tilespmem:s10], [sflag:$0x5], $0x400, $0x38;
	[tilespmem:$0x19600] =	vst v63  }
0x341: {  	s15 =	sadd.s32 $0x1000, s15;
	_ =	sdelay $0x1  }
0x342: {  	_ =	swait.ge [sflag:s12], $0x400  }
0x343: {  	[sflag:s12] =	ssyncset.done $0x0  }
0x344: {  	[sflag:s12] =	ssyncadd.s32 $0xFFFFFC00  }
0x345: {  	[bflag:$0x0] =	sbarrier.arrive $0xFFFF  }
0x346: {  	s16 =	sld [smem:$0x7E4];
	_ =	sdelay $0x1  }
0x347: {  	s15 =	simm.s32 $0x0;
	s21 =	sld [smem:$0x7EA]  }
0x348: {  	[tilespmem:s19], [sflag:$0x1] =	stream.linear.gather [hbm4b:s16+s15], $0x50, $0x38;
	[tilespmem:$0x19600] =	vst v63  }
0x349: {  	_ = 	snop  }
0x34a: {  	[tilespmem:s5], [sflag:$0x2] =	stream.linear.gather [hbm4b:s21+s15], $0x50, $0x38;
	[tilespmem:$0x19600] =	vst v63  }
0x34b: {  	_ =	swait.ge [sflag:s9], $0x50  }
0x34c: {  	[sflag:s9] =	ssyncset.done $0x0  }
0x34d: {  	[sflag:s9] =	ssyncadd.s32 $0xFFFFFFB0  }
0x34e: {  	[spmem:s30] =	stream.indirect.scatter.add.f32 [tilespmem:s7], [sflag:$0x5], $0x80, s19, s24, $0xb8;
	[tilespmem:$0x19600] =	vst v63  }
0x34f: {  	_ =	swait.ge [sflag:s12], $0x2800  }
0x350: {  	s18 =	sld [smem:$0x7C5]  }
0x351: {  	[sflag:s12] =	ssyncset.done $0x0  }
0x352: {  	[sflag:s12] =	ssyncadd.s32 $0xFFFFD800  }
0x353: {  	[tilespmem:s19], [sflag:$0x1] =	stream.linear.gather [hbm4b:s18+s1], $0x50, $0x38;
	[tilespmem:$0x19600] =	vst v63  }
0x354: {  	_ =	swait.ge [sflag:s11], $0x50  }
0x355: {  	[sflag:s11] =	ssyncset.done $0x0  }
0x356: {  	[sflag:s11] =	ssyncadd.s32 $0xFFFFFFB0  }
0x357: {  	[spmem:s30] =	stream.indirect.scatter.add.f32 [tilespmem:s7], [sflag:$0x5], $0x80, s5, s24, $0xb8;
	[tilespmem:$0x19600] =	vst v63  }
0x358: {  	_ =	swait.ge [sflag:s12], $0x2800  }
0x359: {  	s20 =	sld [smem:$0x7FD];
	_ =	sdelay $0x1  }
0x35a: {  	s15 =	simm.s32 $0x14;
	[sflag:s12] =	ssyncset.done $0x0  }
0x35b: {  	s21 =	sadd.s32 $0x0, s22;
	[sflag:s12] =	ssyncadd.s32 $0xFFFFD800;
	s18 =	sadd.s32 $0xA0, s20  }
.LBB2_18:
0x35c: {  	[tilespmem:s5], [sflag:$0x2] =	stream.linear.gather [hbm4b:s21+s1], $0x50, $0x38;
	[tilespmem:$0x19600] =	vst v63  }
0x35d: {  	s16 =	smov.u32 s15  }
0x35e: {  	p0 =	sne.s32 s15, $0x4B0;
	s15 =	sadd.s32 $0x14, s15;
	_ =	swait.ge [sflag:s9], $0x50  }
0x35f: {  	[sflag:s9] =	ssyncset.done $0x0  }
0x360: {  	[sflag:s9] =	ssyncadd.s32 $0xFFFFFFB0  }
0x361: {  	[spmem:s30] =	stream.indirect.scatter.add.f32 [tilespmem:s7], [sflag:$0x5], $0x80, s19, s24, $0xb8;
	[tilespmem:$0x19600] =	vst v63  }
0x362: {  	_ =	swait.ge [sflag:s12], $0x2800  }
0x363: {  	s20 =	sshrl.u32 s18, $0x3;
	[sflag:s12] =	ssyncset.done $0x0  }
0x364: {  	s20 =	sadd.s32 s23, s20;
	[sflag:s12] =	ssyncadd.s32 $0xFFFFD800  }
0x365: {  	[tilespmem:s19], [sflag:$0x1] =	stream.linear.gather [hbm4b:s20+s1], $0x50, $0x38;
	[tilespmem:$0x19600] =	vst v63  }
0x366: {  	_ =	swait.ge [sflag:s11], $0x50  }
0x367: {  	[sflag:s11] =	ssyncset.done $0x0  }
.Ltmp8:
0x368: {  	[sflag:s11] =	ssyncadd.s32 $0xFFFFFFB0;
	(pc) =	sbr.rel @p0 .LBB2_18-.Ltmp8, $4  }
0x369: {  	[spmem:s30] =	stream.indirect.scatter.add.f32 [tilespmem:s7], [sflag:$0x5], $0x80, s5, s24, $0xb8;
	[tilespmem:$0x19600] =	vst v63  }
0x36a: {  	_ =	swait.ge [sflag:s12], $0x2800  }
0x36b: {  	[sflag:s12] =	ssyncset.done $0x0  }
0x36c: {  	s18 =	sadd.s32 $0xA0, s18;
	s21 =	sadd.s32 s16, s22;
	[sflag:s12] =	ssyncadd.s32 $0xFFFFD800  }
0x36d: {  	[tilespmem:s5], [sflag:$0x2] =	stream.linear.gather [hbm4b:s21+s1], $0x50, $0x38;
	[tilespmem:$0x19600] =	vst v63  }
0x36e: {  	_ =	swait.ge [sflag:s9], $0x50  }
0x36f: {  	[sflag:s9] =	ssyncset.done $0x0  }
0x370: {  	[sflag:s9] =	ssyncadd.s32 $0xFFFFFFB0  }
0x371: {  	[spmem:s30] =	stream.indirect.scatter.add.f32 [tilespmem:s7], [sflag:$0x5], $0x80, s19, s24, $0xb8;
	[tilespmem:$0x19600] =	vst v63  }
0x372: {  	_ =	swait.ge [sflag:s12], $0x2800  }
0x373: {  	[sflag:s12] =	ssyncset.done $0x0  }
0x374: {  	[sflag:s12] =	ssyncadd.s32 $0xFFFFD800  }
0x375: {  	_ =	swait.ge [sflag:s11], $0x50  }
0x376: {  	[sflag:s11] =	ssyncset.done $0x0  }
0x377: {  	[sflag:s11] =	ssyncadd.s32 $0xFFFFFFB0  }
0x378: {  	[spmem:s30] =	stream.indirect.scatter.add.f32 [tilespmem:s7], [sflag:$0x5], $0x80, s5, s24, $0xb8;
	[tilespmem:$0x19600] =	vst v63  }
0x379: {  	_ =	swait.ge [sflag:s12], $0x2800  }
0x37a: {  	s16 =	sld [smem:$0x7F0]  }
0x37b: {  	[sflag:s12] =	ssyncset.done $0x0  }
0x37c: {  	s15 =	simm.s32 $0x0;
	[sflag:s12] =	ssyncadd.s32 $0xFFFFD800  }
0x37d: {  	[tilespmem:s19], [sflag:$0x5] =	stream.linear.gather [hbm4b:s16+s15], $0x50, $0x38;
	[tilespmem:$0x19600] =	vst v63  }
0x37e: {  	_ =	swait.ge [sflag:s12], $0x50  }
0x37f: {  	[sflag:s12] =	ssyncset.done $0x0  }
0x380: {  	[sflag:s12] =	ssyncadd.s32 $0xFFFFFFB0  }
0x381: {  	[spmem:s30] =	stream.indirect.scatter.add.f32 [tilespmem:s7], [sflag:$0x5], $0x80, s19, s24, $0xb8;
	[tilespmem:$0x19600] =	vst v63  }
0x382: {  	_ =	swait.ge [sflag:s12], $0x2800  }
0x383: {  	[sflag:s12] =	ssyncset.done $0x0  }
0x384: {  	[sflag:s12] =	ssyncadd.s32 $0xFFFFD800  }
0x385: {  	[bflag:$0x0] =	sbarrier.arrive $0xFFFF  }
0x386: {  	[tilespmem:s0], [sflag:$0x5] =	stream.linear.gather [spmem:s31], $0x2800, $0x38;
	[tilespmem:$0x19600] =	vst v63  }
0x387: {  	_ =	swait.ge [sflag:s12], $0x2800  }
0x388: {  	s21 =	sld [smem:$0x7CB]  }
0x389: {  	[sflag:s12] =	ssyncset.done $0x0  }
0x38a: {  	[sflag:s12] =	ssyncadd.s32 $0xFFFFD800  }
0x38b: {  	[hbm4b:s21+s15] =	stream.linear.scatter [tilespmem:s0], [sflag:$0x5], $0x2800, $0x38;
	[tilespmem:$0x19600] =	vst v63  }
0x38c: {  	_ =	swait.ge [sflag:s12], $0x2800  }
0x38d: {  	s18 =	sld [smem:$0x7F6]  }
0x38e: {  	[sflag:s12] =	ssyncset.done $0x0  }
0x38f: {  	[sflag:s12] =	ssyncadd.s32 $0xFFFFD800  }
0x390: {  	[tilespmem:s0], [sflag:$0x5] =	stream.linear.gather [spmem:s18], $0x2800, $0x38;
	[tilespmem:$0x19600] =	vst v63  }
0x391: {  	_ =	swait.ge [sflag:s12], $0x2800  }
0x392: {  	s20 =	sld [smem:$0x7CC]  }
0x393: {  	[sflag:s12] =	ssyncset.done $0x0  }
0x394: {  	[sflag:s12] =	ssyncadd.s32 $0xFFFFD800  }
0x395: {  	[hbm4b:s20+s15] =	stream.linear.scatter [tilespmem:s0], [sflag:$0x5], $0x2800, $0x38;
	[tilespmem:$0x19600] =	vst v63  }
0x396: {  	_ =	swait.ge [sflag:s12], $0x2800  }
0x397: {  	s21 =	sld [smem:$0x7F7]  }
0x398: {  	[sflag:s12] =	ssyncset.done $0x0  }
0x399: {  	[sflag:s12] =	ssyncadd.s32 $0xFFFFD800  }
0x39a: {  	[tilespmem:s0], [sflag:$0x5] =	stream.linear.gather [spmem:s21], $0x2800, $0x38;
	[tilespmem:$0x19600] =	vst v63  }
0x39b: {  	_ =	swait.ge [sflag:s12], $0x2800  }
0x39c: {  	s18 =	sld [smem:$0x7CD]  }
0x39d: {  	[sflag:s12] =	ssyncset.done $0x0  }
0x39e: {  	[sflag:s12] =	ssyncadd.s32 $0xFFFFD800  }
0x39f: {  	[hbm4b:s18+s15] =	stream.linear.scatter [tilespmem:s0], [sflag:$0x5], $0x2800, $0x38;
	[tilespmem:$0x19600] =	vst v63  }
0x3a0: {  	_ =	swait.ge [sflag:s12], $0x2800  }
0x3a1: {  	s20 =	sld [smem:$0x7F8]  }
0x3a2: {  	[sflag:s12] =	ssyncset.done $0x0  }
0x3a3: {  	[sflag:s12] =	ssyncadd.s32 $0xFFFFD800  }
0x3a4: {  	[tilespmem:s0], [sflag:$0x5] =	stream.linear.gather [spmem:s20], $0x2800, $0x38;
	[tilespmem:$0x19600] =	vst v63  }
0x3a5: {  	_ =	swait.ge [sflag:s12], $0x2800  }
0x3a6: {  	s21 =	sld [smem:$0x7CE]  }
0x3a7: {  	[sflag:s12] =	ssyncset.done $0x0  }
0x3a8: {  	[sflag:s12] =	ssyncadd.s32 $0xFFFFD800  }
0x3a9: {  	[hbm4b:s21+s15] =	stream.linear.scatter [tilespmem:s0], [sflag:$0x5], $0x2800, $0x38;
	[tilespmem:$0x19600] =	vst v63  }
0x3aa: {  	_ =	swait.ge [sflag:s12], $0x2800  }
0x3ab: {  	s18 =	sld [smem:$0x7F9]  }
0x3ac: {  	[sflag:s12] =	ssyncset.done $0x0  }
0x3ad: {  	[sflag:s12] =	ssyncadd.s32 $0xFFFFD800  }
0x3ae: {  	[tilespmem:s0], [sflag:$0x5] =	stream.linear.gather [spmem:s18], $0x2800, $0x38;
	[tilespmem:$0x19600] =	vst v63  }
0x3af: {  	_ =	swait.ge [sflag:s12], $0x2800  }
0x3b0: {  	s20 =	sld [smem:$0x7CF]  }
0x3b1: {  	[sflag:s12] =	ssyncset.done $0x0  }
0x3b2: {  	[sflag:s12] =	ssyncadd.s32 $0xFFFFD800  }
0x3b3: {  	[hbm4b:s20+s15] =	stream.linear.scatter [tilespmem:s0], [sflag:$0x5], $0x2800, $0x38;
	[tilespmem:$0x19600] =	vst v63  }
0x3b4: {  	_ =	swait.ge [sflag:s12], $0x2800  }
0x3b5: {  	s21 =	sld [smem:$0x7FA]  }
0x3b6: {  	[sflag:s12] =	ssyncset.done $0x0  }
0x3b7: {  	[sflag:s12] =	ssyncadd.s32 $0xFFFFD800  }
0x3b8: {  	[tilespmem:s0], [sflag:$0x5] =	stream.linear.gather [spmem:s21], $0x2800, $0x38;
	[tilespmem:$0x19600] =	vst v63  }
0x3b9: {  	_ =	swait.ge [sflag:s12], $0x2800  }
0x3ba: {  	s18 =	sld [smem:$0x7D0]  }
0x3bb: {  	[sflag:s12] =	ssyncset.done $0x0  }
0x3bc: {  	[sflag:s12] =	ssyncadd.s32 $0xFFFFD800  }
0x3bd: {  	[hbm4b:s18+s15] =	stream.linear.scatter [tilespmem:s0], [sflag:$0x5], $0x2800, $0x38;
	[tilespmem:$0x19600] =	vst v63  }
0x3be: {  	_ =	swait.ge [sflag:s12], $0x2800  }
0x3bf: {  	s20 =	sld [smem:$0x7FB]  }
0x3c0: {  	[sflag:s12] =	ssyncset.done $0x0  }
0x3c1: {  	[sflag:s12] =	ssyncadd.s32 $0xFFFFD800  }
0x3c2: {  	[tilespmem:s0], [sflag:$0x5] =	stream.linear.gather [spmem:s20], $0x2800, $0x38;
	[tilespmem:$0x19600] =	vst v63  }
0x3c3: {  	_ =	swait.ge [sflag:s12], $0x2800  }
0x3c4: {  	s21 =	sld [smem:$0x7D1]  }
0x3c5: {  	[sflag:s12] =	ssyncset.done $0x0  }
0x3c6: {  	[sflag:s12] =	ssyncadd.s32 $0xFFFFD800  }
0x3c7: {  	[hbm4b:s21+s15] =	stream.linear.scatter [tilespmem:s0], [sflag:$0x5], $0x2800, $0x38;
	[tilespmem:$0x19600] =	vst v63  }
0x3c8: {  	_ =	swait.ge [sflag:s12], $0x2800  }
0x3c9: {  	s18 =	sld [smem:$0x7FC]  }
0x3ca: {  	[sflag:s12] =	ssyncset.done $0x0  }
0x3cb: {  	[sflag:s12] =	ssyncadd.s32 $0xFFFFD800  }
0x3cc: {  	[tilespmem:s0], [sflag:$0x5] =	stream.linear.gather [spmem:s18], $0x2800, $0x38;
	[tilespmem:$0x19600] =	vst v63  }
0x3cd: {  	_ =	swait.ge [sflag:s12], $0x2800  }
0x3ce: {  	s20 =	sld [smem:$0x7D2]  }
0x3cf: {  	[sflag:s12] =	ssyncset.done $0x0  }
0x3d0: {  	[sflag:s12] =	ssyncadd.s32 $0xFFFFD800  }
0x3d1: {  	[hbm4b:s20+s15] =	stream.linear.scatter [tilespmem:s0], [sflag:$0x5], $0x2800, $0x38;
	[tilespmem:$0x19600] =	vst v63  }
0x3d2: {  	_ =	swait.ge [sflag:s12], $0x2800  }
0x3d3: {  	[sflag:s12] =	ssyncset.done $0x0  }
0x3d4: {  	s21 =	sadd.s32 $0x0, s31;
	[sflag:s12] =	ssyncadd.s32 $0xFFFFD800  }
0x3d5: {  	[spmem:s21] =	stream.linear.scatter [tilespmem:s10], [sflag:$0x5], $0x400, $0x38;
	[tilespmem:$0x19600] =	vst v63  }
0x3d6: {  	s15 =	simm.s32 $0x1000;
	_ =	swait.ge [sflag:s12], $0x400  }
.LBB2_20:
0x3d7: {  	s16 =	sshra.s32 s15, $0x2;
	[sflag:s12] =	ssyncset.done $0x0;
	p0 =	sne.s32 s15, $0x4F000  }
.Ltmp9:
0x3d8: {  	s16 =	sadd.s32 s16, s31;
	[sflag:s12] =	ssyncadd.s32 $0xFFFFFC00;
	(pc) =	sbr.rel @p0 .LBB2_20-.Ltmp9, $3  }
0x3d9: {  	[spmem:s16] =	stream.linear.scatter [tilespmem:s10], [sflag:$0x5], $0x400, $0x38;
	[tilespmem:$0x19600] =	vst v63  }
0x3da: {  	s15 =	sadd.s32 $0x1000, s15;
	_ =	sdelay $0x1  }
0x3db: {  	_ =	swait.ge [sflag:s12], $0x400  }
0x3dc: {  	[sflag:s12] =	ssyncset.done $0x0  }
0x3dd: {  	[sflag:s12] =	ssyncadd.s32 $0xFFFFFC00  }
0x3de: {  	[bflag:$0x0] =	sbarrier.arrive $0xFFFF  }
0x3df: {  	s16 =	sld [smem:$0x7E6];
	_ =	sdelay $0x1  }
0x3e0: {  	s15 =	simm.s32 $0x0;
	s21 =	sld [smem:$0x7EC]  }
0x3e1: {  	[tilespmem:s19], [sflag:$0x1] =	stream.linear.gather [hbm4b:s16+s15], $0x50, $0x38;
	[tilespmem:$0x19600] =	vst v63  }
0x3e2: {  	_ = 	snop  }
0x3e3: {  	[tilespmem:s5], [sflag:$0x2] =	stream.linear.gather [hbm4b:s21+s15], $0x50, $0x38;
	[tilespmem:$0x19600] =	vst v63  }
0x3e4: {  	_ =	swait.ge [sflag:s9], $0x50  }
0x3e5: {  	[sflag:s9] =	ssyncset.done $0x0  }
0x3e6: {  	[sflag:s9] =	ssyncadd.s32 $0xFFFFFFB0  }
0x3e7: {  	[spmem:s30] =	stream.indirect.scatter.add.f32 [tilespmem:s7], [sflag:$0x5], $0x80, s19, s24, $0xb8;
	[tilespmem:$0x19600] =	vst v63  }
0x3e8: {  	_ =	swait.ge [sflag:s12], $0x2800  }
0x3e9: {  	s18 =	sld [smem:$0x7C3]  }
0x3ea: {  	[sflag:s12] =	ssyncset.done $0x0  }
0x3eb: {  	[sflag:s12] =	ssyncadd.s32 $0xFFFFD800  }
0x3ec: {  	[tilespmem:s19], [sflag:$0x1] =	stream.linear.gather [hbm4b:s18+s1], $0x50, $0x38;
	[tilespmem:$0x19600] =	vst v63  }
0x3ed: {  	_ =	swait.ge [sflag:s11], $0x50  }
0x3ee: {  	[sflag:s11] =	ssyncset.done $0x0  }
0x3ef: {  	[sflag:s11] =	ssyncadd.s32 $0xFFFFFFB0  }
0x3f0: {  	[spmem:s30] =	stream.indirect.scatter.add.f32 [tilespmem:s7], [sflag:$0x5], $0x80, s5, s24, $0xb8;
	[tilespmem:$0x19600] =	vst v63  }
0x3f1: {  	_ =	swait.ge [sflag:s12], $0x2800  }
0x3f2: {  	s20 =	sld [smem:$0x7FD];
	_ =	sdelay $0x1  }
0x3f3: {  	s15 =	simm.s32 $0x14;
	[sflag:s12] =	ssyncset.done $0x0  }
0x3f4: {  	s21 =	sadd.s32 $0x0, s2;
	[sflag:s12] =	ssyncadd.s32 $0xFFFFD800;
	s18 =	sadd.s32 $0xA0, s20  }
.LBB2_22:
0x3f5: {  	[tilespmem:s5], [sflag:$0x2] =	stream.linear.gather [hbm4b:s21+s1], $0x50, $0x38;
	[tilespmem:$0x19600] =	vst v63  }
0x3f6: {  	s16 =	smov.u32 s15  }
0x3f7: {  	p0 =	sne.s32 s15, $0x4B0;
	s15 =	sadd.s32 $0x14, s15;
	_ =	swait.ge [sflag:s9], $0x50  }
0x3f8: {  	[sflag:s9] =	ssyncset.done $0x0  }
0x3f9: {  	[sflag:s9] =	ssyncadd.s32 $0xFFFFFFB0  }
0x3fa: {  	[spmem:s30] =	stream.indirect.scatter.add.f32 [tilespmem:s7], [sflag:$0x5], $0x80, s19, s24, $0xb8;
	[tilespmem:$0x19600] =	vst v63  }
0x3fb: {  	_ =	swait.ge [sflag:s12], $0x2800  }
0x3fc: {  	s20 =	sshrl.u32 s18, $0x3;
	[sflag:s12] =	ssyncset.done $0x0  }
0x3fd: {  	s20 =	sadd.s32 s25, s20;
	[sflag:s12] =	ssyncadd.s32 $0xFFFFD800  }
0x3fe: {  	[tilespmem:s19], [sflag:$0x1] =	stream.linear.gather [hbm4b:s20+s1], $0x50, $0x38;
	[tilespmem:$0x19600] =	vst v63  }
0x3ff: {  	_ =	swait.ge [sflag:s11], $0x50  }
0x400: {  	[sflag:s11] =	ssyncset.done $0x0  }
.Ltmp10:
0x401: {  	[sflag:s11] =	ssyncadd.s32 $0xFFFFFFB0;
	(pc) =	sbr.rel @p0 .LBB2_22-.Ltmp10, $4  }
0x402: {  	[spmem:s30] =	stream.indirect.scatter.add.f32 [tilespmem:s7], [sflag:$0x5], $0x80, s5, s24, $0xb8;
	[tilespmem:$0x19600] =	vst v63  }
0x403: {  	_ =	swait.ge [sflag:s12], $0x2800  }
0x404: {  	[sflag:s12] =	ssyncset.done $0x0  }
0x405: {  	s18 =	sadd.s32 $0xA0, s18;
	s21 =	sadd.s32 s16, s2;
	[sflag:s12] =	ssyncadd.s32 $0xFFFFD800  }
0x406: {  	[tilespmem:s5], [sflag:$0x2] =	stream.linear.gather [hbm4b:s21+s1], $0x50, $0x38;
	[tilespmem:$0x19600] =	vst v63  }
0x407: {  	_ =	swait.ge [sflag:s9], $0x50  }
0x408: {  	[sflag:s9] =	ssyncset.done $0x0  }
0x409: {  	[sflag:s9] =	ssyncadd.s32 $0xFFFFFFB0  }
0x40a: {  	[spmem:s30] =	stream.indirect.scatter.add.f32 [tilespmem:s7], [sflag:$0x5], $0x80, s19, s24, $0xb8;
	[tilespmem:$0x19600] =	vst v63  }
0x40b: {  	_ =	swait.ge [sflag:s12], $0x2800  }
0x40c: {  	[sflag:s12] =	ssyncset.done $0x0  }
0x40d: {  	[sflag:s12] =	ssyncadd.s32 $0xFFFFD800  }
0x40e: {  	_ =	swait.ge [sflag:s11], $0x50  }
0x40f: {  	[sflag:s11] =	ssyncset.done $0x0  }
0x410: {  	[sflag:s11] =	ssyncadd.s32 $0xFFFFFFB0  }
0x411: {  	[spmem:s30] =	stream.indirect.scatter.add.f32 [tilespmem:s7], [sflag:$0x5], $0x80, s5, s24, $0xb8;
	[tilespmem:$0x19600] =	vst v63  }
0x412: {  	_ =	swait.ge [sflag:s12], $0x2800  }
0x413: {  	s16 =	sld [smem:$0x7F2]  }
0x414: {  	[sflag:s12] =	ssyncset.done $0x0  }
0x415: {  	s15 =	simm.s32 $0x0;
	[sflag:s12] =	ssyncadd.s32 $0xFFFFD800  }
0x416: {  	[tilespmem:s19], [sflag:$0x5] =	stream.linear.gather [hbm4b:s16+s15], $0x50, $0x38;
	[tilespmem:$0x19600] =	vst v63  }
0x417: {  	_ =	swait.ge [sflag:s12], $0x50  }
0x418: {  	[sflag:s12] =	ssyncset.done $0x0  }
0x419: {  	[sflag:s12] =	ssyncadd.s32 $0xFFFFFFB0  }
0x41a: {  	[spmem:s30] =	stream.indirect.scatter.add.f32 [tilespmem:s7], [sflag:$0x5], $0x80, s19, s24, $0xb8;
	[tilespmem:$0x19600] =	vst v63  }
0x41b: {  	_ =	swait.ge [sflag:s12], $0x2800  }
0x41c: {  	[sflag:s12] =	ssyncset.done $0x0  }
0x41d: {  	[sflag:s12] =	ssyncadd.s32 $0xFFFFD800  }
0x41e: {  	[bflag:$0x0] =	sbarrier.arrive $0xFFFF  }
0x41f: {  	[tilespmem:s0], [sflag:$0x5] =	stream.linear.gather [spmem:s31], $0x2800, $0x38;
	[tilespmem:$0x19600] =	vst v63  }
0x420: {  	_ =	swait.ge [sflag:s12], $0x2800  }
0x421: {  	s18 =	sld [smem:$0x7D3]  }
0x422: {  	[sflag:s12] =	ssyncset.done $0x0  }
0x423: {  	[sflag:s12] =	ssyncadd.s32 $0xFFFFD800  }
0x424: {  	[hbm4b:s18+s15] =	stream.linear.scatter [tilespmem:s0], [sflag:$0x5], $0x2800, $0x38;
	[tilespmem:$0x19600] =	vst v63  }
0x425: {  	_ =	swait.ge [sflag:s12], $0x2800  }
0x426: {  	s20 =	sld [smem:$0x7F6]  }
0x427: {  	[sflag:s12] =	ssyncset.done $0x0  }
0x428: {  	[sflag:s12] =	ssyncadd.s32 $0xFFFFD800  }
0x429: {  	[tilespmem:s0], [sflag:$0x5] =	stream.linear.gather [spmem:s20], $0x2800, $0x38;
	[tilespmem:$0x19600] =	vst v63  }
0x42a: {  	_ =	swait.ge [sflag:s12], $0x2800  }
0x42b: {  	s21 =	sld [smem:$0x7D4]  }
0x42c: {  	[sflag:s12] =	ssyncset.done $0x0  }
0x42d: {  	[sflag:s12] =	ssyncadd.s32 $0xFFFFD800  }
0x42e: {  	[hbm4b:s21+s15] =	stream.linear.scatter [tilespmem:s0], [sflag:$0x5], $0x2800, $0x38;
	[tilespmem:$0x19600] =	vst v63  }
0x42f: {  	_ =	swait.ge [sflag:s12], $0x2800  }
0x430: {  	s25 =	sld [smem:$0x7F7]  }
0x431: {  	[sflag:s12] =	ssyncset.done $0x0  }
0x432: {  	[sflag:s12] =	ssyncadd.s32 $0xFFFFD800  }
0x433: {  	[tilespmem:s0], [sflag:$0x5] =	stream.linear.gather [spmem:s25], $0x2800, $0x38;
	[tilespmem:$0x19600] =	vst v63  }
0x434: {  	_ =	swait.ge [sflag:s12], $0x2800  }
0x435: {  	s18 =	sld [smem:$0x7D5]  }
0x436: {  	[sflag:s12] =	ssyncset.done $0x0  }
0x437: {  	[sflag:s12] =	ssyncadd.s32 $0xFFFFD800  }
0x438: {  	[hbm4b:s18+s15] =	stream.linear.scatter [tilespmem:s0], [sflag:$0x5], $0x2800, $0x38;
	[tilespmem:$0x19600] =	vst v63  }
0x439: {  	_ =	swait.ge [sflag:s12], $0x2800  }
0x43a: {  	s20 =	sld [smem:$0x7F8]  }
0x43b: {  	[sflag:s12] =	ssyncset.done $0x0  }
0x43c: {  	[sflag:s12] =	ssyncadd.s32 $0xFFFFD800  }
0x43d: {  	[tilespmem:s0], [sflag:$0x5] =	stream.linear.gather [spmem:s20], $0x2800, $0x38;
	[tilespmem:$0x19600] =	vst v63  }
0x43e: {  	_ =	swait.ge [sflag:s12], $0x2800  }
0x43f: {  	s21 =	sld [smem:$0x7D6]  }
0x440: {  	[sflag:s12] =	ssyncset.done $0x0  }
0x441: {  	[sflag:s12] =	ssyncadd.s32 $0xFFFFD800  }
0x442: {  	[hbm4b:s21+s15] =	stream.linear.scatter [tilespmem:s0], [sflag:$0x5], $0x2800, $0x38;
	[tilespmem:$0x19600] =	vst v63  }
0x443: {  	_ =	swait.ge [sflag:s12], $0x2800  }
0x444: {  	s25 =	sld [smem:$0x7F9]  }
0x445: {  	[sflag:s12] =	ssyncset.done $0x0  }
0x446: {  	[sflag:s12] =	ssyncadd.s32 $0xFFFFD800  }
0x447: {  	[tilespmem:s0], [sflag:$0x5] =	stream.linear.gather [spmem:s25], $0x2800, $0x38;
	[tilespmem:$0x19600] =	vst v63  }
0x448: {  	_ =	swait.ge [sflag:s12], $0x2800  }
0x449: {  	s18 =	sld [smem:$0x7D7]  }
0x44a: {  	[sflag:s12] =	ssyncset.done $0x0  }
0x44b: {  	[sflag:s12] =	ssyncadd.s32 $0xFFFFD800  }
0x44c: {  	[hbm4b:s18+s15] =	stream.linear.scatter [tilespmem:s0], [sflag:$0x5], $0x2800, $0x38;
	[tilespmem:$0x19600] =	vst v63  }
0x44d: {  	_ =	swait.ge [sflag:s12], $0x2800  }
0x44e: {  	s20 =	sld [smem:$0x7FA]  }
0x44f: {  	[sflag:s12] =	ssyncset.done $0x0  }
0x450: {  	[sflag:s12] =	ssyncadd.s32 $0xFFFFD800  }
0x451: {  	[tilespmem:s0], [sflag:$0x5] =	stream.linear.gather [spmem:s20], $0x2800, $0x38;
	[tilespmem:$0x19600] =	vst v63  }
0x452: {  	_ =	swait.ge [sflag:s12], $0x2800  }
0x453: {  	s21 =	sld [smem:$0x7D8]  }
0x454: {  	[sflag:s12] =	ssyncset.done $0x0  }
0x455: {  	[sflag:s12] =	ssyncadd.s32 $0xFFFFD800  }
0x456: {  	[hbm4b:s21+s15] =	stream.linear.scatter [tilespmem:s0], [sflag:$0x5], $0x2800, $0x38;
	[tilespmem:$0x19600] =	vst v63  }
0x457: {  	_ =	swait.ge [sflag:s12], $0x2800  }
0x458: {  	s25 =	sld [smem:$0x7FB]  }
0x459: {  	[sflag:s12] =	ssyncset.done $0x0  }
0x45a: {  	[sflag:s12] =	ssyncadd.s32 $0xFFFFD800  }
0x45b: {  	[tilespmem:s0], [sflag:$0x5] =	stream.linear.gather [spmem:s25], $0x2800, $0x38;
	[tilespmem:$0x19600] =	vst v63  }
0x45c: {  	_ =	swait.ge [sflag:s12], $0x2800  }
0x45d: {  	s18 =	sld [smem:$0x7D9]  }
0x45e: {  	[sflag:s12] =	ssyncset.done $0x0  }
0x45f: {  	[sflag:s12] =	ssyncadd.s32 $0xFFFFD800  }
0x460: {  	[hbm4b:s18+s15] =	stream.linear.scatter [tilespmem:s0], [sflag:$0x5], $0x2800, $0x38;
	[tilespmem:$0x19600] =	vst v63  }
0x461: {  	_ =	swait.ge [sflag:s12], $0x2800  }
0x462: {  	s20 =	sld [smem:$0x7FC]  }
0x463: {  	[sflag:s12] =	ssyncset.done $0x0  }
0x464: {  	[sflag:s12] =	ssyncadd.s32 $0xFFFFD800  }
0x465: {  	[tilespmem:s0], [sflag:$0x5] =	stream.linear.gather [spmem:s20], $0x2800, $0x38;
	[tilespmem:$0x19600] =	vst v63  }
0x466: {  	_ =	swait.ge [sflag:s12], $0x2800  }
0x467: {  	s21 =	sld [smem:$0x7DA]  }
0x468: {  	[sflag:s12] =	ssyncset.done $0x0  }
0x469: {  	[sflag:s12] =	ssyncadd.s32 $0xFFFFD800  }
0x46a: {  	[hbm4b:s21+s15] =	stream.linear.scatter [tilespmem:s0], [sflag:$0x5], $0x2800, $0x38;
	[tilespmem:$0x19600] =	vst v63  }
0x46b: {  	_ =	swait.ge [sflag:s12], $0x2800  }
0x46c: {  	[sflag:s12] =	ssyncset.done $0x0  }
0x46d: {  	s25 =	sadd.s32 $0x0, s31;
	[sflag:s12] =	ssyncadd.s32 $0xFFFFD800  }
0x46e: {  	[spmem:s25] =	stream.linear.scatter [tilespmem:s10], [sflag:$0x5], $0x400, $0x38;
	[tilespmem:$0x19600] =	vst v63  }
0x46f: {  	s15 =	simm.s32 $0x1000;
	_ =	swait.ge [sflag:s12], $0x400  }
.LBB2_24:
0x470: {  	s16 =	sshra.s32 s15, $0x2;
	[sflag:s12] =	ssyncset.done $0x0;
	p0 =	sne.s32 s15, $0x4F000  }
.Ltmp11:
0x471: {  	s16 =	sadd.s32 s16, s31;
	[sflag:s12] =	ssyncadd.s32 $0xFFFFFC00;
	(pc) =	sbr.rel @p0 .LBB2_24-.Ltmp11, $3  }
0x472: {  	[spmem:s16] =	stream.linear.scatter [tilespmem:s10], [sflag:$0x5], $0x400, $0x38;
	[tilespmem:$0x19600] =	vst v63  }
0x473: {  	s15 =	sadd.s32 $0x1000, s15;
	_ =	sdelay $0x1  }
0x474: {  	_ =	swait.ge [sflag:s12], $0x400  }
0x475: {  	[sflag:s12] =	ssyncset.done $0x0  }
0x476: {  	[sflag:s12] =	ssyncadd.s32 $0xFFFFFC00  }
0x477: {  	[bflag:$0x0] =	sbarrier.arrive $0xFFFF  }
0x478: {  	s16 =	sld [smem:$0x7E8];
	_ =	sdelay $0x1  }
0x479: {  	s15 =	simm.s32 $0x0;
	s20 =	sld [smem:$0x7EE]  }
0x47a: {  	[tilespmem:s19], [sflag:$0x1] =	stream.linear.gather [hbm4b:s16+s15], $0x50, $0x38;
	[tilespmem:$0x19600] =	vst v63  }
0x47b: {  	_ = 	snop  }
0x47c: {  	[tilespmem:s5], [sflag:$0x2] =	stream.linear.gather [hbm4b:s20+s15], $0x50, $0x38;
	[tilespmem:$0x19600] =	vst v63  }
0x47d: {  	_ =	swait.ge [sflag:s9], $0x50  }
0x47e: {  	[sflag:s9] =	ssyncset.done $0x0  }
0x47f: {  	[sflag:s9] =	ssyncadd.s32 $0xFFFFFFB0  }
0x480: {  	[spmem:s30] =	stream.indirect.scatter.add.f32 [tilespmem:s7], [sflag:$0x5], $0x80, s19, s24, $0xb8;
	[tilespmem:$0x19600] =	vst v63  }
0x481: {  	_ =	swait.ge [sflag:s12], $0x2800  }
0x482: {  	s21 =	sld [smem:$0x7C2]  }
0x483: {  	[sflag:s12] =	ssyncset.done $0x0  }
0x484: {  	[sflag:s12] =	ssyncadd.s32 $0xFFFFD800  }
0x485: {  	[tilespmem:s19], [sflag:$0x1] =	stream.linear.gather [hbm4b:s21+s1], $0x50, $0x38;
	[tilespmem:$0x19600] =	vst v63  }
0x486: {  	_ =	swait.ge [sflag:s11], $0x50  }
0x487: {  	[sflag:s11] =	ssyncset.done $0x0  }
0x488: {  	[sflag:s11] =	ssyncadd.s32 $0xFFFFFFB0  }
0x489: {  	[spmem:s30] =	stream.indirect.scatter.add.f32 [tilespmem:s7], [sflag:$0x5], $0x80, s5, s24, $0xb8;
	[tilespmem:$0x19600] =	vst v63  }
0x48a: {  	_ =	swait.ge [sflag:s12], $0x2800  }
0x48b: {  	s25 =	sld [smem:$0x7FD]  }
0x48c: {  	[sflag:s12] =	ssyncset.done $0x0  }
0x48d: {  	s15 =	simm.s32 $0x14;
	[sflag:s12] =	ssyncadd.s32 $0xFFFFD800  }
0x48e: {  	s21 =	sadd.s32 $0x0, s6;
	s18 =	sadd.s32 $0xA0, s25;
	s25 =	rddreg [dreg:$0x5]  }
.LBB2_26:
0x48f: {  	[tilespmem:s5], [sflag:$0x2] =	stream.linear.gather [hbm4b:s21+s1], $0x50, $0x38;
	[tilespmem:$0x19600] =	vst v63  }
0x490: {  	s16 =	smov.u32 s15  }
0x491: {  	p0 =	sne.s32 s15, $0x4B0;
	s15 =	sadd.s32 $0x14, s15;
	_ =	swait.ge [sflag:s9], $0x50  }
0x492: {  	[sflag:s9] =	ssyncset.done $0x0  }
0x493: {  	[sflag:s9] =	ssyncadd.s32 $0xFFFFFFB0  }
0x494: {  	[spmem:s30] =	stream.indirect.scatter.add.f32 [tilespmem:s7], [sflag:$0x5], $0x80, s19, s24, $0xb8;
	[tilespmem:$0x19600] =	vst v63  }
0x495: {  	_ =	swait.ge [sflag:s12], $0x2800  }
0x496: {  	s20 =	sshrl.u32 s18, $0x3;
	[sflag:s12] =	ssyncset.done $0x0  }
0x497: {  	s20 =	sadd.s32 s25, s20;
	[sflag:s12] =	ssyncadd.s32 $0xFFFFD800  }
0x498: {  	[tilespmem:s19], [sflag:$0x1] =	stream.linear.gather [hbm4b:s20+s1], $0x50, $0x38;
	[tilespmem:$0x19600] =	vst v63  }
0x499: {  	_ =	swait.ge [sflag:s11], $0x50  }
0x49a: {  	[sflag:s11] =	ssyncset.done $0x0  }
.Ltmp12:
0x49b: {  	[sflag:s11] =	ssyncadd.s32 $0xFFFFFFB0;
	(pc) =	sbr.rel @p0 .LBB2_26-.Ltmp12, $4  }
0x49c: {  	[spmem:s30] =	stream.indirect.scatter.add.f32 [tilespmem:s7], [sflag:$0x5], $0x80, s5, s24, $0xb8;
	[tilespmem:$0x19600] =	vst v63  }
0x49d: {  	_ =	swait.ge [sflag:s12], $0x2800  }
0x49e: {  	[sflag:s12] =	ssyncset.done $0x0  }
0x49f: {  	s18 =	sadd.s32 $0xA0, s18;
	s21 =	sadd.s32 s16, s6;
	[sflag:s12] =	ssyncadd.s32 $0xFFFFD800  }
0x4a0: {  	[tilespmem:s5], [sflag:$0x2] =	stream.linear.gather [hbm4b:s21+s1], $0x50, $0x38;
	[tilespmem:$0x19600] =	vst v63  }
0x4a1: {  	_ =	swait.ge [sflag:s9], $0x50  }
0x4a2: {  	[sflag:s9] =	ssyncset.done $0x0  }
0x4a3: {  	[sflag:s9] =	ssyncadd.s32 $0xFFFFFFB0  }
0x4a4: {  	[spmem:s30] =	stream.indirect.scatter.add.f32 [tilespmem:s7], [sflag:$0x5], $0x80, s19, s24, $0xb8;
	[tilespmem:$0x19600] =	vst v63  }
0x4a5: {  	_ =	swait.ge [sflag:s12], $0x2800  }
0x4a6: {  	[sflag:s12] =	ssyncset.done $0x0  }
0x4a7: {  	[sflag:s12] =	ssyncadd.s32 $0xFFFFD800  }
0x4a8: {  	_ =	swait.ge [sflag:s11], $0x50  }
0x4a9: {  	[sflag:s11] =	ssyncset.done $0x0  }
0x4aa: {  	[sflag:s11] =	ssyncadd.s32 $0xFFFFFFB0  }
0x4ab: {  	[spmem:s30] =	stream.indirect.scatter.add.f32 [tilespmem:s7], [sflag:$0x5], $0x80, s5, s24, $0xb8;
	[tilespmem:$0x19600] =	vst v63  }
0x4ac: {  	_ =	swait.ge [sflag:s12], $0x2800  }
0x4ad: {  	s15 =	sld [smem:$0x7F4]  }
0x4ae: {  	[sflag:s12] =	ssyncset.done $0x0  }
0x4af: {  	[sflag:s12] =	ssyncadd.s32 $0xFFFFD800  }
0x4b0: {  	[tilespmem:s19], [sflag:$0x5] =	stream.linear.gather [hbm4b:s15+s1], $0x50, $0x38;
	[tilespmem:$0x19600] =	vst v63  }
0x4b1: {  	_ =	swait.ge [sflag:s12], $0x50  }
0x4b2: {  	[sflag:s12] =	ssyncset.done $0x0  }
0x4b3: {  	[sflag:s12] =	ssyncadd.s32 $0xFFFFFFB0  }
0x4b4: {  	[spmem:s30] =	stream.indirect.scatter.add.f32 [tilespmem:s7], [sflag:$0x5], $0x80, s19, s24, $0xb8;
	[tilespmem:$0x19600] =	vst v63  }
0x4b5: {  	_ =	swait.ge [sflag:s12], $0x2800  }
0x4b6: {  	[sflag:s12] =	ssyncset.done $0x0  }
0x4b7: {  	[sflag:s12] =	ssyncadd.s32 $0xFFFFD800  }
0x4b8: {  	[bflag:$0x0] =	sbarrier.arrive $0xFFFF  }
0x4b9: {  	[tilespmem:s0], [sflag:$0x5] =	stream.linear.gather [spmem:s31], $0x2800, $0x38;
	[tilespmem:$0x19600] =	vst v63  }
0x4ba: {  	_ =	swait.ge [sflag:s12], $0x2800  }
0x4bb: {  	s25 =	sld [smem:$0x7DB]  }
0x4bc: {  	[sflag:s12] =	ssyncset.done $0x0  }
0x4bd: {  	[sflag:s12] =	ssyncadd.s32 $0xFFFFD800  }
0x4be: {  	[hbm4b:s25+s1] =	stream.linear.scatter [tilespmem:s0], [sflag:$0x5], $0x2800, $0x38;
	[tilespmem:$0x19600] =	vst v63  }
0x4bf: {  	_ =	swait.ge [sflag:s12], $0x2800  }
0x4c0: {  	s16 =	sld [smem:$0x7F6]  }
0x4c1: {  	[sflag:s12] =	ssyncset.done $0x0  }
0x4c2: {  	[sflag:s12] =	ssyncadd.s32 $0xFFFFD800  }
0x4c3: {  	[tilespmem:s0], [sflag:$0x5] =	stream.linear.gather [spmem:s16], $0x2800, $0x38;
	[tilespmem:$0x19600] =	vst v63  }
0x4c4: {  	_ =	swait.ge [sflag:s12], $0x2800  }
0x4c5: {  	s18 =	sld [smem:$0x7DC]  }
0x4c6: {  	[sflag:s12] =	ssyncset.done $0x0  }
0x4c7: {  	[sflag:s12] =	ssyncadd.s32 $0xFFFFD800  }
0x4c8: {  	[hbm4b:s18+s1] =	stream.linear.scatter [tilespmem:s0], [sflag:$0x5], $0x2800, $0x38;
	[tilespmem:$0x19600] =	vst v63  }
0x4c9: {  	_ =	swait.ge [sflag:s12], $0x2800  }
0x4ca: {  	s20 =	sld [smem:$0x7F7]  }
0x4cb: {  	[sflag:s12] =	ssyncset.done $0x0  }
0x4cc: {  	[sflag:s12] =	ssyncadd.s32 $0xFFFFD800  }
0x4cd: {  	[tilespmem:s0], [sflag:$0x5] =	stream.linear.gather [spmem:s20], $0x2800, $0x38;
	[tilespmem:$0x19600] =	vst v63  }
0x4ce: {  	_ =	swait.ge [sflag:s12], $0x2800  }
0x4cf: {  	s21 =	sld [smem:$0x7DD]  }
0x4d0: {  	[sflag:s12] =	ssyncset.done $0x0  }
0x4d1: {  	[sflag:s12] =	ssyncadd.s32 $0xFFFFD800  }
0x4d2: {  	[hbm4b:s21+s1] =	stream.linear.scatter [tilespmem:s0], [sflag:$0x5], $0x2800, $0x38;
	[tilespmem:$0x19600] =	vst v63  }
0x4d3: {  	_ =	swait.ge [sflag:s12], $0x2800  }
0x4d4: {  	s25 =	sld [smem:$0x7F8]  }
0x4d5: {  	[sflag:s12] =	ssyncset.done $0x0  }
0x4d6: {  	[sflag:s12] =	ssyncadd.s32 $0xFFFFD800  }
0x4d7: {  	[tilespmem:s0], [sflag:$0x5] =	stream.linear.gather [spmem:s25], $0x2800, $0x38;
	[tilespmem:$0x19600] =	vst v63  }
0x4d8: {  	_ =	swait.ge [sflag:s12], $0x2800  }
0x4d9: {  	s16 =	sld [smem:$0x7DE]  }
0x4da: {  	[sflag:s12] =	ssyncset.done $0x0  }
0x4db: {  	[sflag:s12] =	ssyncadd.s32 $0xFFFFD800  }
0x4dc: {  	[hbm4b:s16+s1] =	stream.linear.scatter [tilespmem:s0], [sflag:$0x5], $0x2800, $0x38;
	[tilespmem:$0x19600] =	vst v63  }
0x4dd: {  	_ =	swait.ge [sflag:s12], $0x2800  }
0x4de: {  	s18 =	sld [smem:$0x7F9]  }
0x4df: {  	[sflag:s12] =	ssyncset.done $0x0  }
0x4e0: {  	[sflag:s12] =	ssyncadd.s32 $0xFFFFD800  }
0x4e1: {  	[tilespmem:s0], [sflag:$0x5] =	stream.linear.gather [spmem:s18], $0x2800, $0x38;
	[tilespmem:$0x19600] =	vst v63  }
0x4e2: {  	_ =	swait.ge [sflag:s12], $0x2800  }
0x4e3: {  	s20 =	sld [smem:$0x7DF]  }
0x4e4: {  	[sflag:s12] =	ssyncset.done $0x0  }
0x4e5: {  	[sflag:s12] =	ssyncadd.s32 $0xFFFFD800  }
0x4e6: {  	[hbm4b:s20+s1] =	stream.linear.scatter [tilespmem:s0], [sflag:$0x5], $0x2800, $0x38;
	[tilespmem:$0x19600] =	vst v63  }
0x4e7: {  	_ =	swait.ge [sflag:s12], $0x2800  }
0x4e8: {  	s21 =	sld [smem:$0x7FA]  }
0x4e9: {  	[sflag:s12] =	ssyncset.done $0x0  }
0x4ea: {  	[sflag:s12] =	ssyncadd.s32 $0xFFFFD800  }
0x4eb: {  	[tilespmem:s0], [sflag:$0x5] =	stream.linear.gather [spmem:s21], $0x2800, $0x38;
	[tilespmem:$0x19600] =	vst v63  }
0x4ec: {  	_ =	swait.ge [sflag:s12], $0x2800  }
0x4ed: {  	s25 =	sld [smem:$0x7E0]  }
0x4ee: {  	[sflag:s12] =	ssyncset.done $0x0  }
0x4ef: {  	[sflag:s12] =	ssyncadd.s32 $0xFFFFD800  }
0x4f0: {  	[hbm4b:s25+s1] =	stream.linear.scatter [tilespmem:s0], [sflag:$0x5], $0x2800, $0x38;
	[tilespmem:$0x19600] =	vst v63  }
0x4f1: {  	_ =	swait.ge [sflag:s12], $0x2800  }
0x4f2: {  	s16 =	sld [smem:$0x7FB]  }
0x4f3: {  	[sflag:s12] =	ssyncset.done $0x0  }
0x4f4: {  	[sflag:s12] =	ssyncadd.s32 $0xFFFFD800  }
0x4f5: {  	[tilespmem:s0], [sflag:$0x5] =	stream.linear.gather [spmem:s16], $0x2800, $0x38;
	[tilespmem:$0x19600] =	vst v63  }
0x4f6: {  	_ =	swait.ge [sflag:s12], $0x2800  }
0x4f7: {  	s18 =	sld [smem:$0x7E1]  }
0x4f8: {  	[sflag:s12] =	ssyncset.done $0x0  }
0x4f9: {  	[sflag:s12] =	ssyncadd.s32 $0xFFFFD800  }
0x4fa: {  	[hbm4b:s18+s1] =	stream.linear.scatter [tilespmem:s0], [sflag:$0x5], $0x2800, $0x38;
	[tilespmem:$0x19600] =	vst v63  }
0x4fb: {  	_ =	swait.ge [sflag:s12], $0x2800  }
0x4fc: {  	s20 =	sld [smem:$0x7FC]  }
0x4fd: {  	[sflag:s12] =	ssyncset.done $0x0  }
0x4fe: {  	[sflag:s12] =	ssyncadd.s32 $0xFFFFD800  }
0x4ff: {  	[tilespmem:s0], [sflag:$0x5] =	stream.linear.gather [spmem:s20], $0x2800, $0x38;
	[tilespmem:$0x19600] =	vst v63  }
0x500: {  	_ =	swait.ge [sflag:s12], $0x2800  }
0x501: {  	s21 =	sld [smem:$0x7E2]  }
0x502: {  	[sflag:s12] =	ssyncset.done $0x0  }
0x503: {  	[sflag:s12] =	ssyncadd.s32 $0xFFFFD800  }
0x504: {  	[hbm4b:s21+s1] =	stream.linear.scatter [tilespmem:s0], [sflag:$0x5], $0x2800, $0x38;
	[tilespmem:$0x19600] =	vst v63  }
0x505: {  	_ =	swait.ge [sflag:s12], $0x2800  }
0x506: {  	s18 =	sld [smem:$0x7C6]  }
0x507: {  	s25 =	sld [smem:$0x7F5];
	_ =	sdelay $0x1  }
0x508: {  	s18 =	sadd.s32 $0x1, s18  }
0x509: {  	p0 =	sne.s32 s18, s25  }
.Ltmp13:
0x50a: {  	_ = 	snop;
	(pc) =	sbr.rel @p0 .LBB2_1-.Ltmp13, $4  }
0x50b: {  	_ = 	snop  }
0x50c: {  	[sflag:s12] =	ssyncset.done $0x0  }
0x50d: {  	[sflag:s12] =	ssyncadd.s32 $0xFFFFD800  }
0x50e: {  	s16 =	rddreg [dreg:$0x0]  }
0x50f: {  	_ =	sfence.sel $0x180000  }
0x510: {  	[bflag:$0x0] =	sbarrier.arrive $0xFFFF  }
0x511: {  	_ =	strace $0x90000047  }
0x512: {  	s0 =	stileid.u32;
	[bflag:$0x2] =	sbarrier.arrive $0xFFFF  }
0x513: {  	p0 =	sne.s32 s0, $0x0;
	s0 =	rddreg [dreg:$0xb]  }
0x514: {  	s0 =	sadd.s32 @!p0 $0x100000, s0  }
0x515: {  	[sflag:s0] =	ssyncadd.tile.s32 @!p0 $0x1;
	_ =	shalt  }
.Lfunc_end2:
_tile_overlayer_lowered:
.L_overlay_start_2:
0x516: {  	(tag) =	ssettag $0x2  }
0x517: {  	s0 =	rddreg [dreg:$0x0];
	s2 =	stileid.u32  }
0x518: {  	s1 =	rddreg [dreg:$0x1];
	p0 =	sne.s32 s2, $0x0  }
0x519: {  	s3 =	rddreg [dreg:$0x2];
	[bflag:$0x3] =	sbarrier.arrive $0xFFFF;
	s2 =	simm.s32 @!p0 $0x1C05  }
0x51a: {  	[timem:s3], [sflag:s2] =	dma.local @!p0 [hbm:s0], s1  }
0x51b: {  	s0 =	simm.s32 @!p0 $0x5  }
0x51c: {  	_ =	swait.ge @!p0 [sflag:s0], s1  }
0x51d: {  	s1 =	ssub.s32 @!p0 $0x0, s1;
	[sflag:s0] =	ssyncset.done @!p0 $0x0  }
0x51e: {  	[sflag:s0] =	ssyncadd.s32 @!p0 s1  }
0x51f: {  	[bflag:$0x3] =	sbarrier.arrive $0xFFFF  }
0x520: {  	_ =	shalt  }

</sc_bundles>
